<compile_context>
chip_gen: v7x
topology: tpu7x:2x2x1
jax: 0.10.2.dev20260603
libtpu: 0.0.44.dev20260713+nightly
codegen_flags: <defaults>
</compile_context>

<pallas_src>
import functools

import jax
import jax.numpy as jnp
from jax import lax
from jax.experimental import pallas as pl
from jax.experimental.pallas import tpu as pltpu
from jax.experimental.pallas import tpu_sc as plsc

_NC = 2
_NS = 16
_NW = _NC * _NS
_CH = 25


def _bmm_body(x_ref, w_ref, b_ref, o_ref):
    blk, d = x_ref.shape
    sb = 8
    b = b_ref[...]
    j = lax.broadcasted_iota(jnp.int32, (sb, sb * d), 1) // d
    nrow = lax.broadcasted_iota(jnp.int32, (sb, sb * d), 0)
    diag = j == nrow
    for g in range(blk // sb):
        x = x_ref[pl.ds(g * sb, sb), :]
        w = w_ref[pl.ds(g * sb, sb), :, :].reshape(sb * d, d)
        xe = jnp.where(diag, jnp.tile(x, (1, sb)), 0.0)
        o_ref[pl.ds(g * sb, sb), :] = lax.dot_general(
            xe, w, (((1,), (0,)), ((), ())),
            preferred_element_type=jnp.float32) + b


def _node_transform(x, weight, bias):
    n, d = x.shape
    blk = 200
    return pl.pallas_call(
        _bmm_body,
        grid=(n // blk,),
        in_specs=[
            pl.BlockSpec((blk, d), lambda i: (i, 0)),
            pl.BlockSpec((blk, d, d), lambda i: (i, 0, 0)),
            pl.BlockSpec((1, d), lambda i: (0, 0)),
        ],
        out_specs=pl.BlockSpec((blk, d), lambda i: (i, 0)),
        out_shape=jax.ShapeDtypeStruct((n, d), jnp.float32),
    )(x, weight, bias.reshape(1, d))


def _make_agg(n, d, e):
    ch = _CH
    epw = e // _NW
    nch = epw // ch
    ni = 8
    ng = 8
    rps = (n // _NS) // 8 * 8
    rem = n - _NS * rps
    mesh = plsc.VectorSubcoreMesh(core_axis_name="c", subcore_axis_name="s")

    @functools.partial(
        pl.kernel,
        mesh=mesh,
        out_type=jax.ShapeDtypeStruct((_NC, n, d), jnp.float32),
        scratch_types=[
            pltpu.VMEM((ni, ch), jnp.int32),
            pltpu.VMEM((ni, ch), jnp.int32),
            pltpu.VMEM((ng, ch, d), jnp.float32),
            pltpu.VMEM_SHARED((n, d), jnp.float32),
        ]
        + [pltpu.SemaphoreType.DMA for _ in range(ni)]
        + [pltpu.SemaphoreType.DMA for _ in range(ng)],
    )
    def agg(out_hbm, row_hbm, col_hbm, parts_hbm, rowb, colb, rbuf, acc,
            *sems):
        isem = sems[:ni]
        gsem = sems[ni:]
        c = lax.axis_index("c")
        s = lax.axis_index("s")
        wid = c * _NS + s

        def load_idx(i, slot):
            pltpu.async_copy(row_hbm.at[wid, i], rowb.at[slot], isem[slot])
            pltpu.async_copy(col_hbm.at[wid, i], colb.at[slot], isem[slot])

        def wait_idx(slot):
            pltpu.make_async_copy(row_hbm.at[wid, 0], rowb.at[slot],
                                  isem[slot]).wait()
            pltpu.make_async_copy(col_hbm.at[wid, 0], colb.at[slot],
                                  isem[slot]).wait()

        def start_gather(islot, gslot):
            pltpu.async_copy(out_hbm.at[rowb.at[islot]], rbuf.at[gslot],
                             gsem[gslot])

        def wait_gather(gslot):
            pltpu.make_async_copy(out_hbm.at[rowb.at[0]], rbuf.at[gslot],
                                  gsem[gslot]).wait()

        for b in range(ni):
            load_idx(b, b)
        pltpu.sync_copy(out_hbm.at[pl.ds(s * rps, rps)],
                        acc.at[pl.ds(s * rps, rps)])
        if rem:
            @pl.when(s == 0)
            def _init_tail():
                pltpu.sync_copy(out_hbm.at[pl.ds(_NS * rps, rem)],
                                acc.at[pl.ds(_NS * rps, rem)])
        plsc.subcore_barrier()

        for b in range(ng):
            wait_idx(b)
            start_gather(b, b)

        def outer(t, carry):
            for b in range(ni):
                i = t * ni + b
                r2 = b % ng
                r4 = b
                wait_gather(r2)
                pltpu.sync_copy(rbuf.at[r2], acc.at[colb.at[r4]], add=True)

                @pl.when(i + ni < nch)
                def _next_idx():
                    load_idx(i + ni, r4)

                @pl.when(i + ng < nch)
                def _next_gather():
                    wait_idx((r4 + ng) % ni)
                    start_gather((r4 + ng) % ni, r2)
            return carry

        lax.fori_loop(0, nch // ni, outer, 0)
        plsc.subcore_barrier()
        pltpu.sync_copy(acc.at[pl.ds(s * rps, rps)],
                        parts_hbm.at[c, pl.ds(s * rps, rps)])
        if rem:
            @pl.when(s == 0)
            def _out_tail():
                pltpu.sync_copy(acc.at[pl.ds(_NS * rps, rem)],
                                parts_hbm.at[c, pl.ds(_NS * rps, rem)])

    return agg


def _combine_body(p_ref, o_ref, out_ref):
    out_ref[...] = p_ref[0] + p_ref[1] - o_ref[...]


def _combine(parts, out):
    n, d = out.shape
    blk = 2000
    return pl.pallas_call(
        _combine_body,
        grid=(n // blk,),
        in_specs=[
            pl.BlockSpec((2, blk, d), lambda i: (0, i, 0)),
            pl.BlockSpec((blk, d), lambda i: (i, 0)),
        ],
        out_specs=pl.BlockSpec((blk, d), lambda i: (i, 0)),
        out_shape=jax.ShapeDtypeStruct((n, d), jnp.float32),
    )(parts, out)


def kernel(x, edge_index, weight, bias):
    n, d = x.shape
    e = edge_index.shape[1]
    out = _node_transform(x, weight, bias)
    epw = e // _NW
    row = edge_index[0].astype(jnp.int32).reshape(_NW, epw // _CH, _CH)
    col = edge_index[1].astype(jnp.int32).reshape(_NW, epw // _CH, _CH)
    parts = _make_agg(n, d, e)(out, row, col)
    return _combine(parts, out)

# --- scband reference (transcript-rebuilt; emitter-appended) ---
"""Pipeline reference for scband-hyper-gnn-74139725463574 (READ-ONLY COPY).

The authoritative reference and input builder live on the scoring server;
editing this copy changes nothing except your own understanding.
"""

import jax, jax.numpy as jnp
import numpy as np

N_NODES = 10000
N_EDGES = 320000
D_FEAT = 128


def setup_inputs(seed: int = 0) -> dict:
    key = jax.random.key(seed)
    k_x, k_ei, k_w, k_b = jax.random.split(key, 4)
    x = jax.random.normal(k_x, (N_NODES, D_FEAT), dtype=jnp.float32)
    edge_index = jax.random.randint(k_ei, (2, N_EDGES), 0, N_NODES, dtype=jnp.int64) if jax.config.jax_enable_x64 else jax.random.randint(k_ei, (2, N_EDGES), 0, N_NODES, dtype=jnp.int32)
    # Hypernetwork-generated per-node GCN weights (single layer), scaled for stability
    weight = jax.random.normal(k_w, (N_NODES, D_FEAT, D_FEAT), dtype=jnp.float32) * (1.0 / np.sqrt(D_FEAT))
    bias = jax.random.normal(k_b, (D_FEAT,), dtype=jnp.float32)
    return {"x": x, "edge_index": edge_index, "weight": weight, "bias": bias}


def reference(x, edge_index, weight, bias):
    # DynamicGNN._gcn_layer with generated (per-node) weights:
    #   out = bmm(x.unsqueeze(1), weight).squeeze(1) + bias
    out = jnp.einsum("nd,ndo->no", x, weight) + bias
    row = edge_index[0]
    col = edge_index[1]
    # out_messages = out[row]; scatter_add into destination nodes (col)
    out_messages = jnp.take(out, row, axis=0)
    out_agg = jnp.zeros_like(out).at[col].add(out_messages)
    # residual self-connection
    out_agg = out_agg + out
    # Single layer (len(generated_weights) == 1): no trailing relu/dropout
    return out_agg


if False:  # reference __main__ guard neutralized (emitter)
    inp = setup_inputs()
    y = reference(**inp)
    print(y.shape, y.dtype)

if __name__ == "__main__":
    import jax
    _d = setup_inputs()
    print(jax.jit(kernel)(*tuple(_d.values())))

</pallas_src>

<mosaic_0001>
#map = affine_map<(d0, d1) -> (0, 0)>
#map1 = affine_map<(d0, d1) -> (0, 0, 0)>
module attributes {stable_mosaic.version = 14 : i64} {
  func.func @agg(%arg0: i32, %arg1: i32, %arg2: memref<10000x128xf32, #tpu.memory_space<hbm>>, %arg3: memref<32x400x25xi32, #tpu.memory_space<hbm>>, %arg4: memref<32x400x25xi32, #tpu.memory_space<hbm>>, %arg5: memref<2x10000x128xf32, #tpu.memory_space<hbm>>, %arg6: memref<8x25xi32, #tpu.memory_space<vmem>>, %arg7: memref<8x25xi32, #tpu.memory_space<vmem>>, %arg8: memref<8x25x128xf32, #tpu.memory_space<vmem>>, %arg9: memref<10000x128xf32, #tpu.memory_space<vmem_shared>>, %arg10: memref<!tpu.dma_semaphore, #tpu.memory_space<semaphore_mem>>, %arg11: memref<!tpu.dma_semaphore, #tpu.memory_space<semaphore_mem>>, %arg12: memref<!tpu.dma_semaphore, #tpu.memory_space<semaphore_mem>>, %arg13: memref<!tpu.dma_semaphore, #tpu.memory_space<semaphore_mem>>, %arg14: memref<!tpu.dma_semaphore, #tpu.memory_space<semaphore_mem>>, %arg15: memref<!tpu.dma_semaphore, #tpu.memory_space<semaphore_mem>>, %arg16: memref<!tpu.dma_semaphore, #tpu.memory_space<semaphore_mem>>, %arg17: memref<!tpu.dma_semaphore, #tpu.memory_space<semaphore_mem>>, %arg18: memref<!tpu.dma_semaphore, #tpu.memory_space<semaphore_mem>>, %arg19: memref<!tpu.dma_semaphore, #tpu.memory_space<semaphore_mem>>, %arg20: memref<!tpu.dma_semaphore, #tpu.memory_space<semaphore_mem>>, %arg21: memref<!tpu.dma_semaphore, #tpu.memory_space<semaphore_mem>>, %arg22: memref<!tpu.dma_semaphore, #tpu.memory_space<semaphore_mem>>, %arg23: memref<!tpu.dma_semaphore, #tpu.memory_space<semaphore_mem>>, %arg24: memref<!tpu.dma_semaphore, #tpu.memory_space<semaphore_mem>>, %arg25: memref<!tpu.dma_semaphore, #tpu.memory_space<semaphore_mem>>) attributes {dimension_semantics = [#tpu.dimension_semantics<core_parallel>, #tpu.dimension_semantics<subcore_parallel>], iteration_bounds = array<i64: 2, 16>, scalar_prefetch = 0 : i64, scratch_operands = 20 : i64, tpu.core_type = #tpu.core_type<sc_vector_subcore>, window_params = [{transform_indices = #map}, {transform_indices = #map1}, {transform_indices = #map1}, {transform_indices = #map1}]} {
    %mul3A = arith.constant 16 : i32
    %mul3A_0 = arith.muli %arg0, %mul3A : i32
    %add3A = arith.addi %mul3A_0, %arg1 : i32
    %dma_start3A = arith.constant 0 : i32
    %dma_start3A_1 = arith.constant 0 : i32
    %dma_start3A_2 = arith.constant 0 : i32
    %dma_start3A_3 = tpu.memref_slice %arg6[%dma_start3A_1, %dma_start3A_2] : memref<8x25xi32, #tpu.memory_space<vmem>> -> memref<1x25xi32, #tpu.memory_space<vmem>>
    %dma_start3A_4 = tpu.memref_squeeze %dma_start3A_3 : memref<1x25xi32, #tpu.memory_space<vmem>> -> memref<25xi32, #tpu.memory_space<vmem>>
    %dma_start3A_5 = arith.constant 0 : i32
    %dma_start3A_6 = tpu.memref_slice %arg3[%add3A, %dma_start3A, %dma_start3A_5] : memref<32x400x25xi32, #tpu.memory_space<hbm>> -> memref<1x1x25xi32, #tpu.memory_space<hbm>>
    %dma_start3A_7 = tpu.memref_squeeze %dma_start3A_6 : memref<1x1x25xi32, #tpu.memory_space<hbm>> -> memref<25xi32, #tpu.memory_space<hbm>>
    %dma_start3A_8 = arith.constant 0 : i32
    %dma_start3A_9 = tpu.memref_slice %arg6[%dma_start3A_1, %dma_start3A_8] : memref<8x25xi32, #tpu.memory_space<vmem>> -> memref<1x25xi32, #tpu.memory_space<vmem>>
    %dma_start3A_10 = tpu.memref_squeeze %dma_start3A_9 : memref<1x25xi32, #tpu.memory_space<vmem>> -> memref<25xi32, #tpu.memory_space<vmem>>
    %dma_start3A_11 = arith.constant 0 : i32
    %dma_start3A_12 = tpu.memref_slice %arg3[%add3A, %dma_start3A, %dma_start3A_11] : memref<32x400x25xi32, #tpu.memory_space<hbm>> -> memref<1x1x25xi32, #tpu.memory_space<hbm>>
    %dma_start3A_13 = tpu.memref_squeeze %dma_start3A_12 : memref<1x1x25xi32, #tpu.memory_space<hbm>> -> memref<25xi32, #tpu.memory_space<hbm>>
    tpu.enqueue_dma source(%dma_start3A_13 : memref<25xi32, #tpu.memory_space<hbm>>) target(%dma_start3A_10 : memref<25xi32, #tpu.memory_space<vmem>>) target_semaphore(%arg10 : memref<!tpu.dma_semaphore, #tpu.memory_space<semaphore_mem>>)
    %dma_start3A_14 = arith.constant 0 : i32
    %dma_start3A_15 = arith.constant 0 : i32
    %dma_start3A_16 = arith.constant 0 : i32
    %dma_start3A_17 = tpu.memref_slice %arg7[%dma_start3A_15, %dma_start3A_16] : memref<8x25xi32, #tpu.memory_space<vmem>> -> memref<1x25xi32, #tpu.memory_space<vmem>>
    %dma_start3A_18 = tpu.memref_squeeze %dma_start3A_17 : memref<1x25xi32, #tpu.memory_space<vmem>> -> memref<25xi32, #tpu.memory_space<vmem>>
    %dma_start3A_19 = arith.constant 0 : i32
    %dma_start3A_20 = tpu.memref_slice %arg4[%add3A, %dma_start3A_14, %dma_start3A_19] : memref<32x400x25xi32, #tpu.memory_space<hbm>> -> memref<1x1x25xi32, #tpu.memory_space<hbm>>
    %dma_start3A_21 = tpu.memref_squeeze %dma_start3A_20 : memref<1x1x25xi32, #tpu.memory_space<hbm>> -> memref<25xi32, #tpu.memory_space<hbm>>
    %dma_start3A_22 = arith.constant 0 : i32
    %dma_start3A_23 = tpu.memref_slice %arg7[%dma_start3A_15, %dma_start3A_22] : memref<8x25xi32, #tpu.memory_space<vmem>> -> memref<1x25xi32, #tpu.memory_space<vmem>>
    %dma_start3A_24 = tpu.memref_squeeze %dma_start3A_23 : memref<1x25xi32, #tpu.memory_space<vmem>> -> memref<25xi32, #tpu.memory_space<vmem>>
    %dma_start3A_25 = arith.constant 0 : i32
    %dma_start3A_26 = tpu.memref_slice %arg4[%add3A, %dma_start3A_14, %dma_start3A_25] : memref<32x400x25xi32, #tpu.memory_space<hbm>> -> memref<1x1x25xi32, #tpu.memory_space<hbm>>
    %dma_start3A_27 = tpu.memref_squeeze %dma_start3A_26 : memref<1x1x25xi32, #tpu.memory_space<hbm>> -> memref<25xi32, #tpu.memory_space<hbm>>
    tpu.enqueue_dma source(%dma_start3A_27 : memref<25xi32, #tpu.memory_space<hbm>>) target(%dma_start3A_24 : memref<25xi32, #tpu.memory_space<vmem>>) target_semaphore(%arg10 : memref<!tpu.dma_semaphore, #tpu.memory_space<semaphore_mem>>)
    %dma_start3A_28 = arith.constant 1 : i32
    %dma_start3A_29 = arith.constant 1 : i32
    %dma_start3A_30 = arith.constant 0 : i32
    %dma_start3A_31 = tpu.memref_slice %arg6[%dma_start3A_29, %dma_start3A_30] : memref<8x25xi32, #tpu.memory_space<vmem>> -> memref<1x25xi32, #tpu.memory_space<vmem>>
    %dma_start3A_32 = tpu.memref_squeeze %dma_start3A_31 : memref<1x25xi32, #tpu.memory_space<vmem>> -> memref<25xi32, #tpu.memory_space<vmem>>
    %dma_start3A_33 = arith.constant 0 : i32
    %dma_start3A_34 = tpu.memref_slice %arg3[%add3A, %dma_start3A_28, %dma_start3A_33] : memref<32x400x25xi32, #tpu.memory_space<hbm>> -> memref<1x1x25xi32, #tpu.memory_space<hbm>>
    %dma_start3A_35 = tpu.memref_squeeze %dma_start3A_34 : memref<1x1x25xi32, #tpu.memory_space<hbm>> -> memref<25xi32, #tpu.memory_space<hbm>>
    %dma_start3A_36 = arith.constant 0 : i32
    %dma_start3A_37 = tpu.memref_slice %arg6[%dma_start3A_29, %dma_start3A_36] : memref<8x25xi32, #tpu.memory_space<vmem>> -> memref<1x25xi32, #tpu.memory_space<vmem>>
    %dma_start3A_38 = tpu.memref_squeeze %dma_start3A_37 : memref<1x25xi32, #tpu.memory_space<vmem>> -> memref<25xi32, #tpu.memory_space<vmem>>
    %dma_start3A_39 = arith.constant 0 : i32
    %dma_start3A_40 = tpu.memref_slice %arg3[%add3A, %dma_start3A_28, %dma_start3A_39] : memref<32x400x25xi32, #tpu.memory_space<hbm>> -> memref<1x1x25xi32, #tpu.memory_space<hbm>>
    %dma_start3A_41 = tpu.memref_squeeze %dma_start3A_40 : memref<1x1x25xi32, #tpu.memory_space<hbm>> -> memref<25xi32, #tpu.memory_space<hbm>>
    tpu.enqueue_dma source(%dma_start3A_41 : memref<25xi32, #tpu.memory_space<hbm>>) target(%dma_start3A_38 : memref<25xi32, #tpu.memory_space<vmem>>) target_semaphore(%arg11 : memref<!tpu.dma_semaphore, #tpu.memory_space<semaphore_mem>>)
    %dma_start3A_42 = arith.constant 1 : i32
    %dma_start3A_43 = arith.constant 1 : i32
    %dma_start3A_44 = arith.constant 0 : i32
    %dma_start3A_45 = tpu.memref_slice %arg7[%dma_start3A_43, %dma_start3A_44] : memref<8x25xi32, #tpu.memory_space<vmem>> -> memref<1x25xi32, #tpu.memory_space<vmem>>
    %dma_start3A_46 = tpu.memref_squeeze %dma_start3A_45 : memref<1x25xi32, #tpu.memory_space<vmem>> -> memref<25xi32, #tpu.memory_space<vmem>>
    %dma_start3A_47 = arith.constant 0 : i32
    %dma_start3A_48 = tpu.memref_slice %arg4[%add3A, %dma_start3A_42, %dma_start3A_47] : memref<32x400x25xi32, #tpu.memory_space<hbm>> -> memref<1x1x25xi32, #tpu.memory_space<hbm>>
    %dma_start3A_49 = tpu.memref_squeeze %dma_start3A_48 : memref<1x1x25xi32, #tpu.memory_space<hbm>> -> memref<25xi32, #tpu.memory_space<hbm>>
    %dma_start3A_50 = arith.constant 0 : i32
    %dma_start3A_51 = tpu.memref_slice %arg7[%dma_start3A_43, %dma_start3A_50] : memref<8x25xi32, #tpu.memory_space<vmem>> -> memref<1x25xi32, #tpu.memory_space<vmem>>
    %dma_start3A_52 = tpu.memref_squeeze %dma_start3A_51 : memref<1x25xi32, #tpu.memory_space<vmem>> -> memref<25xi32, #tpu.memory_space<vmem>>
    %dma_start3A_53 = arith.constant 0 : i32
    %dma_start3A_54 = tpu.memref_slice %arg4[%add3A, %dma_start3A_42, %dma_start3A_53] : memref<32x400x25xi32, #tpu.memory_space<hbm>> -> memref<1x1x25xi32, #tpu.memory_space<hbm>>
    %dma_start3A_55 = tpu.memref_squeeze %dma_start3A_54 : memref<1x1x25xi32, #tpu.memory_space<hbm>> -> memref<25xi32, #tpu.memory_space<hbm>>
    tpu.enqueue_dma source(%dma_start3A_55 : memref<25xi32, #tpu.memory_space<hbm>>) target(%dma_start3A_52 : memref<25xi32, #tpu.memory_space<vmem>>) target_semaphore(%arg11 : memref<!tpu.dma_semaphore, #tpu.memory_space<semaphore_mem>>)
    %dma_start3A_56 = arith.constant 2 : i32
    %dma_start3A_57 = arith.constant 2 : i32
    %dma_start3A_58 = arith.constant 0 : i32
    %dma_start3A_59 = tpu.memref_slice %arg6[%dma_start3A_57, %dma_start3A_58] : memref<8x25xi32, #tpu.memory_space<vmem>> -> memref<1x25xi32, #tpu.memory_space<vmem>>
    %dma_start3A_60 = tpu.memref_squeeze %dma_start3A_59 : memref<1x25xi32, #tpu.memory_space<vmem>> -> memref<25xi32, #tpu.memory_space<vmem>>
    %dma_start3A_61 = arith.constant 0 : i32
    %dma_start3A_62 = tpu.memref_slice %arg3[%add3A, %dma_start3A_56, %dma_start3A_61] : memref<32x400x25xi32, #tpu.memory_space<hbm>> -> memref<1x1x25xi32, #tpu.memory_space<hbm>>
    %dma_start3A_63 = tpu.memref_squeeze %dma_start3A_62 : memref<1x1x25xi32, #tpu.memory_space<hbm>> -> memref<25xi32, #tpu.memory_space<hbm>>
    %dma_start3A_64 = arith.constant 0 : i32
    %dma_start3A_65 = tpu.memref_slice %arg6[%dma_start3A_57, %dma_start3A_64] : memref<8x25xi32, #tpu.memory_space<vmem>> -> memref<1x25xi32, #tpu.memory_space<vmem>>
    %dma_start3A_66 = tpu.memref_squeeze %dma_start3A_65 : memref<1x25xi32, #tpu.memory_space<vmem>> -> memref<25xi32, #tpu.memory_space<vmem>>
    %dma_start3A_67 = arith.constant 0 : i32
    %dma_start3A_68 = tpu.memref_slice %arg3[%add3A, %dma_start3A_56, %dma_start3A_67] : memref<32x400x25xi32, #tpu.memory_space<hbm>> -> memref<1x1x25xi32, #tpu.memory_space<hbm>>
    %dma_start3A_69 = tpu.memref_squeeze %dma_start3A_68 : memref<1x1x25xi32, #tpu.memory_space<hbm>> -> memref<25xi32, #tpu.memory_space<hbm>>
    tpu.enqueue_dma source(%dma_start3A_69 : memref<25xi32, #tpu.memory_space<hbm>>) target(%dma_start3A_66 : memref<25xi32, #tpu.memory_space<vmem>>) target_semaphore(%arg12 : memref<!tpu.dma_semaphore, #tpu.memory_space<semaphore_mem>>)
    %dma_start3A_70 = arith.constant 2 : i32
    %dma_start3A_71 = arith.constant 2 : i32
    %dma_start3A_72 = arith.constant 0 : i32
    %dma_start3A_73 = tpu.memref_slice %arg7[%dma_start3A_71, %dma_start3A_72] : memref<8x25xi32, #tpu.memory_space<vmem>> -> memref<1x25xi32, #tpu.memory_space<vmem>>
    %dma_start3A_74 = tpu.memref_squeeze %dma_start3A_73 : memref<1x25xi32, #tpu.memory_space<vmem>> -> memref<25xi32, #tpu.memory_space<vmem>>
    %dma_start3A_75 = arith.constant 0 : i32
    %dma_start3A_76 = tpu.memref_slice %arg4[%add3A, %dma_start3A_70, %dma_start3A_75] : memref<32x400x25xi32, #tpu.memory_space<hbm>> -> memref<1x1x25xi32, #tpu.memory_space<hbm>>
    %dma_start3A_77 = tpu.memref_squeeze %dma_start3A_76 : memref<1x1x25xi32, #tpu.memory_space<hbm>> -> memref<25xi32, #tpu.memory_space<hbm>>
    %dma_start3A_78 = arith.constant 0 : i32
    %dma_start3A_79 = tpu.memref_slice %arg7[%dma_start3A_71, %dma_start3A_78] : memref<8x25xi32, #tpu.memory_space<vmem>> -> memref<1x25xi32, #tpu.memory_space<vmem>>
    %dma_start3A_80 = tpu.memref_squeeze %dma_start3A_79 : memref<1x25xi32, #tpu.memory_space<vmem>> -> memref<25xi32, #tpu.memory_space<vmem>>
    %dma_start3A_81 = arith.constant 0 : i32
    %dma_start3A_82 = tpu.memref_slice %arg4[%add3A, %dma_start3A_70, %dma_start3A_81] : memref<32x400x25xi32, #tpu.memory_space<hbm>> -> memref<1x1x25xi32, #tpu.memory_space<hbm>>
    %dma_start3A_83 = tpu.memref_squeeze %dma_start3A_82 : memref<1x1x25xi32, #tpu.memory_space<hbm>> -> memref<25xi32, #tpu.memory_space<hbm>>
    tpu.enqueue_dma source(%dma_start3A_83 : memref<25xi32, #tpu.memory_space<hbm>>) target(%dma_start3A_80 : memref<25xi32, #tpu.memory_space<vmem>>) target_semaphore(%arg12 : memref<!tpu.dma_semaphore, #tpu.memory_space<semaphore_mem>>)
    %dma_start3A_84 = arith.constant 3 : i32
    %dma_start3A_85 = arith.constant 3 : i32
    %dma_start3A_86 = arith.constant 0 : i32
    %dma_start3A_87 = tpu.memref_slice %arg6[%dma_start3A_85, %dma_start3A_86] : memref<8x25xi32, #tpu.memory_space<vmem>> -> memref<1x25xi32, #tpu.memory_space<vmem>>
    %dma_start3A_88 = tpu.memref_squeeze %dma_start3A_87 : memref<1x25xi32, #tpu.memory_space<vmem>> -> memref<25xi32, #tpu.memory_space<vmem>>
    %dma_start3A_89 = arith.constant 0 : i32
    %dma_start3A_90 = tpu.memref_slice %arg3[%add3A, %dma_start3A_84, %dma_start3A_89] : memref<32x400x25xi32, #tpu.memory_space<hbm>> -> memref<1x1x25xi32, #tpu.memory_space<hbm>>
    %dma_start3A_91 = tpu.memref_squeeze %dma_start3A_90 : memref<1x1x25xi32, #tpu.memory_space<hbm>> -> memref<25xi32, #tpu.memory_space<hbm>>
    %dma_start3A_92 = arith.constant 0 : i32
    %dma_start3A_93 = tpu.memref_slice %arg6[%dma_start3A_85, %dma_start3A_92] : memref<8x25xi32, #tpu.memory_space<vmem>> -> memref<1x25xi32, #tpu.memory_space<vmem>>
    %dma_start3A_94 = tpu.memref_squeeze %dma_start3A_93 : memref<1x25xi32, #tpu.memory_space<vmem>> -> memref<25xi32, #tpu.memory_space<vmem>>
    %dma_start3A_95 = arith.constant 0 : i32
    %dma_start3A_96 = tpu.memref_slice %arg3[%add3A, %dma_start3A_84, %dma_start3A_95] : memref<32x400x25xi32, #tpu.memory_space<hbm>> -> memref<1x1x25xi32, #tpu.memory_space<hbm>>
    %dma_start3A_97 = tpu.memref_squeeze %dma_start3A_96 : memref<1x1x25xi32, #tpu.memory_space<hbm>> -> memref<25xi32, #tpu.memory_space<hbm>>
    tpu.enqueue_dma source(%dma_start3A_97 : memref<25xi32, #tpu.memory_space<hbm>>) target(%dma_start3A_94 : memref<25xi32, #tpu.memory_space<vmem>>) target_semaphore(%arg13 : memref<!tpu.dma_semaphore, #tpu.memory_space<semaphore_mem>>)
    %dma_start3A_98 = arith.constant 3 : i32
    %dma_start3A_99 = arith.constant 3 : i32
    %dma_start3A_100 = arith.constant 0 : i32
    %dma_start3A_101 = tpu.memref_slice %arg7[%dma_start3A_99, %dma_start3A_100] : memref<8x25xi32, #tpu.memory_space<vmem>> -> memref<1x25xi32, #tpu.memory_space<vmem>>
    %dma_start3A_102 = tpu.memref_squeeze %dma_start3A_101 : memref<1x25xi32, #tpu.memory_space<vmem>> -> memref<25xi32, #tpu.memory_space<vmem>>
    %dma_start3A_103 = arith.constant 0 : i32
    %dma_start3A_104 = tpu.memref_slice %arg4[%add3A, %dma_start3A_98, %dma_start3A_103] : memref<32x400x25xi32, #tpu.memory_space<hbm>> -> memref<1x1x25xi32, #tpu.memory_space<hbm>>
    %dma_start3A_105 = tpu.memref_squeeze %dma_start3A_104 : memref<1x1x25xi32, #tpu.memory_space<hbm>> -> memref<25xi32, #tpu.memory_space<hbm>>
    %dma_start3A_106 = arith.constant 0 : i32
    %dma_start3A_107 = tpu.memref_slice %arg7[%dma_start3A_99, %dma_start3A_106] : memref<8x25xi32, #tpu.memory_space<vmem>> -> memref<1x25xi32, #tpu.memory_space<vmem>>
    %dma_start3A_108 = tpu.memref_squeeze %dma_start3A_107 : memref<1x25xi32, #tpu.memory_space<vmem>> -> memref<25xi32, #tpu.memory_space<vmem>>
    %dma_start3A_109 = arith.constant 0 : i32
    %dma_start3A_110 = tpu.memref_slice %arg4[%add3A, %dma_start3A_98, %dma_start3A_109] : memref<32x400x25xi32, #tpu.memory_space<hbm>> -> memref<1x1x25xi32, #tpu.memory_space<hbm>>
    %dma_start3A_111 = tpu.memref_squeeze %dma_start3A_110 : memref<1x1x25xi32, #tpu.memory_space<hbm>> -> memref<25xi32, #tpu.memory_space<hbm>>
    tpu.enqueue_dma source(%dma_start3A_111 : memref<25xi32, #tpu.memory_space<hbm>>) target(%dma_start3A_108 : memref<25xi32, #tpu.memory_space<vmem>>) target_semaphore(%arg13 : memref<!tpu.dma_semaphore, #tpu.memory_space<semaphore_mem>>)
    %dma_start3A_112 = arith.constant 4 : i32
    %dma_start3A_113 = arith.constant 4 : i32
    %dma_start3A_114 = arith.constant 0 : i32
    %dma_start3A_115 = tpu.memref_slice %arg6[%dma_start3A_113, %dma_start3A_114] : memref<8x25xi32, #tpu.memory_space<vmem>> -> memref<1x25xi32, #tpu.memory_space<vmem>>
    %dma_start3A_116 = tpu.memref_squeeze %dma_start3A_115 : memref<1x25xi32, #tpu.memory_space<vmem>> -> memref<25xi32, #tpu.memory_space<vmem>>
    %dma_start3A_117 = arith.constant 0 : i32
    %dma_start3A_118 = tpu.memref_slice %arg3[%add3A, %dma_start3A_112, %dma_start3A_117] : memref<32x400x25xi32, #tpu.memory_space<hbm>> -> memref<1x1x25xi32, #tpu.memory_space<hbm>>
    %dma_start3A_119 = tpu.memref_squeeze %dma_start3A_118 : memref<1x1x25xi32, #tpu.memory_space<hbm>> -> memref<25xi32, #tpu.memory_space<hbm>>
    %dma_start3A_120 = arith.constant 0 : i32
    %dma_start3A_121 = tpu.memref_slice %arg6[%dma_start3A_113, %dma_start3A_120] : memref<8x25xi32, #tpu.memory_space<vmem>> -> memref<1x25xi32, #tpu.memory_space<vmem>>
    %dma_start3A_122 = tpu.memref_squeeze %dma_start3A_121 : memref<1x25xi32, #tpu.memory_space<vmem>> -> memref<25xi32, #tpu.memory_space<vmem>>
    %dma_start3A_123 = arith.constant 0 : i32
    %dma_start3A_124 = tpu.memref_slice %arg3[%add3A, %dma_start3A_112, %dma_start3A_123] : memref<32x400x25xi32, #tpu.memory_space<hbm>> -> memref<1x1x25xi32, #tpu.memory_space<hbm>>
    %dma_start3A_125 = tpu.memref_squeeze %dma_start3A_124 : memref<1x1x25xi32, #tpu.memory_space<hbm>> -> memref<25xi32, #tpu.memory_space<hbm>>
    tpu.enqueue_dma source(%dma_start3A_125 : memref<25xi32, #tpu.memory_space<hbm>>) target(%dma_start3A_122 : memref<25xi32, #tpu.memory_space<vmem>>) target_semaphore(%arg14 : memref<!tpu.dma_semaphore, #tpu.memory_space<semaphore_mem>>)
    %dma_start3A_126 = arith.constant 4 : i32
    %dma_start3A_127 = arith.constant 4 : i32
    %dma_start3A_128 = arith.constant 0 : i32
    %dma_start3A_129 = tpu.memref_slice %arg7[%dma_start3A_127, %dma_start3A_128] : memref<8x25xi32, #tpu.memory_space<vmem>> -> memref<1x25xi32, #tpu.memory_space<vmem>>
    %dma_start3A_130 = tpu.memref_squeeze %dma_start3A_129 : memref<1x25xi32, #tpu.memory_space<vmem>> -> memref<25xi32, #tpu.memory_space<vmem>>
    %dma_start3A_131 = arith.constant 0 : i32
    %dma_start3A_132 = tpu.memref_slice %arg4[%add3A, %dma_start3A_126, %dma_start3A_131] : memref<32x400x25xi32, #tpu.memory_space<hbm>> -> memref<1x1x25xi32, #tpu.memory_space<hbm>>
    %dma_start3A_133 = tpu.memref_squeeze %dma_start3A_132 : memref<1x1x25xi32, #tpu.memory_space<hbm>> -> memref<25xi32, #tpu.memory_space<hbm>>
    %dma_start3A_134 = arith.constant 0 : i32
    %dma_start3A_135 = tpu.memref_slice %arg7[%dma_start3A_127, %dma_start3A_134] : memref<8x25xi32, #tpu.memory_space<vmem>> -> memref<1x25xi32, #tpu.memory_space<vmem>>
    %dma_start3A_136 = tpu.memref_squeeze %dma_start3A_135 : memref<1x25xi32, #tpu.memory_space<vmem>> -> memref<25xi32, #tpu.memory_space<vmem>>
    %dma_start3A_137 = arith.constant 0 : i32
    %dma_start3A_138 = tpu.memref_slice %arg4[%add3A, %dma_start3A_126, %dma_start3A_137] : memref<32x400x25xi32, #tpu.memory_space<hbm>> -> memref<1x1x25xi32, #tpu.memory_space<hbm>>
    %dma_start3A_139 = tpu.memref_squeeze %dma_start3A_138 : memref<1x1x25xi32, #tpu.memory_space<hbm>> -> memref<25xi32, #tpu.memory_space<hbm>>
    tpu.enqueue_dma source(%dma_start3A_139 : memref<25xi32, #tpu.memory_space<hbm>>) target(%dma_start3A_136 : memref<25xi32, #tpu.memory_space<vmem>>) target_semaphore(%arg14 : memref<!tpu.dma_semaphore, #tpu.memory_space<semaphore_mem>>)
    %dma_start3A_140 = arith.constant 5 : i32
    %dma_start3A_141 = arith.constant 5 : i32
    %dma_start3A_142 = arith.constant 0 : i32
    %dma_start3A_143 = tpu.memref_slice %arg6[%dma_start3A_141, %dma_start3A_142] : memref<8x25xi32, #tpu.memory_space<vmem>> -> memref<1x25xi32, #tpu.memory_space<vmem>>
    %dma_start3A_144 = tpu.memref_squeeze %dma_start3A_143 : memref<1x25xi32, #tpu.memory_space<vmem>> -> memref<25xi32, #tpu.memory_space<vmem>>
    %dma_start3A_145 = arith.constant 0 : i32
    %dma_start3A_146 = tpu.memref_slice %arg3[%add3A, %dma_start3A_140, %dma_start3A_145] : memref<32x400x25xi32, #tpu.memory_space<hbm>> -> memref<1x1x25xi32, #tpu.memory_space<hbm>>
    %dma_start3A_147 = tpu.memref_squeeze %dma_start3A_146 : memref<1x1x25xi32, #tpu.memory_space<hbm>> -> memref<25xi32, #tpu.memory_space<hbm>>
    %dma_start3A_148 = arith.constant 0 : i32
    %dma_start3A_149 = tpu.memref_slice %arg6[%dma_start3A_141, %dma_start3A_148] : memref<8x25xi32, #tpu.memory_space<vmem>> -> memref<1x25xi32, #tpu.memory_space<vmem>>
    %dma_start3A_150 = tpu.memref_squeeze %dma_start3A_149 : memref<1x25xi32, #tpu.memory_space<vmem>> -> memref<25xi32, #tpu.memory_space<vmem>>
    %dma_start3A_151 = arith.constant 0 : i32
    %dma_start3A_152 = tpu.memref_slice %arg3[%add3A, %dma_start3A_140, %dma_start3A_151] : memref<32x400x25xi32, #tpu.memory_space<hbm>> -> memref<1x1x25xi32, #tpu.memory_space<hbm>>
    %dma_start3A_153 = tpu.memref_squeeze %dma_start3A_152 : memref<1x1x25xi32, #tpu.memory_space<hbm>> -> memref<25xi32, #tpu.memory_space<hbm>>
    tpu.enqueue_dma source(%dma_start3A_153 : memref<25xi32, #tpu.memory_space<hbm>>) target(%dma_start3A_150 : memref<25xi32, #tpu.memory_space<vmem>>) target_semaphore(%arg15 : memref<!tpu.dma_semaphore, #tpu.memory_space<semaphore_mem>>)
    %dma_start3A_154 = arith.constant 5 : i32
    %dma_start3A_155 = arith.constant 5 : i32
    %dma_start3A_156 = arith.constant 0 : i32
    %dma_start3A_157 = tpu.memref_slice %arg7[%dma_start3A_155, %dma_start3A_156] : memref<8x25xi32, #tpu.memory_space<vmem>> -> memref<1x25xi32, #tpu.memory_space<vmem>>
    %dma_start3A_158 = tpu.memref_squeeze %dma_start3A_157 : memref<1x25xi32, #tpu.memory_space<vmem>> -> memref<25xi32, #tpu.memory_space<vmem>>
    %dma_start3A_159 = arith.constant 0 : i32
    %dma_start3A_160 = tpu.memref_slice %arg4[%add3A, %dma_start3A_154, %dma_start3A_159] : memref<32x400x25xi32, #tpu.memory_space<hbm>> -> memref<1x1x25xi32, #tpu.memory_space<hbm>>
    %dma_start3A_161 = tpu.memref_squeeze %dma_start3A_160 : memref<1x1x25xi32, #tpu.memory_space<hbm>> -> memref<25xi32, #tpu.memory_space<hbm>>
    %dma_start3A_162 = arith.constant 0 : i32
    %dma_start3A_163 = tpu.memref_slice %arg7[%dma_start3A_155, %dma_start3A_162] : memref<8x25xi32, #tpu.memory_space<vmem>> -> memref<1x25xi32, #tpu.memory_space<vmem>>
    %dma_start3A_164 = tpu.memref_squeeze %dma_start3A_163 : memref<1x25xi32, #tpu.memory_space<vmem>> -> memref<25xi32, #tpu.memory_space<vmem>>
    %dma_start3A_165 = arith.constant 0 : i32
    %dma_start3A_166 = tpu.memref_slice %arg4[%add3A, %dma_start3A_154, %dma_start3A_165] : memref<32x400x25xi32, #tpu.memory_space<hbm>> -> memref<1x1x25xi32, #tpu.memory_space<hbm>>
    %dma_start3A_167 = tpu.memref_squeeze %dma_start3A_166 : memref<1x1x25xi32, #tpu.memory_space<hbm>> -> memref<25xi32, #tpu.memory_space<hbm>>
    tpu.enqueue_dma source(%dma_start3A_167 : memref<25xi32, #tpu.memory_space<hbm>>) target(%dma_start3A_164 : memref<25xi32, #tpu.memory_space<vmem>>) target_semaphore(%arg15 : memref<!tpu.dma_semaphore, #tpu.memory_space<semaphore_mem>>)
    %dma_start3A_168 = arith.constant 6 : i32
    %dma_start3A_169 = arith.constant 6 : i32
    %dma_start3A_170 = arith.constant 0 : i32
    %dma_start3A_171 = tpu.memref_slice %arg6[%dma_start3A_169, %dma_start3A_170] : memref<8x25xi32, #tpu.memory_space<vmem>> -> memref<1x25xi32, #tpu.memory_space<vmem>>
    %dma_start3A_172 = tpu.memref_squeeze %dma_start3A_171 : memref<1x25xi32, #tpu.memory_space<vmem>> -> memref<25xi32, #tpu.memory_space<vmem>>
    %dma_start3A_173 = arith.constant 0 : i32
    %dma_start3A_174 = tpu.memref_slice %arg3[%add3A, %dma_start3A_168, %dma_start3A_173] : memref<32x400x25xi32, #tpu.memory_space<hbm>> -> memref<1x1x25xi32, #tpu.memory_space<hbm>>
    %dma_start3A_175 = tpu.memref_squeeze %dma_start3A_174 : memref<1x1x25xi32, #tpu.memory_space<hbm>> -> memref<25xi32, #tpu.memory_space<hbm>>
    %dma_start3A_176 = arith.constant 0 : i32
    %dma_start3A_177 = tpu.memref_slice %arg6[%dma_start3A_169, %dma_start3A_176] : memref<8x25xi32, #tpu.memory_space<vmem>> -> memref<1x25xi32, #tpu.memory_space<vmem>>
    %dma_start3A_178 = tpu.memref_squeeze %dma_start3A_177 : memref<1x25xi32, #tpu.memory_space<vmem>> -> memref<25xi32, #tpu.memory_space<vmem>>
    %dma_start3A_179 = arith.constant 0 : i32
    %dma_start3A_180 = tpu.memref_slice %arg3[%add3A, %dma_start3A_168, %dma_start3A_179] : memref<32x400x25xi32, #tpu.memory_space<hbm>> -> memref<1x1x25xi32, #tpu.memory_space<hbm>>
    %dma_start3A_181 = tpu.memref_squeeze %dma_start3A_180 : memref<1x1x25xi32, #tpu.memory_space<hbm>> -> memref<25xi32, #tpu.memory_space<hbm>>
    tpu.enqueue_dma source(%dma_start3A_181 : memref<25xi32, #tpu.memory_space<hbm>>) target(%dma_start3A_178 : memref<25xi32, #tpu.memory_space<vmem>>) target_semaphore(%arg16 : memref<!tpu.dma_semaphore, #tpu.memory_space<semaphore_mem>>)
    %dma_start3A_182 = arith.constant 6 : i32
    %dma_start3A_183 = arith.constant 6 : i32
    %dma_start3A_184 = arith.constant 0 : i32
    %dma_start3A_185 = tpu.memref_slice %arg7[%dma_start3A_183, %dma_start3A_184] : memref<8x25xi32, #tpu.memory_space<vmem>> -> memref<1x25xi32, #tpu.memory_space<vmem>>
    %dma_start3A_186 = tpu.memref_squeeze %dma_start3A_185 : memref<1x25xi32, #tpu.memory_space<vmem>> -> memref<25xi32, #tpu.memory_space<vmem>>
    %dma_start3A_187 = arith.constant 0 : i32
    %dma_start3A_188 = tpu.memref_slice %arg4[%add3A, %dma_start3A_182, %dma_start3A_187] : memref<32x400x25xi32, #tpu.memory_space<hbm>> -> memref<1x1x25xi32, #tpu.memory_space<hbm>>
    %dma_start3A_189 = tpu.memref_squeeze %dma_start3A_188 : memref<1x1x25xi32, #tpu.memory_space<hbm>> -> memref<25xi32, #tpu.memory_space<hbm>>
    %dma_start3A_190 = arith.constant 0 : i32
    %dma_start3A_191 = tpu.memref_slice %arg7[%dma_start3A_183, %dma_start3A_190] : memref<8x25xi32, #tpu.memory_space<vmem>> -> memref<1x25xi32, #tpu.memory_space<vmem>>
    %dma_start3A_192 = tpu.memref_squeeze %dma_start3A_191 : memref<1x25xi32, #tpu.memory_space<vmem>> -> memref<25xi32, #tpu.memory_space<vmem>>
    %dma_start3A_193 = arith.constant 0 : i32
    %dma_start3A_194 = tpu.memref_slice %arg4[%add3A, %dma_start3A_182, %dma_start3A_193] : memref<32x400x25xi32, #tpu.memory_space<hbm>> -> memref<1x1x25xi32, #tpu.memory_space<hbm>>
    %dma_start3A_195 = tpu.memref_squeeze %dma_start3A_194 : memref<1x1x25xi32, #tpu.memory_space<hbm>> -> memref<25xi32, #tpu.memory_space<hbm>>
    tpu.enqueue_dma source(%dma_start3A_195 : memref<25xi32, #tpu.memory_space<hbm>>) target(%dma_start3A_192 : memref<25xi32, #tpu.memory_space<vmem>>) target_semaphore(%arg16 : memref<!tpu.dma_semaphore, #tpu.memory_space<semaphore_mem>>)
    %dma_start3A_196 = arith.constant 7 : i32
    %dma_start3A_197 = arith.constant 7 : i32
    %dma_start3A_198 = arith.constant 0 : i32
    %dma_start3A_199 = tpu.memref_slice %arg6[%dma_start3A_197, %dma_start3A_198] : memref<8x25xi32, #tpu.memory_space<vmem>> -> memref<1x25xi32, #tpu.memory_space<vmem>>
    %dma_start3A_200 = tpu.memref_squeeze %dma_start3A_199 : memref<1x25xi32, #tpu.memory_space<vmem>> -> memref<25xi32, #tpu.memory_space<vmem>>
    %dma_start3A_201 = arith.constant 0 : i32
    %dma_start3A_202 = tpu.memref_slice %arg3[%add3A, %dma_start3A_196, %dma_start3A_201] : memref<32x400x25xi32, #tpu.memory_space<hbm>> -> memref<1x1x25xi32, #tpu.memory_space<hbm>>
    %dma_start3A_203 = tpu.memref_squeeze %dma_start3A_202 : memref<1x1x25xi32, #tpu.memory_space<hbm>> -> memref<25xi32, #tpu.memory_space<hbm>>
    %dma_start3A_204 = arith.constant 0 : i32
    %dma_start3A_205 = tpu.memref_slice %arg6[%dma_start3A_197, %dma_start3A_204] : memref<8x25xi32, #tpu.memory_space<vmem>> -> memref<1x25xi32, #tpu.memory_space<vmem>>
    %dma_start3A_206 = tpu.memref_squeeze %dma_start3A_205 : memref<1x25xi32, #tpu.memory_space<vmem>> -> memref<25xi32, #tpu.memory_space<vmem>>
    %dma_start3A_207 = arith.constant 0 : i32
    %dma_start3A_208 = tpu.memref_slice %arg3[%add3A, %dma_start3A_196, %dma_start3A_207] : memref<32x400x25xi32, #tpu.memory_space<hbm>> -> memref<1x1x25xi32, #tpu.memory_space<hbm>>
    %dma_start3A_209 = tpu.memref_squeeze %dma_start3A_208 : memref<1x1x25xi32, #tpu.memory_space<hbm>> -> memref<25xi32, #tpu.memory_space<hbm>>
    tpu.enqueue_dma source(%dma_start3A_209 : memref<25xi32, #tpu.memory_space<hbm>>) target(%dma_start3A_206 : memref<25xi32, #tpu.memory_space<vmem>>) target_semaphore(%arg17 : memref<!tpu.dma_semaphore, #tpu.memory_space<semaphore_mem>>)
    %dma_start3A_210 = arith.constant 7 : i32
    %dma_start3A_211 = arith.constant 7 : i32
    %dma_start3A_212 = arith.constant 0 : i32
    %dma_start3A_213 = tpu.memref_slice %arg7[%dma_start3A_211, %dma_start3A_212] : memref<8x25xi32, #tpu.memory_space<vmem>> -> memref<1x25xi32, #tpu.memory_space<vmem>>
    %dma_start3A_214 = tpu.memref_squeeze %dma_start3A_213 : memref<1x25xi32, #tpu.memory_space<vmem>> -> memref<25xi32, #tpu.memory_space<vmem>>
    %dma_start3A_215 = arith.constant 0 : i32
    %dma_start3A_216 = tpu.memref_slice %arg4[%add3A, %dma_start3A_210, %dma_start3A_215] : memref<32x400x25xi32, #tpu.memory_space<hbm>> -> memref<1x1x25xi32, #tpu.memory_space<hbm>>
    %dma_start3A_217 = tpu.memref_squeeze %dma_start3A_216 : memref<1x1x25xi32, #tpu.memory_space<hbm>> -> memref<25xi32, #tpu.memory_space<hbm>>
    %dma_start3A_218 = arith.constant 0 : i32
    %dma_start3A_219 = tpu.memref_slice %arg7[%dma_start3A_211, %dma_start3A_218] : memref<8x25xi32, #tpu.memory_space<vmem>> -> memref<1x25xi32, #tpu.memory_space<vmem>>
    %dma_start3A_220 = tpu.memref_squeeze %dma_start3A_219 : memref<1x25xi32, #tpu.memory_space<vmem>> -> memref<25xi32, #tpu.memory_space<vmem>>
    %dma_start3A_221 = arith.constant 0 : i32
    %dma_start3A_222 = tpu.memref_slice %arg4[%add3A, %dma_start3A_210, %dma_start3A_221] : memref<32x400x25xi32, #tpu.memory_space<hbm>> -> memref<1x1x25xi32, #tpu.memory_space<hbm>>
    %dma_start3A_223 = tpu.memref_squeeze %dma_start3A_222 : memref<1x1x25xi32, #tpu.memory_space<hbm>> -> memref<25xi32, #tpu.memory_space<hbm>>
    tpu.enqueue_dma source(%dma_start3A_223 : memref<25xi32, #tpu.memory_space<hbm>>) target(%dma_start3A_220 : memref<25xi32, #tpu.memory_space<vmem>>) target_semaphore(%arg17 : memref<!tpu.dma_semaphore, #tpu.memory_space<semaphore_mem>>)
    %mul3A_224 = arith.constant 624 : i32
    %mul3A_225 = arith.muli %arg1, %mul3A_224 : i32
    %mul3A_226 = arith.constant 624 : i32
    %mul3A_227 = arith.muli %arg1, %mul3A_226 : i32
    "tpu.region"() ({
      %run_scoped3A = tpu.sem_alloc : memref<!tpu.dma_semaphore, #tpu.memory_space<semaphore_mem>>
      %dma_start3A_564 = arith.constant 0 : i32
      %dma_start3A_565 = tpu.memref_slice %arg9[%mul3A_227, %dma_start3A_564] : memref<10000x128xf32, #tpu.memory_space<vmem_shared>> -> memref<624x128xf32, #tpu.memory_space<vmem_shared>>
      %dma_start3A_566 = arith.constant 0 : i32
      %dma_start3A_567 = tpu.memref_slice %arg2[%mul3A_225, %dma_start3A_566] : memref<10000x128xf32, #tpu.memory_space<hbm>> -> memref<624x128xf32, #tpu.memory_space<hbm>>
      tpu.enqueue_dma source(%dma_start3A_567 : memref<624x128xf32, #tpu.memory_space<hbm>>) target(%dma_start3A_565 : memref<624x128xf32, #tpu.memory_space<vmem_shared>>) target_semaphore(%run_scoped3A : memref<!tpu.dma_semaphore, #tpu.memory_space<semaphore_mem>>)
      %dma_wait3A_568 = arith.constant 0 : i32
      %dma_wait3A_569 = tpu.memref_slice %arg9[%mul3A_227, %dma_wait3A_568] : memref<10000x128xf32, #tpu.memory_space<vmem_shared>> -> memref<624x128xf32, #tpu.memory_space<vmem_shared>>
      %dma_wait3A_570 = arith.constant 0 : i32
      %dma_wait3A_571 = tpu.memref_slice %arg2[%mul3A_225, %dma_wait3A_570] : memref<10000x128xf32, #tpu.memory_space<hbm>> -> memref<624x128xf32, #tpu.memory_space<hbm>>
      tpu.wait_dma2 semaphore(%run_scoped3A : memref<!tpu.dma_semaphore, #tpu.memory_space<semaphore_mem>>) src(%dma_wait3A_571 : memref<624x128xf32, #tpu.memory_space<hbm>>) dst(%dma_wait3A_569 : memref<624x128xf32, #tpu.memory_space<vmem_shared>>)
      tpu.yield
    }) : () -> ()
    %eq3A = arith.constant 0 : i32
    %eq3A_228 = arith.cmpi eq, %arg1, %eq3A : i32
    %convert_element_type3A = arith.extui %eq3A_228 : i1 to i32
    %cond3A = arith.constant 0 : i32
    %cond3A_229 = arith.cmpi ne, %convert_element_type3A, %cond3A : i32
    scf.if %cond3A_229 {
      "tpu.region"() ({
        %run_scoped3A = tpu.sem_alloc : memref<!tpu.dma_semaphore, #tpu.memory_space<semaphore_mem>>
        %dma_start3A_564 = arith.constant 9984 : i32
        %dma_start3A_565 = arith.constant 0 : i32
        %dma_start3A_566 = tpu.memref_slice %arg9[%dma_start3A_564, %dma_start3A_565] : memref<10000x128xf32, #tpu.memory_space<vmem_shared>> -> memref<16x128xf32, #tpu.memory_space<vmem_shared>>
        %dma_start3A_567 = arith.constant 9984 : i32
        %dma_start3A_568 = arith.constant 0 : i32
        %dma_start3A_569 = tpu.memref_slice %arg2[%dma_start3A_567, %dma_start3A_568] : memref<10000x128xf32, #tpu.memory_space<hbm>> -> memref<16x128xf32, #tpu.memory_space<hbm>>
        tpu.enqueue_dma source(%dma_start3A_569 : memref<16x128xf32, #tpu.memory_space<hbm>>) target(%dma_start3A_566 : memref<16x128xf32, #tpu.memory_space<vmem_shared>>) target_semaphore(%run_scoped3A : memref<!tpu.dma_semaphore, #tpu.memory_space<semaphore_mem>>)
        %dma_wait3A_570 = arith.constant 9984 : i32
        %dma_wait3A_571 = arith.constant 0 : i32
        %dma_wait3A_572 = tpu.memref_slice %arg9[%dma_wait3A_570, %dma_wait3A_571] : memref<10000x128xf32, #tpu.memory_space<vmem_shared>> -> memref<16x128xf32, #tpu.memory_space<vmem_shared>>
        %dma_wait3A_573 = arith.constant 9984 : i32
        %dma_wait3A_574 = arith.constant 0 : i32
        %dma_wait3A_575 = tpu.memref_slice %arg2[%dma_wait3A_573, %dma_wait3A_574] : memref<10000x128xf32, #tpu.memory_space<hbm>> -> memref<16x128xf32, #tpu.memory_space<hbm>>
        tpu.wait_dma2 semaphore(%run_scoped3A : memref<!tpu.dma_semaphore, #tpu.memory_space<semaphore_mem>>) src(%dma_wait3A_575 : memref<16x128xf32, #tpu.memory_space<hbm>>) dst(%dma_wait3A_572 : memref<16x128xf32, #tpu.memory_space<vmem_shared>>)
        tpu.yield
      }) : () -> ()
    } else {
    }
    %barrier3A = arith.constant 0 : index
    tpu.barrier barrier_id(%barrier3A)
    %dma_wait3A = arith.constant 0 : i32
    %dma_wait3A_230 = arith.constant 0 : i32
    %dma_wait3A_231 = arith.constant 0 : i32
    %dma_wait3A_232 = tpu.memref_slice %arg6[%dma_wait3A_230, %dma_wait3A_231] : memref<8x25xi32, #tpu.memory_space<vmem>> -> memref<1x25xi32, #tpu.memory_space<vmem>>
    %dma_wait3A_233 = tpu.memref_squeeze %dma_wait3A_232 : memref<1x25xi32, #tpu.memory_space<vmem>> -> memref<25xi32, #tpu.memory_space<vmem>>
    %dma_wait3A_234 = arith.constant 0 : i32
    %dma_wait3A_235 = tpu.memref_slice %arg3[%add3A, %dma_wait3A, %dma_wait3A_234] : memref<32x400x25xi32, #tpu.memory_space<hbm>> -> memref<1x1x25xi32, #tpu.memory_space<hbm>>
    %dma_wait3A_236 = tpu.memref_squeeze %dma_wait3A_235 : memref<1x1x25xi32, #tpu.memory_space<hbm>> -> memref<25xi32, #tpu.memory_space<hbm>>
    %dma_wait3A_237 = arith.constant 0 : i32
    %dma_wait3A_238 = tpu.memref_slice %arg6[%dma_wait3A_230, %dma_wait3A_237] : memref<8x25xi32, #tpu.memory_space<vmem>> -> memref<1x25xi32, #tpu.memory_space<vmem>>
    %dma_wait3A_239 = tpu.memref_squeeze %dma_wait3A_238 : memref<1x25xi32, #tpu.memory_space<vmem>> -> memref<25xi32, #tpu.memory_space<vmem>>
    %dma_wait3A_240 = arith.constant 0 : i32
    %dma_wait3A_241 = tpu.memref_slice %arg3[%add3A, %dma_wait3A, %dma_wait3A_240] : memref<32x400x25xi32, #tpu.memory_space<hbm>> -> memref<1x1x25xi32, #tpu.memory_space<hbm>>
    %dma_wait3A_242 = tpu.memref_squeeze %dma_wait3A_241 : memref<1x1x25xi32, #tpu.memory_space<hbm>> -> memref<25xi32, #tpu.memory_space<hbm>>
    tpu.wait_dma2 semaphore(%arg10 : memref<!tpu.dma_semaphore, #tpu.memory_space<semaphore_mem>>) src(%dma_wait3A_242 : memref<25xi32, #tpu.memory_space<hbm>>) dst(%dma_wait3A_239 : memref<25xi32, #tpu.memory_space<vmem>>)
    %dma_wait3A_243 = arith.constant 0 : i32
    %dma_wait3A_244 = arith.constant 0 : i32
    %dma_wait3A_245 = arith.constant 0 : i32
    %dma_wait3A_246 = tpu.memref_slice %arg7[%dma_wait3A_244, %dma_wait3A_245] : memref<8x25xi32, #tpu.memory_space<vmem>> -> memref<1x25xi32, #tpu.memory_space<vmem>>
    %dma_wait3A_247 = tpu.memref_squeeze %dma_wait3A_246 : memref<1x25xi32, #tpu.memory_space<vmem>> -> memref<25xi32, #tpu.memory_space<vmem>>
    %dma_wait3A_248 = arith.constant 0 : i32
    %dma_wait3A_249 = tpu.memref_slice %arg4[%add3A, %dma_wait3A_243, %dma_wait3A_248] : memref<32x400x25xi32, #tpu.memory_space<hbm>> -> memref<1x1x25xi32, #tpu.memory_space<hbm>>
    %dma_wait3A_250 = tpu.memref_squeeze %dma_wait3A_249 : memref<1x1x25xi32, #tpu.memory_space<hbm>> -> memref<25xi32, #tpu.memory_space<hbm>>
    %dma_wait3A_251 = arith.constant 0 : i32
    %dma_wait3A_252 = tpu.memref_slice %arg7[%dma_wait3A_244, %dma_wait3A_251] : memref<8x25xi32, #tpu.memory_space<vmem>> -> memref<1x25xi32, #tpu.memory_space<vmem>>
    %dma_wait3A_253 = tpu.memref_squeeze %dma_wait3A_252 : memref<1x25xi32, #tpu.memory_space<vmem>> -> memref<25xi32, #tpu.memory_space<vmem>>
    %dma_wait3A_254 = arith.constant 0 : i32
    %dma_wait3A_255 = tpu.memref_slice %arg4[%add3A, %dma_wait3A_243, %dma_wait3A_254] : memref<32x400x25xi32, #tpu.memory_space<hbm>> -> memref<1x1x25xi32, #tpu.memory_space<hbm>>
    %dma_wait3A_256 = tpu.memref_squeeze %dma_wait3A_255 : memref<1x1x25xi32, #tpu.memory_space<hbm>> -> memref<25xi32, #tpu.memory_space<hbm>>
    tpu.wait_dma2 semaphore(%arg10 : memref<!tpu.dma_semaphore, #tpu.memory_space<semaphore_mem>>) src(%dma_wait3A_256 : memref<25xi32, #tpu.memory_space<hbm>>) dst(%dma_wait3A_253 : memref<25xi32, #tpu.memory_space<vmem>>)
    %dma_start3A_257 = arith.constant 0 : i32
    %dma_start3A_258 = arith.constant 0 : i32
    %dma_start3A_259 = arith.constant 0 : i32
    %dma_start3A_260 = arith.constant 0 : i32
    %dma_start3A_261 = tpu.memref_slice %arg8[%dma_start3A_258, %dma_start3A_259, %dma_start3A_260] : memref<8x25x128xf32, #tpu.memory_space<vmem>> -> memref<1x25x128xf32, #tpu.memory_space<vmem>>
    %dma_start3A_262 = tpu.memref_squeeze %dma_start3A_261 : memref<1x25x128xf32, #tpu.memory_space<vmem>> -> memref<25x128xf32, #tpu.memory_space<vmem>>
    %dma_start3A_263 = arith.constant 0 : i32
    %dma_start3A_264 = tpu.memref_slice %arg6[%dma_start3A_257, %dma_start3A_263] : memref<8x25xi32, #tpu.memory_space<vmem>> -> memref<1x25xi32, #tpu.memory_space<vmem>>
    %dma_start3A_265 = tpu.memref_squeeze %dma_start3A_264 : memref<1x25xi32, #tpu.memory_space<vmem>> -> memref<25xi32, #tpu.memory_space<vmem>>
    %dma_start3A_266 = arith.constant 0 : i32
    %dma_start3A_267 = arith.constant 0 : i32
    %dma_start3A_268 = tpu.memref_slice %arg2[%dma_start3A_266, %dma_start3A_267] : memref<10000x128xf32, #tpu.memory_space<hbm>> -> memref<10000x128xf32, #tpu.memory_space<hbm>>
    tpu.enqueue_indirect_dma source(%dma_start3A_268 : memref<10000x128xf32, #tpu.memory_space<hbm>>) target(%dma_start3A_262 : memref<25x128xf32, #tpu.memory_space<vmem>>) offsets(%dma_start3A_265 : memref<25xi32, #tpu.memory_space<vmem>>) semaphore(%arg18 : memref<!tpu.dma_semaphore, #tpu.memory_space<semaphore_mem>>)
    %dma_wait3A_269 = arith.constant 0 : i32
    %dma_wait3A_270 = arith.constant 1 : i32
    %dma_wait3A_271 = arith.constant 0 : i32
    %dma_wait3A_272 = tpu.memref_slice %arg6[%dma_wait3A_270, %dma_wait3A_271] : memref<8x25xi32, #tpu.memory_space<vmem>> -> memref<1x25xi32, #tpu.memory_space<vmem>>
    %dma_wait3A_273 = tpu.memref_squeeze %dma_wait3A_272 : memref<1x25xi32, #tpu.memory_space<vmem>> -> memref<25xi32, #tpu.memory_space<vmem>>
    %dma_wait3A_274 = arith.constant 0 : i32
    %dma_wait3A_275 = tpu.memref_slice %arg3[%add3A, %dma_wait3A_269, %dma_wait3A_274] : memref<32x400x25xi32, #tpu.memory_space<hbm>> -> memref<1x1x25xi32, #tpu.memory_space<hbm>>
    %dma_wait3A_276 = tpu.memref_squeeze %dma_wait3A_275 : memref<1x1x25xi32, #tpu.memory_space<hbm>> -> memref<25xi32, #tpu.memory_space<hbm>>
    %dma_wait3A_277 = arith.constant 0 : i32
    %dma_wait3A_278 = tpu.memref_slice %arg6[%dma_wait3A_270, %dma_wait3A_277] : memref<8x25xi32, #tpu.memory_space<vmem>> -> memref<1x25xi32, #tpu.memory_space<vmem>>
    %dma_wait3A_279 = tpu.memref_squeeze %dma_wait3A_278 : memref<1x25xi32, #tpu.memory_space<vmem>> -> memref<25xi32, #tpu.memory_space<vmem>>
    %dma_wait3A_280 = arith.constant 0 : i32
    %dma_wait3A_281 = tpu.memref_slice %arg3[%add3A, %dma_wait3A_269, %dma_wait3A_280] : memref<32x400x25xi32, #tpu.memory_space<hbm>> -> memref<1x1x25xi32, #tpu.memory_space<hbm>>
    %dma_wait3A_282 = tpu.memref_squeeze %dma_wait3A_281 : memref<1x1x25xi32, #tpu.memory_space<hbm>> -> memref<25xi32, #tpu.memory_space<hbm>>
    tpu.wait_dma2 semaphore(%arg11 : memref<!tpu.dma_semaphore, #tpu.memory_space<semaphore_mem>>) src(%dma_wait3A_282 : memref<25xi32, #tpu.memory_space<hbm>>) dst(%dma_wait3A_279 : memref<25xi32, #tpu.memory_space<vmem>>)
    %dma_wait3A_283 = arith.constant 0 : i32
    %dma_wait3A_284 = arith.constant 1 : i32
    %dma_wait3A_285 = arith.constant 0 : i32
    %dma_wait3A_286 = tpu.memref_slice %arg7[%dma_wait3A_284, %dma_wait3A_285] : memref<8x25xi32, #tpu.memory_space<vmem>> -> memref<1x25xi32, #tpu.memory_space<vmem>>
    %dma_wait3A_287 = tpu.memref_squeeze %dma_wait3A_286 : memref<1x25xi32, #tpu.memory_space<vmem>> -> memref<25xi32, #tpu.memory_space<vmem>>
    %dma_wait3A_288 = arith.constant 0 : i32
    %dma_wait3A_289 = tpu.memref_slice %arg4[%add3A, %dma_wait3A_283, %dma_wait3A_288] : memref<32x400x25xi32, #tpu.memory_space<hbm>> -> memref<1x1x25xi32, #tpu.memory_space<hbm>>
    %dma_wait3A_290 = tpu.memref_squeeze %dma_wait3A_289 : memref<1x1x25xi32, #tpu.memory_space<hbm>> -> memref<25xi32, #tpu.memory_space<hbm>>
    %dma_wait3A_291 = arith.constant 0 : i32
    %dma_wait3A_292 = tpu.memref_slice %arg7[%dma_wait3A_284, %dma_wait3A_291] : memref<8x25xi32, #tpu.memory_space<vmem>> -> memref<1x25xi32, #tpu.memory_space<vmem>>
    %dma_wait3A_293 = tpu.memref_squeeze %dma_wait3A_292 : memref<1x25xi32, #tpu.memory_space<vmem>> -> memref<25xi32, #tpu.memory_space<vmem>>
    %dma_wait3A_294 = arith.constant 0 : i32
    %dma_wait3A_295 = tpu.memref_slice %arg4[%add3A, %dma_wait3A_283, %dma_wait3A_294] : memref<32x400x25xi32, #tpu.memory_space<hbm>> -> memref<1x1x25xi32, #tpu.memory_space<hbm>>
    %dma_wait3A_296 = tpu.memref_squeeze %dma_wait3A_295 : memref<1x1x25xi32, #tpu.memory_space<hbm>> -> memref<25xi32, #tpu.memory_space<hbm>>
    tpu.wait_dma2 semaphore(%arg11 : memref<!tpu.dma_semaphore, #tpu.memory_space<semaphore_mem>>) src(%dma_wait3A_296 : memref<25xi32, #tpu.memory_space<hbm>>) dst(%dma_wait3A_293 : memref<25xi32, #tpu.memory_space<vmem>>)
    %dma_start3A_297 = arith.constant 1 : i32
    %dma_start3A_298 = arith.constant 1 : i32
    %dma_start3A_299 = arith.constant 0 : i32
    %dma_start3A_300 = arith.constant 0 : i32
    %dma_start3A_301 = tpu.memref_slice %arg8[%dma_start3A_298, %dma_start3A_299, %dma_start3A_300] : memref<8x25x128xf32, #tpu.memory_space<vmem>> -> memref<1x25x128xf32, #tpu.memory_space<vmem>>
    %dma_start3A_302 = tpu.memref_squeeze %dma_start3A_301 : memref<1x25x128xf32, #tpu.memory_space<vmem>> -> memref<25x128xf32, #tpu.memory_space<vmem>>
    %dma_start3A_303 = arith.constant 0 : i32
    %dma_start3A_304 = tpu.memref_slice %arg6[%dma_start3A_297, %dma_start3A_303] : memref<8x25xi32, #tpu.memory_space<vmem>> -> memref<1x25xi32, #tpu.memory_space<vmem>>
    %dma_start3A_305 = tpu.memref_squeeze %dma_start3A_304 : memref<1x25xi32, #tpu.memory_space<vmem>> -> memref<25xi32, #tpu.memory_space<vmem>>
    %dma_start3A_306 = arith.constant 0 : i32
    %dma_start3A_307 = arith.constant 0 : i32
    %dma_start3A_308 = tpu.memref_slice %arg2[%dma_start3A_306, %dma_start3A_307] : memref<10000x128xf32, #tpu.memory_space<hbm>> -> memref<10000x128xf32, #tpu.memory_space<hbm>>
    tpu.enqueue_indirect_dma source(%dma_start3A_308 : memref<10000x128xf32, #tpu.memory_space<hbm>>) target(%dma_start3A_302 : memref<25x128xf32, #tpu.memory_space<vmem>>) offsets(%dma_start3A_305 : memref<25xi32, #tpu.memory_space<vmem>>) semaphore(%arg19 : memref<!tpu.dma_semaphore, #tpu.memory_space<semaphore_mem>>)
    %dma_wait3A_309 = arith.constant 0 : i32
    %dma_wait3A_310 = arith.constant 2 : i32
    %dma_wait3A_311 = arith.constant 0 : i32
    %dma_wait3A_312 = tpu.memref_slice %arg6[%dma_wait3A_310, %dma_wait3A_311] : memref<8x25xi32, #tpu.memory_space<vmem>> -> memref<1x25xi32, #tpu.memory_space<vmem>>
    %dma_wait3A_313 = tpu.memref_squeeze %dma_wait3A_312 : memref<1x25xi32, #tpu.memory_space<vmem>> -> memref<25xi32, #tpu.memory_space<vmem>>
    %dma_wait3A_314 = arith.constant 0 : i32
    %dma_wait3A_315 = tpu.memref_slice %arg3[%add3A, %dma_wait3A_309, %dma_wait3A_314] : memref<32x400x25xi32, #tpu.memory_space<hbm>> -> memref<1x1x25xi32, #tpu.memory_space<hbm>>
    %dma_wait3A_316 = tpu.memref_squeeze %dma_wait3A_315 : memref<1x1x25xi32, #tpu.memory_space<hbm>> -> memref<25xi32, #tpu.memory_space<hbm>>
    %dma_wait3A_317 = arith.constant 0 : i32
    %dma_wait3A_318 = tpu.memref_slice %arg6[%dma_wait3A_310, %dma_wait3A_317] : memref<8x25xi32, #tpu.memory_space<vmem>> -> memref<1x25xi32, #tpu.memory_space<vmem>>
    %dma_wait3A_319 = tpu.memref_squeeze %dma_wait3A_318 : memref<1x25xi32, #tpu.memory_space<vmem>> -> memref<25xi32, #tpu.memory_space<vmem>>
    %dma_wait3A_320 = arith.constant 0 : i32
    %dma_wait3A_321 = tpu.memref_slice %arg3[%add3A, %dma_wait3A_309, %dma_wait3A_320] : memref<32x400x25xi32, #tpu.memory_space<hbm>> -> memref<1x1x25xi32, #tpu.memory_space<hbm>>
    %dma_wait3A_322 = tpu.memref_squeeze %dma_wait3A_321 : memref<1x1x25xi32, #tpu.memory_space<hbm>> -> memref<25xi32, #tpu.memory_space<hbm>>
    tpu.wait_dma2 semaphore(%arg12 : memref<!tpu.dma_semaphore, #tpu.memory_space<semaphore_mem>>) src(%dma_wait3A_322 : memref<25xi32, #tpu.memory_space<hbm>>) dst(%dma_wait3A_319 : memref<25xi32, #tpu.memory_space<vmem>>)
    %dma_wait3A_323 = arith.constant 0 : i32
    %dma_wait3A_324 = arith.constant 2 : i32
    %dma_wait3A_325 = arith.constant 0 : i32
    %dma_wait3A_326 = tpu.memref_slice %arg7[%dma_wait3A_324, %dma_wait3A_325] : memref<8x25xi32, #tpu.memory_space<vmem>> -> memref<1x25xi32, #tpu.memory_space<vmem>>
    %dma_wait3A_327 = tpu.memref_squeeze %dma_wait3A_326 : memref<1x25xi32, #tpu.memory_space<vmem>> -> memref<25xi32, #tpu.memory_space<vmem>>
    %dma_wait3A_328 = arith.constant 0 : i32
    %dma_wait3A_329 = tpu.memref_slice %arg4[%add3A, %dma_wait3A_323, %dma_wait3A_328] : memref<32x400x25xi32, #tpu.memory_space<hbm>> -> memref<1x1x25xi32, #tpu.memory_space<hbm>>
    %dma_wait3A_330 = tpu.memref_squeeze %dma_wait3A_329 : memref<1x1x25xi32, #tpu.memory_space<hbm>> -> memref<25xi32, #tpu.memory_space<hbm>>
    %dma_wait3A_331 = arith.constant 0 : i32
    %dma_wait3A_332 = tpu.memref_slice %arg7[%dma_wait3A_324, %dma_wait3A_331] : memref<8x25xi32, #tpu.memory_space<vmem>> -> memref<1x25xi32, #tpu.memory_space<vmem>>
    %dma_wait3A_333 = tpu.memref_squeeze %dma_wait3A_332 : memref<1x25xi32, #tpu.memory_space<vmem>> -> memref<25xi32, #tpu.memory_space<vmem>>
    %dma_wait3A_334 = arith.constant 0 : i32
    %dma_wait3A_335 = tpu.memref_slice %arg4[%add3A, %dma_wait3A_323, %dma_wait3A_334] : memref<32x400x25xi32, #tpu.memory_space<hbm>> -> memref<1x1x25xi32, #tpu.memory_space<hbm>>
    %dma_wait3A_336 = tpu.memref_squeeze %dma_wait3A_335 : memref<1x1x25xi32, #tpu.memory_space<hbm>> -> memref<25xi32, #tpu.memory_space<hbm>>
    tpu.wait_dma2 semaphore(%arg12 : memref<!tpu.dma_semaphore, #tpu.memory_space<semaphore_mem>>) src(%dma_wait3A_336 : memref<25xi32, #tpu.memory_space<hbm>>) dst(%dma_wait3A_333 : memref<25xi32, #tpu.memory_space<vmem>>)
    %dma_start3A_337 = arith.constant 2 : i32
    %dma_start3A_338 = arith.constant 2 : i32
    %dma_start3A_339 = arith.constant 0 : i32
    %dma_start3A_340 = arith.constant 0 : i32
    %dma_start3A_341 = tpu.memref_slice %arg8[%dma_start3A_338, %dma_start3A_339, %dma_start3A_340] : memref<8x25x128xf32, #tpu.memory_space<vmem>> -> memref<1x25x128xf32, #tpu.memory_space<vmem>>
    %dma_start3A_342 = tpu.memref_squeeze %dma_start3A_341 : memref<1x25x128xf32, #tpu.memory_space<vmem>> -> memref<25x128xf32, #tpu.memory_space<vmem>>
    %dma_start3A_343 = arith.constant 0 : i32
    %dma_start3A_344 = tpu.memref_slice %arg6[%dma_start3A_337, %dma_start3A_343] : memref<8x25xi32, #tpu.memory_space<vmem>> -> memref<1x25xi32, #tpu.memory_space<vmem>>
    %dma_start3A_345 = tpu.memref_squeeze %dma_start3A_344 : memref<1x25xi32, #tpu.memory_space<vmem>> -> memref<25xi32, #tpu.memory_space<vmem>>
    %dma_start3A_346 = arith.constant 0 : i32
    %dma_start3A_347 = arith.constant 0 : i32
    %dma_start3A_348 = tpu.memref_slice %arg2[%dma_start3A_346, %dma_start3A_347] : memref<10000x128xf32, #tpu.memory_space<hbm>> -> memref<10000x128xf32, #tpu.memory_space<hbm>>
    tpu.enqueue_indirect_dma source(%dma_start3A_348 : memref<10000x128xf32, #tpu.memory_space<hbm>>) target(%dma_start3A_342 : memref<25x128xf32, #tpu.memory_space<vmem>>) offsets(%dma_start3A_345 : memref<25xi32, #tpu.memory_space<vmem>>) semaphore(%arg20 : memref<!tpu.dma_semaphore, #tpu.memory_space<semaphore_mem>>)
    %dma_wait3A_349 = arith.constant 0 : i32
    %dma_wait3A_350 = arith.constant 3 : i32
    %dma_wait3A_351 = arith.constant 0 : i32
    %dma_wait3A_352 = tpu.memref_slice %arg6[%dma_wait3A_350, %dma_wait3A_351] : memref<8x25xi32, #tpu.memory_space<vmem>> -> memref<1x25xi32, #tpu.memory_space<vmem>>
    %dma_wait3A_353 = tpu.memref_squeeze %dma_wait3A_352 : memref<1x25xi32, #tpu.memory_space<vmem>> -> memref<25xi32, #tpu.memory_space<vmem>>
    %dma_wait3A_354 = arith.constant 0 : i32
    %dma_wait3A_355 = tpu.memref_slice %arg3[%add3A, %dma_wait3A_349, %dma_wait3A_354] : memref<32x400x25xi32, #tpu.memory_space<hbm>> -> memref<1x1x25xi32, #tpu.memory_space<hbm>>
    %dma_wait3A_356 = tpu.memref_squeeze %dma_wait3A_355 : memref<1x1x25xi32, #tpu.memory_space<hbm>> -> memref<25xi32, #tpu.memory_space<hbm>>
    %dma_wait3A_357 = arith.constant 0 : i32
    %dma_wait3A_358 = tpu.memref_slice %arg6[%dma_wait3A_350, %dma_wait3A_357] : memref<8x25xi32, #tpu.memory_space<vmem>> -> memref<1x25xi32, #tpu.memory_space<vmem>>
    %dma_wait3A_359 = tpu.memref_squeeze %dma_wait3A_358 : memref<1x25xi32, #tpu.memory_space<vmem>> -> memref<25xi32, #tpu.memory_space<vmem>>
    %dma_wait3A_360 = arith.constant 0 : i32
    %dma_wait3A_361 = tpu.memref_slice %arg3[%add3A, %dma_wait3A_349, %dma_wait3A_360] : memref<32x400x25xi32, #tpu.memory_space<hbm>> -> memref<1x1x25xi32, #tpu.memory_space<hbm>>
    %dma_wait3A_362 = tpu.memref_squeeze %dma_wait3A_361 : memref<1x1x25xi32, #tpu.memory_space<hbm>> -> memref<25xi32, #tpu.memory_space<hbm>>
    tpu.wait_dma2 semaphore(%arg13 : memref<!tpu.dma_semaphore, #tpu.memory_space<semaphore_mem>>) src(%dma_wait3A_362 : memref<25xi32, #tpu.memory_space<hbm>>) dst(%dma_wait3A_359 : memref<25xi32, #tpu.memory_space<vmem>>)
    %dma_wait3A_363 = arith.constant 0 : i32
    %dma_wait3A_364 = arith.constant 3 : i32
    %dma_wait3A_365 = arith.constant 0 : i32
    %dma_wait3A_366 = tpu.memref_slice %arg7[%dma_wait3A_364, %dma_wait3A_365] : memref<8x25xi32, #tpu.memory_space<vmem>> -> memref<1x25xi32, #tpu.memory_space<vmem>>
    %dma_wait3A_367 = tpu.memref_squeeze %dma_wait3A_366 : memref<1x25xi32, #tpu.memory_space<vmem>> -> memref<25xi32, #tpu.memory_space<vmem>>
    %dma_wait3A_368 = arith.constant 0 : i32
    %dma_wait3A_369 = tpu.memref_slice %arg4[%add3A, %dma_wait3A_363, %dma_wait3A_368] : memref<32x400x25xi32, #tpu.memory_space<hbm>> -> memref<1x1x25xi32, #tpu.memory_space<hbm>>
    %dma_wait3A_370 = tpu.memref_squeeze %dma_wait3A_369 : memref<1x1x25xi32, #tpu.memory_space<hbm>> -> memref<25xi32, #tpu.memory_space<hbm>>
    %dma_wait3A_371 = arith.constant 0 : i32
    %dma_wait3A_372 = tpu.memref_slice %arg7[%dma_wait3A_364, %dma_wait3A_371] : memref<8x25xi32, #tpu.memory_space<vmem>> -> memref<1x25xi32, #tpu.memory_space<vmem>>
    %dma_wait3A_373 = tpu.memref_squeeze %dma_wait3A_372 : memref<1x25xi32, #tpu.memory_space<vmem>> -> memref<25xi32, #tpu.memory_space<vmem>>
    %dma_wait3A_374 = arith.constant 0 : i32
    %dma_wait3A_375 = tpu.memref_slice %arg4[%add3A, %dma_wait3A_363, %dma_wait3A_374] : memref<32x400x25xi32, #tpu.memory_space<hbm>> -> memref<1x1x25xi32, #tpu.memory_space<hbm>>
    %dma_wait3A_376 = tpu.memref_squeeze %dma_wait3A_375 : memref<1x1x25xi32, #tpu.memory_space<hbm>> -> memref<25xi32, #tpu.memory_space<hbm>>
    tpu.wait_dma2 semaphore(%arg13 : memref<!tpu.dma_semaphore, #tpu.memory_space<semaphore_mem>>) src(%dma_wait3A_376 : memref<25xi32, #tpu.memory_space<hbm>>) dst(%dma_wait3A_373 : memref<25xi32, #tpu.memory_space<vmem>>)
    %dma_start3A_377 = arith.constant 3 : i32
    %dma_start3A_378 = arith.constant 3 : i32
    %dma_start3A_379 = arith.constant 0 : i32
    %dma_start3A_380 = arith.constant 0 : i32
    %dma_start3A_381 = tpu.memref_slice %arg8[%dma_start3A_378, %dma_start3A_379, %dma_start3A_380] : memref<8x25x128xf32, #tpu.memory_space<vmem>> -> memref<1x25x128xf32, #tpu.memory_space<vmem>>
    %dma_start3A_382 = tpu.memref_squeeze %dma_start3A_381 : memref<1x25x128xf32, #tpu.memory_space<vmem>> -> memref<25x128xf32, #tpu.memory_space<vmem>>
    %dma_start3A_383 = arith.constant 0 : i32
    %dma_start3A_384 = tpu.memref_slice %arg6[%dma_start3A_377, %dma_start3A_383] : memref<8x25xi32, #tpu.memory_space<vmem>> -> memref<1x25xi32, #tpu.memory_space<vmem>>
    %dma_start3A_385 = tpu.memref_squeeze %dma_start3A_384 : memref<1x25xi32, #tpu.memory_space<vmem>> -> memref<25xi32, #tpu.memory_space<vmem>>
    %dma_start3A_386 = arith.constant 0 : i32
    %dma_start3A_387 = arith.constant 0 : i32
    %dma_start3A_388 = tpu.memref_slice %arg2[%dma_start3A_386, %dma_start3A_387] : memref<10000x128xf32, #tpu.memory_space<hbm>> -> memref<10000x128xf32, #tpu.memory_space<hbm>>
    tpu.enqueue_indirect_dma source(%dma_start3A_388 : memref<10000x128xf32, #tpu.memory_space<hbm>>) target(%dma_start3A_382 : memref<25x128xf32, #tpu.memory_space<vmem>>) offsets(%dma_start3A_385 : memref<25xi32, #tpu.memory_space<vmem>>) semaphore(%arg21 : memref<!tpu.dma_semaphore, #tpu.memory_space<semaphore_mem>>)
    %dma_wait3A_389 = arith.constant 0 : i32
    %dma_wait3A_390 = arith.constant 4 : i32
    %dma_wait3A_391 = arith.constant 0 : i32
    %dma_wait3A_392 = tpu.memref_slice %arg6[%dma_wait3A_390, %dma_wait3A_391] : memref<8x25xi32, #tpu.memory_space<vmem>> -> memref<1x25xi32, #tpu.memory_space<vmem>>
    %dma_wait3A_393 = tpu.memref_squeeze %dma_wait3A_392 : memref<1x25xi32, #tpu.memory_space<vmem>> -> memref<25xi32, #tpu.memory_space<vmem>>
    %dma_wait3A_394 = arith.constant 0 : i32
    %dma_wait3A_395 = tpu.memref_slice %arg3[%add3A, %dma_wait3A_389, %dma_wait3A_394] : memref<32x400x25xi32, #tpu.memory_space<hbm>> -> memref<1x1x25xi32, #tpu.memory_space<hbm>>
    %dma_wait3A_396 = tpu.memref_squeeze %dma_wait3A_395 : memref<1x1x25xi32, #tpu.memory_space<hbm>> -> memref<25xi32, #tpu.memory_space<hbm>>
    %dma_wait3A_397 = arith.constant 0 : i32
    %dma_wait3A_398 = tpu.memref_slice %arg6[%dma_wait3A_390, %dma_wait3A_397] : memref<8x25xi32, #tpu.memory_space<vmem>> -> memref<1x25xi32, #tpu.memory_space<vmem>>
    %dma_wait3A_399 = tpu.memref_squeeze %dma_wait3A_398 : memref<1x25xi32, #tpu.memory_space<vmem>> -> memref<25xi32, #tpu.memory_space<vmem>>
    %dma_wait3A_400 = arith.constant 0 : i32
    %dma_wait3A_401 = tpu.memref_slice %arg3[%add3A, %dma_wait3A_389, %dma_wait3A_400] : memref<32x400x25xi32, #tpu.memory_space<hbm>> -> memref<1x1x25xi32, #tpu.memory_space<hbm>>
    %dma_wait3A_402 = tpu.memref_squeeze %dma_wait3A_401 : memref<1x1x25xi32, #tpu.memory_space<hbm>> -> memref<25xi32, #tpu.memory_space<hbm>>
    tpu.wait_dma2 semaphore(%arg14 : memref<!tpu.dma_semaphore, #tpu.memory_space<semaphore_mem>>) src(%dma_wait3A_402 : memref<25xi32, #tpu.memory_space<hbm>>) dst(%dma_wait3A_399 : memref<25xi32, #tpu.memory_space<vmem>>)
    %dma_wait3A_403 = arith.constant 0 : i32
    %dma_wait3A_404 = arith.constant 4 : i32
    %dma_wait3A_405 = arith.constant 0 : i32
    %dma_wait3A_406 = tpu.memref_slice %arg7[%dma_wait3A_404, %dma_wait3A_405] : memref<8x25xi32, #tpu.memory_space<vmem>> -> memref<1x25xi32, #tpu.memory_space<vmem>>
    %dma_wait3A_407 = tpu.memref_squeeze %dma_wait3A_406 : memref<1x25xi32, #tpu.memory_space<vmem>> -> memref<25xi32, #tpu.memory_space<vmem>>
    %dma_wait3A_408 = arith.constant 0 : i32
    %dma_wait3A_409 = tpu.memref_slice %arg4[%add3A, %dma_wait3A_403, %dma_wait3A_408] : memref<32x400x25xi32, #tpu.memory_space<hbm>> -> memref<1x1x25xi32, #tpu.memory_space<hbm>>
    %dma_wait3A_410 = tpu.memref_squeeze %dma_wait3A_409 : memref<1x1x25xi32, #tpu.memory_space<hbm>> -> memref<25xi32, #tpu.memory_space<hbm>>
    %dma_wait3A_411 = arith.constant 0 : i32
    %dma_wait3A_412 = tpu.memref_slice %arg7[%dma_wait3A_404, %dma_wait3A_411] : memref<8x25xi32, #tpu.memory_space<vmem>> -> memref<1x25xi32, #tpu.memory_space<vmem>>
    %dma_wait3A_413 = tpu.memref_squeeze %dma_wait3A_412 : memref<1x25xi32, #tpu.memory_space<vmem>> -> memref<25xi32, #tpu.memory_space<vmem>>
    %dma_wait3A_414 = arith.constant 0 : i32
    %dma_wait3A_415 = tpu.memref_slice %arg4[%add3A, %dma_wait3A_403, %dma_wait3A_414] : memref<32x400x25xi32, #tpu.memory_space<hbm>> -> memref<1x1x25xi32, #tpu.memory_space<hbm>>
    %dma_wait3A_416 = tpu.memref_squeeze %dma_wait3A_415 : memref<1x1x25xi32, #tpu.memory_space<hbm>> -> memref<25xi32, #tpu.memory_space<hbm>>
    tpu.wait_dma2 semaphore(%arg14 : memref<!tpu.dma_semaphore, #tpu.memory_space<semaphore_mem>>) src(%dma_wait3A_416 : memref<25xi32, #tpu.memory_space<hbm>>) dst(%dma_wait3A_413 : memref<25xi32, #tpu.memory_space<vmem>>)
    %dma_start3A_417 = arith.constant 4 : i32
    %dma_start3A_418 = arith.constant 4 : i32
    %dma_start3A_419 = arith.constant 0 : i32
    %dma_start3A_420 = arith.constant 0 : i32
    %dma_start3A_421 = tpu.memref_slice %arg8[%dma_start3A_418, %dma_start3A_419, %dma_start3A_420] : memref<8x25x128xf32, #tpu.memory_space<vmem>> -> memref<1x25x128xf32, #tpu.memory_space<vmem>>
    %dma_start3A_422 = tpu.memref_squeeze %dma_start3A_421 : memref<1x25x128xf32, #tpu.memory_space<vmem>> -> memref<25x128xf32, #tpu.memory_space<vmem>>
    %dma_start3A_423 = arith.constant 0 : i32
    %dma_start3A_424 = tpu.memref_slice %arg6[%dma_start3A_417, %dma_start3A_423] : memref<8x25xi32, #tpu.memory_space<vmem>> -> memref<1x25xi32, #tpu.memory_space<vmem>>
    %dma_start3A_425 = tpu.memref_squeeze %dma_start3A_424 : memref<1x25xi32, #tpu.memory_space<vmem>> -> memref<25xi32, #tpu.memory_space<vmem>>
    %dma_start3A_426 = arith.constant 0 : i32
    %dma_start3A_427 = arith.constant 0 : i32
    %dma_start3A_428 = tpu.memref_slice %arg2[%dma_start3A_426, %dma_start3A_427] : memref<10000x128xf32, #tpu.memory_space<hbm>> -> memref<10000x128xf32, #tpu.memory_space<hbm>>
    tpu.enqueue_indirect_dma source(%dma_start3A_428 : memref<10000x128xf32, #tpu.memory_space<hbm>>) target(%dma_start3A_422 : memref<25x128xf32, #tpu.memory_space<vmem>>) offsets(%dma_start3A_425 : memref<25xi32, #tpu.memory_space<vmem>>) semaphore(%arg22 : memref<!tpu.dma_semaphore, #tpu.memory_space<semaphore_mem>>)
    %dma_wait3A_429 = arith.constant 0 : i32
    %dma_wait3A_430 = arith.constant 5 : i32
    %dma_wait3A_431 = arith.constant 0 : i32
    %dma_wait3A_432 = tpu.memref_slice %arg6[%dma_wait3A_430, %dma_wait3A_431] : memref<8x25xi32, #tpu.memory_space<vmem>> -> memref<1x25xi32, #tpu.memory_space<vmem>>
    %dma_wait3A_433 = tpu.memref_squeeze %dma_wait3A_432 : memref<1x25xi32, #tpu.memory_space<vmem>> -> memref<25xi32, #tpu.memory_space<vmem>>
    %dma_wait3A_434 = arith.constant 0 : i32
    %dma_wait3A_435 = tpu.memref_slice %arg3[%add3A, %dma_wait3A_429, %dma_wait3A_434] : memref<32x400x25xi32, #tpu.memory_space<hbm>> -> memref<1x1x25xi32, #tpu.memory_space<hbm>>
    %dma_wait3A_436 = tpu.memref_squeeze %dma_wait3A_435 : memref<1x1x25xi32, #tpu.memory_space<hbm>> -> memref<25xi32, #tpu.memory_space<hbm>>
    %dma_wait3A_437 = arith.constant 0 : i32
    %dma_wait3A_438 = tpu.memref_slice %arg6[%dma_wait3A_430, %dma_wait3A_437] : memref<8x25xi32, #tpu.memory_space<vmem>> -> memref<1x25xi32, #tpu.memory_space<vmem>>
    %dma_wait3A_439 = tpu.memref_squeeze %dma_wait3A_438 : memref<1x25xi32, #tpu.memory_space<vmem>> -> memref<25xi32, #tpu.memory_space<vmem>>
    %dma_wait3A_440 = arith.constant 0 : i32
    %dma_wait3A_441 = tpu.memref_slice %arg3[%add3A, %dma_wait3A_429, %dma_wait3A_440] : memref<32x400x25xi32, #tpu.memory_space<hbm>> -> memref<1x1x25xi32, #tpu.memory_space<hbm>>
    %dma_wait3A_442 = tpu.memref_squeeze %dma_wait3A_441 : memref<1x1x25xi32, #tpu.memory_space<hbm>> -> memref<25xi32, #tpu.memory_space<hbm>>
    tpu.wait_dma2 semaphore(%arg15 : memref<!tpu.dma_semaphore, #tpu.memory_space<semaphore_mem>>) src(%dma_wait3A_442 : memref<25xi32, #tpu.memory_space<hbm>>) dst(%dma_wait3A_439 : memref<25xi32, #tpu.memory_space<vmem>>)
    %dma_wait3A_443 = arith.constant 0 : i32
    %dma_wait3A_444 = arith.constant 5 : i32
    %dma_wait3A_445 = arith.constant 0 : i32
    %dma_wait3A_446 = tpu.memref_slice %arg7[%dma_wait3A_444, %dma_wait3A_445] : memref<8x25xi32, #tpu.memory_space<vmem>> -> memref<1x25xi32, #tpu.memory_space<vmem>>
    %dma_wait3A_447 = tpu.memref_squeeze %dma_wait3A_446 : memref<1x25xi32, #tpu.memory_space<vmem>> -> memref<25xi32, #tpu.memory_space<vmem>>
    %dma_wait3A_448 = arith.constant 0 : i32
    %dma_wait3A_449 = tpu.memref_slice %arg4[%add3A, %dma_wait3A_443, %dma_wait3A_448] : memref<32x400x25xi32, #tpu.memory_space<hbm>> -> memref<1x1x25xi32, #tpu.memory_space<hbm>>
    %dma_wait3A_450 = tpu.memref_squeeze %dma_wait3A_449 : memref<1x1x25xi32, #tpu.memory_space<hbm>> -> memref<25xi32, #tpu.memory_space<hbm>>
    %dma_wait3A_451 = arith.constant 0 : i32
    %dma_wait3A_452 = tpu.memref_slice %arg7[%dma_wait3A_444, %dma_wait3A_451] : memref<8x25xi32, #tpu.memory_space<vmem>> -> memref<1x25xi32, #tpu.memory_space<vmem>>
    %dma_wait3A_453 = tpu.memref_squeeze %dma_wait3A_452 : memref<1x25xi32, #tpu.memory_space<vmem>> -> memref<25xi32, #tpu.memory_space<vmem>>
    %dma_wait3A_454 = arith.constant 0 : i32
    %dma_wait3A_455 = tpu.memref_slice %arg4[%add3A, %dma_wait3A_443, %dma_wait3A_454] : memref<32x400x25xi32, #tpu.memory_space<hbm>> -> memref<1x1x25xi32, #tpu.memory_space<hbm>>
    %dma_wait3A_456 = tpu.memref_squeeze %dma_wait3A_455 : memref<1x1x25xi32, #tpu.memory_space<hbm>> -> memref<25xi32, #tpu.memory_space<hbm>>
    tpu.wait_dma2 semaphore(%arg15 : memref<!tpu.dma_semaphore, #tpu.memory_space<semaphore_mem>>) src(%dma_wait3A_456 : memref<25xi32, #tpu.memory_space<hbm>>) dst(%dma_wait3A_453 : memref<25xi32, #tpu.memory_space<vmem>>)
    %dma_start3A_457 = arith.constant 5 : i32
    %dma_start3A_458 = arith.constant 5 : i32
    %dma_start3A_459 = arith.constant 0 : i32
    %dma_start3A_460 = arith.constant 0 : i32
    %dma_start3A_461 = tpu.memref_slice %arg8[%dma_start3A_458, %dma_start3A_459, %dma_start3A_460] : memref<8x25x128xf32, #tpu.memory_space<vmem>> -> memref<1x25x128xf32, #tpu.memory_space<vmem>>
    %dma_start3A_462 = tpu.memref_squeeze %dma_start3A_461 : memref<1x25x128xf32, #tpu.memory_space<vmem>> -> memref<25x128xf32, #tpu.memory_space<vmem>>
    %dma_start3A_463 = arith.constant 0 : i32
    %dma_start3A_464 = tpu.memref_slice %arg6[%dma_start3A_457, %dma_start3A_463] : memref<8x25xi32, #tpu.memory_space<vmem>> -> memref<1x25xi32, #tpu.memory_space<vmem>>
    %dma_start3A_465 = tpu.memref_squeeze %dma_start3A_464 : memref<1x25xi32, #tpu.memory_space<vmem>> -> memref<25xi32, #tpu.memory_space<vmem>>
    %dma_start3A_466 = arith.constant 0 : i32
    %dma_start3A_467 = arith.constant 0 : i32
    %dma_start3A_468 = tpu.memref_slice %arg2[%dma_start3A_466, %dma_start3A_467] : memref<10000x128xf32, #tpu.memory_space<hbm>> -> memref<10000x128xf32, #tpu.memory_space<hbm>>
    tpu.enqueue_indirect_dma source(%dma_start3A_468 : memref<10000x128xf32, #tpu.memory_space<hbm>>) target(%dma_start3A_462 : memref<25x128xf32, #tpu.memory_space<vmem>>) offsets(%dma_start3A_465 : memref<25xi32, #tpu.memory_space<vmem>>) semaphore(%arg23 : memref<!tpu.dma_semaphore, #tpu.memory_space<semaphore_mem>>)
    %dma_wait3A_469 = arith.constant 0 : i32
    %dma_wait3A_470 = arith.constant 6 : i32
    %dma_wait3A_471 = arith.constant 0 : i32
    %dma_wait3A_472 = tpu.memref_slice %arg6[%dma_wait3A_470, %dma_wait3A_471] : memref<8x25xi32, #tpu.memory_space<vmem>> -> memref<1x25xi32, #tpu.memory_space<vmem>>
    %dma_wait3A_473 = tpu.memref_squeeze %dma_wait3A_472 : memref<1x25xi32, #tpu.memory_space<vmem>> -> memref<25xi32, #tpu.memory_space<vmem>>
    %dma_wait3A_474 = arith.constant 0 : i32
    %dma_wait3A_475 = tpu.memref_slice %arg3[%add3A, %dma_wait3A_469, %dma_wait3A_474] : memref<32x400x25xi32, #tpu.memory_space<hbm>> -> memref<1x1x25xi32, #tpu.memory_space<hbm>>
    %dma_wait3A_476 = tpu.memref_squeeze %dma_wait3A_475 : memref<1x1x25xi32, #tpu.memory_space<hbm>> -> memref<25xi32, #tpu.memory_space<hbm>>
    %dma_wait3A_477 = arith.constant 0 : i32
    %dma_wait3A_478 = tpu.memref_slice %arg6[%dma_wait3A_470, %dma_wait3A_477] : memref<8x25xi32, #tpu.memory_space<vmem>> -> memref<1x25xi32, #tpu.memory_space<vmem>>
    %dma_wait3A_479 = tpu.memref_squeeze %dma_wait3A_478 : memref<1x25xi32, #tpu.memory_space<vmem>> -> memref<25xi32, #tpu.memory_space<vmem>>
    %dma_wait3A_480 = arith.constant 0 : i32
    %dma_wait3A_481 = tpu.memref_slice %arg3[%add3A, %dma_wait3A_469, %dma_wait3A_480] : memref<32x400x25xi32, #tpu.memory_space<hbm>> -> memref<1x1x25xi32, #tpu.memory_space<hbm>>
    %dma_wait3A_482 = tpu.memref_squeeze %dma_wait3A_481 : memref<1x1x25xi32, #tpu.memory_space<hbm>> -> memref<25xi32, #tpu.memory_space<hbm>>
    tpu.wait_dma2 semaphore(%arg16 : memref<!tpu.dma_semaphore, #tpu.memory_space<semaphore_mem>>) src(%dma_wait3A_482 : memref<25xi32, #tpu.memory_space<hbm>>) dst(%dma_wait3A_479 : memref<25xi32, #tpu.memory_space<vmem>>)
    %dma_wait3A_483 = arith.constant 0 : i32
    %dma_wait3A_484 = arith.constant 6 : i32
    %dma_wait3A_485 = arith.constant 0 : i32
    %dma_wait3A_486 = tpu.memref_slice %arg7[%dma_wait3A_484, %dma_wait3A_485] : memref<8x25xi32, #tpu.memory_space<vmem>> -> memref<1x25xi32, #tpu.memory_space<vmem>>
    %dma_wait3A_487 = tpu.memref_squeeze %dma_wait3A_486 : memref<1x25xi32, #tpu.memory_space<vmem>> -> memref<25xi32, #tpu.memory_space<vmem>>
    %dma_wait3A_488 = arith.constant 0 : i32
    %dma_wait3A_489 = tpu.memref_slice %arg4[%add3A, %dma_wait3A_483, %dma_wait3A_488] : memref<32x400x25xi32, #tpu.memory_space<hbm>> -> memref<1x1x25xi32, #tpu.memory_space<hbm>>
    %dma_wait3A_490 = tpu.memref_squeeze %dma_wait3A_489 : memref<1x1x25xi32, #tpu.memory_space<hbm>> -> memref<25xi32, #tpu.memory_space<hbm>>
    %dma_wait3A_491 = arith.constant 0 : i32
    %dma_wait3A_492 = tpu.memref_slice %arg7[%dma_wait3A_484, %dma_wait3A_491] : memref<8x25xi32, #tpu.memory_space<vmem>> -> memref<1x25xi32, #tpu.memory_space<vmem>>
    %dma_wait3A_493 = tpu.memref_squeeze %dma_wait3A_492 : memref<1x25xi32, #tpu.memory_space<vmem>> -> memref<25xi32, #tpu.memory_space<vmem>>
    %dma_wait3A_494 = arith.constant 0 : i32
    %dma_wait3A_495 = tpu.memref_slice %arg4[%add3A, %dma_wait3A_483, %dma_wait3A_494] : memref<32x400x25xi32, #tpu.memory_space<hbm>> -> memref<1x1x25xi32, #tpu.memory_space<hbm>>
    %dma_wait3A_496 = tpu.memref_squeeze %dma_wait3A_495 : memref<1x1x25xi32, #tpu.memory_space<hbm>> -> memref<25xi32, #tpu.memory_space<hbm>>
    tpu.wait_dma2 semaphore(%arg16 : memref<!tpu.dma_semaphore, #tpu.memory_space<semaphore_mem>>) src(%dma_wait3A_496 : memref<25xi32, #tpu.memory_space<hbm>>) dst(%dma_wait3A_493 : memref<25xi32, #tpu.memory_space<vmem>>)
    %dma_start3A_497 = arith.constant 6 : i32
    %dma_start3A_498 = arith.constant 6 : i32
    %dma_start3A_499 = arith.constant 0 : i32
    %dma_start3A_500 = arith.constant 0 : i32
    %dma_start3A_501 = tpu.memref_slice %arg8[%dma_start3A_498, %dma_start3A_499, %dma_start3A_500] : memref<8x25x128xf32, #tpu.memory_space<vmem>> -> memref<1x25x128xf32, #tpu.memory_space<vmem>>
    %dma_start3A_502 = tpu.memref_squeeze %dma_start3A_501 : memref<1x25x128xf32, #tpu.memory_space<vmem>> -> memref<25x128xf32, #tpu.memory_space<vmem>>
    %dma_start3A_503 = arith.constant 0 : i32
    %dma_start3A_504 = tpu.memref_slice %arg6[%dma_start3A_497, %dma_start3A_503] : memref<8x25xi32, #tpu.memory_space<vmem>> -> memref<1x25xi32, #tpu.memory_space<vmem>>
    %dma_start3A_505 = tpu.memref_squeeze %dma_start3A_504 : memref<1x25xi32, #tpu.memory_space<vmem>> -> memref<25xi32, #tpu.memory_space<vmem>>
    %dma_start3A_506 = arith.constant 0 : i32
    %dma_start3A_507 = arith.constant 0 : i32
    %dma_start3A_508 = tpu.memref_slice %arg2[%dma_start3A_506, %dma_start3A_507] : memref<10000x128xf32, #tpu.memory_space<hbm>> -> memref<10000x128xf32, #tpu.memory_space<hbm>>
    tpu.enqueue_indirect_dma source(%dma_start3A_508 : memref<10000x128xf32, #tpu.memory_space<hbm>>) target(%dma_start3A_502 : memref<25x128xf32, #tpu.memory_space<vmem>>) offsets(%dma_start3A_505 : memref<25xi32, #tpu.memory_space<vmem>>) semaphore(%arg24 : memref<!tpu.dma_semaphore, #tpu.memory_space<semaphore_mem>>)
    %dma_wait3A_509 = arith.constant 0 : i32
    %dma_wait3A_510 = arith.constant 7 : i32
    %dma_wait3A_511 = arith.constant 0 : i32
    %dma_wait3A_512 = tpu.memref_slice %arg6[%dma_wait3A_510, %dma_wait3A_511] : memref<8x25xi32, #tpu.memory_space<vmem>> -> memref<1x25xi32, #tpu.memory_space<vmem>>
    %dma_wait3A_513 = tpu.memref_squeeze %dma_wait3A_512 : memref<1x25xi32, #tpu.memory_space<vmem>> -> memref<25xi32, #tpu.memory_space<vmem>>
    %dma_wait3A_514 = arith.constant 0 : i32
    %dma_wait3A_515 = tpu.memref_slice %arg3[%add3A, %dma_wait3A_509, %dma_wait3A_514] : memref<32x400x25xi32, #tpu.memory_space<hbm>> -> memref<1x1x25xi32, #tpu.memory_space<hbm>>
    %dma_wait3A_516 = tpu.memref_squeeze %dma_wait3A_515 : memref<1x1x25xi32, #tpu.memory_space<hbm>> -> memref<25xi32, #tpu.memory_space<hbm>>
    %dma_wait3A_517 = arith.constant 0 : i32
    %dma_wait3A_518 = tpu.memref_slice %arg6[%dma_wait3A_510, %dma_wait3A_517] : memref<8x25xi32, #tpu.memory_space<vmem>> -> memref<1x25xi32, #tpu.memory_space<vmem>>
    %dma_wait3A_519 = tpu.memref_squeeze %dma_wait3A_518 : memref<1x25xi32, #tpu.memory_space<vmem>> -> memref<25xi32, #tpu.memory_space<vmem>>
    %dma_wait3A_520 = arith.constant 0 : i32
    %dma_wait3A_521 = tpu.memref_slice %arg3[%add3A, %dma_wait3A_509, %dma_wait3A_520] : memref<32x400x25xi32, #tpu.memory_space<hbm>> -> memref<1x1x25xi32, #tpu.memory_space<hbm>>
    %dma_wait3A_522 = tpu.memref_squeeze %dma_wait3A_521 : memref<1x1x25xi32, #tpu.memory_space<hbm>> -> memref<25xi32, #tpu.memory_space<hbm>>
    tpu.wait_dma2 semaphore(%arg17 : memref<!tpu.dma_semaphore, #tpu.memory_space<semaphore_mem>>) src(%dma_wait3A_522 : memref<25xi32, #tpu.memory_space<hbm>>) dst(%dma_wait3A_519 : memref<25xi32, #tpu.memory_space<vmem>>)
    %dma_wait3A_523 = arith.constant 0 : i32
    %dma_wait3A_524 = arith.constant 7 : i32
    %dma_wait3A_525 = arith.constant 0 : i32
    %dma_wait3A_526 = tpu.memref_slice %arg7[%dma_wait3A_524, %dma_wait3A_525] : memref<8x25xi32, #tpu.memory_space<vmem>> -> memref<1x25xi32, #tpu.memory_space<vmem>>
    %dma_wait3A_527 = tpu.memref_squeeze %dma_wait3A_526 : memref<1x25xi32, #tpu.memory_space<vmem>> -> memref<25xi32, #tpu.memory_space<vmem>>
    %dma_wait3A_528 = arith.constant 0 : i32
    %dma_wait3A_529 = tpu.memref_slice %arg4[%add3A, %dma_wait3A_523, %dma_wait3A_528] : memref<32x400x25xi32, #tpu.memory_space<hbm>> -> memref<1x1x25xi32, #tpu.memory_space<hbm>>
    %dma_wait3A_530 = tpu.memref_squeeze %dma_wait3A_529 : memref<1x1x25xi32, #tpu.memory_space<hbm>> -> memref<25xi32, #tpu.memory_space<hbm>>
    %dma_wait3A_531 = arith.constant 0 : i32
    %dma_wait3A_532 = tpu.memref_slice %arg7[%dma_wait3A_524, %dma_wait3A_531] : memref<8x25xi32, #tpu.memory_space<vmem>> -> memref<1x25xi32, #tpu.memory_space<vmem>>
    %dma_wait3A_533 = tpu.memref_squeeze %dma_wait3A_532 : memref<1x25xi32, #tpu.memory_space<vmem>> -> memref<25xi32, #tpu.memory_space<vmem>>
    %dma_wait3A_534 = arith.constant 0 : i32
    %dma_wait3A_535 = tpu.memref_slice %arg4[%add3A, %dma_wait3A_523, %dma_wait3A_534] : memref<32x400x25xi32, #tpu.memory_space<hbm>> -> memref<1x1x25xi32, #tpu.memory_space<hbm>>
    %dma_wait3A_536 = tpu.memref_squeeze %dma_wait3A_535 : memref<1x1x25xi32, #tpu.memory_space<hbm>> -> memref<25xi32, #tpu.memory_space<hbm>>
    tpu.wait_dma2 semaphore(%arg17 : memref<!tpu.dma_semaphore, #tpu.memory_space<semaphore_mem>>) src(%dma_wait3A_536 : memref<25xi32, #tpu.memory_space<hbm>>) dst(%dma_wait3A_533 : memref<25xi32, #tpu.memory_space<vmem>>)
    %dma_start3A_537 = arith.constant 7 : i32
    %dma_start3A_538 = arith.constant 7 : i32
    %dma_start3A_539 = arith.constant 0 : i32
    %dma_start3A_540 = arith.constant 0 : i32
    %dma_start3A_541 = tpu.memref_slice %arg8[%dma_start3A_538, %dma_start3A_539, %dma_start3A_540] : memref<8x25x128xf32, #tpu.memory_space<vmem>> -> memref<1x25x128xf32, #tpu.memory_space<vmem>>
    %dma_start3A_542 = tpu.memref_squeeze %dma_start3A_541 : memref<1x25x128xf32, #tpu.memory_space<vmem>> -> memref<25x128xf32, #tpu.memory_space<vmem>>
    %dma_start3A_543 = arith.constant 0 : i32
    %dma_start3A_544 = tpu.memref_slice %arg6[%dma_start3A_537, %dma_start3A_543] : memref<8x25xi32, #tpu.memory_space<vmem>> -> memref<1x25xi32, #tpu.memory_space<vmem>>
    %dma_start3A_545 = tpu.memref_squeeze %dma_start3A_544 : memref<1x25xi32, #tpu.memory_space<vmem>> -> memref<25xi32, #tpu.memory_space<vmem>>
    %dma_start3A_546 = arith.constant 0 : i32
    %dma_start3A_547 = arith.constant 0 : i32
    %dma_start3A_548 = tpu.memref_slice %arg2[%dma_start3A_546, %dma_start3A_547] : memref<10000x128xf32, #tpu.memory_space<hbm>> -> memref<10000x128xf32, #tpu.memory_space<hbm>>
    tpu.enqueue_indirect_dma source(%dma_start3A_548 : memref<10000x128xf32, #tpu.memory_space<hbm>>) target(%dma_start3A_542 : memref<25x128xf32, #tpu.memory_space<vmem>>) offsets(%dma_start3A_545 : memref<25xi32, #tpu.memory_space<vmem>>) semaphore(%arg25 : memref<!tpu.dma_semaphore, #tpu.memory_space<semaphore_mem>>)
    %scan3A = arith.constant 0 : i32
    %scan3A_549 = arith.constant 0 : i32
    %scan3A_550 = arith.constant 50 : i32
    %scan3A_551 = arith.addi %scan3A_549, %scan3A_550 : i32
    %scan3A_552 = arith.constant 1 : i32
    scf.for %scan3A_564 = %scan3A_549 to %scan3A_551 step %scan3A_552  : i32 {
      %mul3A_565 = arith.constant 8 : i32
      %mul3A_566 = arith.muli %scan3A_564, %mul3A_565 : i32
      %add3A_567 = arith.constant 0 : i32
      %add3A_568 = arith.addi %mul3A_566, %add3A_567 : i32
      %dma_wait3A_569 = arith.constant 0 : i32
      %dma_wait3A_570 = arith.constant 0 : i32
      %dma_wait3A_571 = arith.constant 0 : i32
      %dma_wait3A_572 = arith.constant 0 : i32
      %dma_wait3A_573 = tpu.memref_slice %arg8[%dma_wait3A_570, %dma_wait3A_571, %dma_wait3A_572] : memref<8x25x128xf32, #tpu.memory_space<vmem>> -> memref<1x25x128xf32, #tpu.memory_space<vmem>>
      %dma_wait3A_574 = tpu.memref_squeeze %dma_wait3A_573 : memref<1x25x128xf32, #tpu.memory_space<vmem>> -> memref<25x128xf32, #tpu.memory_space<vmem>>
      %dma_wait3A_575 = arith.constant 0 : i32
      %dma_wait3A_576 = tpu.memref_slice %arg6[%dma_wait3A_569, %dma_wait3A_575] : memref<8x25xi32, #tpu.memory_space<vmem>> -> memref<1x25xi32, #tpu.memory_space<vmem>>
      %dma_wait3A_577 = tpu.memref_squeeze %dma_wait3A_576 : memref<1x25xi32, #tpu.memory_space<vmem>> -> memref<25xi32, #tpu.memory_space<vmem>>
      %dma_wait3A_578 = arith.constant 0 : i32
      %dma_wait3A_579 = arith.constant 0 : i32
      %dma_wait3A_580 = tpu.memref_slice %arg2[%dma_wait3A_578, %dma_wait3A_579] : memref<10000x128xf32, #tpu.memory_space<hbm>> -> memref<10000x128xf32, #tpu.memory_space<hbm>>
      tpu.wait_indirect_dma semaphore(%arg18 : memref<!tpu.dma_semaphore, #tpu.memory_space<semaphore_mem>>) src(%dma_wait3A_580 : memref<10000x128xf32, #tpu.memory_space<hbm>>) dst(%dma_wait3A_574 : memref<25x128xf32, #tpu.memory_space<vmem>>)
      %run_scoped3A = arith.constant 0 : i32
      %run_scoped3A_581 = arith.constant 0 : i32
      "tpu.region"() ({
        %run_scoped3A_819 = tpu.sem_alloc : memref<!tpu.dma_semaphore, #tpu.memory_space<semaphore_mem>>
        %dma_start3A_820 = arith.constant 0 : i32
        %dma_start3A_821 = arith.constant 0 : i32
        %dma_start3A_822 = tpu.memref_slice %arg8[%run_scoped3A, %dma_start3A_820, %dma_start3A_821] : memref<8x25x128xf32, #tpu.memory_space<vmem>> -> memref<1x25x128xf32, #tpu.memory_space<vmem>>
        %dma_start3A_823 = tpu.memref_squeeze %dma_start3A_822 : memref<1x25x128xf32, #tpu.memory_space<vmem>> -> memref<25x128xf32, #tpu.memory_space<vmem>>
        %dma_start3A_824 = arith.constant 0 : i32
        %dma_start3A_825 = tpu.memref_slice %arg7[%run_scoped3A_581, %dma_start3A_824] : memref<8x25xi32, #tpu.memory_space<vmem>> -> memref<1x25xi32, #tpu.memory_space<vmem>>
        %dma_start3A_826 = tpu.memref_squeeze %dma_start3A_825 : memref<1x25xi32, #tpu.memory_space<vmem>> -> memref<25xi32, #tpu.memory_space<vmem>>
        %dma_start3A_827 = arith.constant 0 : i32
        %dma_start3A_828 = arith.constant 0 : i32
        %dma_start3A_829 = tpu.memref_slice %arg9[%dma_start3A_827, %dma_start3A_828] : memref<10000x128xf32, #tpu.memory_space<vmem_shared>> -> memref<10000x128xf32, #tpu.memory_space<vmem_shared>>
        tpu.enqueue_indirect_dma source(%dma_start3A_823 : memref<25x128xf32, #tpu.memory_space<vmem>>) target(%dma_start3A_829 : memref<10000x128xf32, #tpu.memory_space<vmem_shared>>) offsets(%dma_start3A_826 : memref<25xi32, #tpu.memory_space<vmem>>) semaphore(%run_scoped3A_819 : memref<!tpu.dma_semaphore, #tpu.memory_space<semaphore_mem>>) {add = true}
        %dma_wait3A_830 = arith.constant 0 : i32
        %dma_wait3A_831 = arith.constant 0 : i32
        %dma_wait3A_832 = tpu.memref_slice %arg8[%run_scoped3A, %dma_wait3A_830, %dma_wait3A_831] : memref<8x25x128xf32, #tpu.memory_space<vmem>> -> memref<1x25x128xf32, #tpu.memory_space<vmem>>
        %dma_wait3A_833 = tpu.memref_squeeze %dma_wait3A_832 : memref<1x25x128xf32, #tpu.memory_space<vmem>> -> memref<25x128xf32, #tpu.memory_space<vmem>>
        %dma_wait3A_834 = arith.constant 0 : i32
        %dma_wait3A_835 = tpu.memref_slice %arg7[%run_scoped3A_581, %dma_wait3A_834] : memref<8x25xi32, #tpu.memory_space<vmem>> -> memref<1x25xi32, #tpu.memory_space<vmem>>
        %dma_wait3A_836 = tpu.memref_squeeze %dma_wait3A_835 : memref<1x25xi32, #tpu.memory_space<vmem>> -> memref<25xi32, #tpu.memory_space<vmem>>
        %dma_wait3A_837 = arith.constant 0 : i32
        %dma_wait3A_838 = arith.constant 0 : i32
        %dma_wait3A_839 = tpu.memref_slice %arg9[%dma_wait3A_837, %dma_wait3A_838] : memref<10000x128xf32, #tpu.memory_space<vmem_shared>> -> memref<10000x128xf32, #tpu.memory_space<vmem_shared>>
        tpu.wait_indirect_dma semaphore(%run_scoped3A_819 : memref<!tpu.dma_semaphore, #tpu.memory_space<semaphore_mem>>) src(%dma_wait3A_833 : memref<25x128xf32, #tpu.memory_space<vmem>>) dst(%dma_wait3A_839 : memref<10000x128xf32, #tpu.memory_space<vmem_shared>>)
        tpu.yield
      }) : () -> ()
      %add3A_582 = arith.constant 8 : i32
      %add3A_583 = arith.addi %add3A_568, %add3A_582 : i32
      %lt3A = arith.constant 400 : i32
      %lt3A_584 = arith.cmpi slt, %add3A_583, %lt3A : i32
      %convert_element_type3A_585 = arith.extui %lt3A_584 : i1 to i32
      %cond3A_586 = arith.constant 0 : i32
      %cond3A_587 = arith.cmpi ne, %convert_element_type3A_585, %cond3A_586 : i32
      scf.if %cond3A_587 {
        %add3A_819 = arith.constant 8 : i32
        %add3A_820 = arith.addi %add3A_568, %add3A_819 : i32
        %dma_start3A_821 = arith.constant 0 : i32
        %dma_start3A_822 = arith.constant 0 : i32
        %dma_start3A_823 = tpu.memref_slice %arg6[%dma_start3A_821, %dma_start3A_822] : memref<8x25xi32, #tpu.memory_space<vmem>> -> memref<1x25xi32, #tpu.memory_space<vmem>>
        %dma_start3A_824 = tpu.memref_squeeze %dma_start3A_823 : memref<1x25xi32, #tpu.memory_space<vmem>> -> memref<25xi32, #tpu.memory_space<vmem>>
        %dma_start3A_825 = arith.constant 0 : i32
        %dma_start3A_826 = tpu.memref_slice %arg3[%add3A, %add3A_820, %dma_start3A_825] : memref<32x400x25xi32, #tpu.memory_space<hbm>> -> memref<1x1x25xi32, #tpu.memory_space<hbm>>
        %dma_start3A_827 = tpu.memref_squeeze %dma_start3A_826 : memref<1x1x25xi32, #tpu.memory_space<hbm>> -> memref<25xi32, #tpu.memory_space<hbm>>
        %dma_start3A_828 = arith.constant 0 : i32
        %dma_start3A_829 = tpu.memref_slice %arg6[%dma_start3A_821, %dma_start3A_828] : memref<8x25xi32, #tpu.memory_space<vmem>> -> memref<1x25xi32, #tpu.memory_space<vmem>>
        %dma_start3A_830 = tpu.memref_squeeze %dma_start3A_829 : memref<1x25xi32, #tpu.memory_space<vmem>> -> memref<25xi32, #tpu.memory_space<vmem>>
        %dma_start3A_831 = arith.constant 0 : i32
        %dma_start3A_832 = tpu.memref_slice %arg3[%add3A, %add3A_820, %dma_start3A_831] : memref<32x400x25xi32, #tpu.memory_space<hbm>> -> memref<1x1x25xi32, #tpu.memory_space<hbm>>
        %dma_start3A_833 = tpu.memref_squeeze %dma_start3A_832 : memref<1x1x25xi32, #tpu.memory_space<hbm>> -> memref<25xi32, #tpu.memory_space<hbm>>
        tpu.enqueue_dma source(%dma_start3A_833 : memref<25xi32, #tpu.memory_space<hbm>>) target(%dma_start3A_830 : memref<25xi32, #tpu.memory_space<vmem>>) target_semaphore(%arg10 : memref<!tpu.dma_semaphore, #tpu.memory_space<semaphore_mem>>)
        %dma_start3A_834 = arith.constant 0 : i32
        %dma_start3A_835 = arith.constant 0 : i32
        %dma_start3A_836 = tpu.memref_slice %arg7[%dma_start3A_834, %dma_start3A_835] : memref<8x25xi32, #tpu.memory_space<vmem>> -> memref<1x25xi32, #tpu.memory_space<vmem>>
        %dma_start3A_837 = tpu.memref_squeeze %dma_start3A_836 : memref<1x25xi32, #tpu.memory_space<vmem>> -> memref<25xi32, #tpu.memory_space<vmem>>
        %dma_start3A_838 = arith.constant 0 : i32
        %dma_start3A_839 = tpu.memref_slice %arg4[%add3A, %add3A_820, %dma_start3A_838] : memref<32x400x25xi32, #tpu.memory_space<hbm>> -> memref<1x1x25xi32, #tpu.memory_space<hbm>>
        %dma_start3A_840 = tpu.memref_squeeze %dma_start3A_839 : memref<1x1x25xi32, #tpu.memory_space<hbm>> -> memref<25xi32, #tpu.memory_space<hbm>>
        %dma_start3A_841 = arith.constant 0 : i32
        %dma_start3A_842 = tpu.memref_slice %arg7[%dma_start3A_834, %dma_start3A_841] : memref<8x25xi32, #tpu.memory_space<vmem>> -> memref<1x25xi32, #tpu.memory_space<vmem>>
        %dma_start3A_843 = tpu.memref_squeeze %dma_start3A_842 : memref<1x25xi32, #tpu.memory_space<vmem>> -> memref<25xi32, #tpu.memory_space<vmem>>
        %dma_start3A_844 = arith.constant 0 : i32
        %dma_start3A_845 = tpu.memref_slice %arg4[%add3A, %add3A_820, %dma_start3A_844] : memref<32x400x25xi32, #tpu.memory_space<hbm>> -> memref<1x1x25xi32, #tpu.memory_space<hbm>>
        %dma_start3A_846 = tpu.memref_squeeze %dma_start3A_845 : memref<1x1x25xi32, #tpu.memory_space<hbm>> -> memref<25xi32, #tpu.memory_space<hbm>>
        tpu.enqueue_dma source(%dma_start3A_846 : memref<25xi32, #tpu.memory_space<hbm>>) target(%dma_start3A_843 : memref<25xi32, #tpu.memory_space<vmem>>) target_semaphore(%arg10 : memref<!tpu.dma_semaphore, #tpu.memory_space<semaphore_mem>>)
      } else {
      }
      %add3A_588 = arith.constant 8 : i32
      %add3A_589 = arith.addi %add3A_568, %add3A_588 : i32
      %lt3A_590 = arith.constant 400 : i32
      %lt3A_591 = arith.cmpi slt, %add3A_589, %lt3A_590 : i32
      %convert_element_type3A_592 = arith.extui %lt3A_591 : i1 to i32
      %cond3A_593 = arith.constant 0 : i32
      %cond3A_594 = arith.cmpi ne, %convert_element_type3A_592, %cond3A_593 : i32
      scf.if %cond3A_594 {
        %dma_wait3A_819 = arith.constant 0 : i32
        %dma_wait3A_820 = arith.constant 0 : i32
        %dma_wait3A_821 = arith.constant 0 : i32
        %dma_wait3A_822 = tpu.memref_slice %arg6[%dma_wait3A_820, %dma_wait3A_821] : memref<8x25xi32, #tpu.memory_space<vmem>> -> memref<1x25xi32, #tpu.memory_space<vmem>>
        %dma_wait3A_823 = tpu.memref_squeeze %dma_wait3A_822 : memref<1x25xi32, #tpu.memory_space<vmem>> -> memref<25xi32, #tpu.memory_space<vmem>>
        %dma_wait3A_824 = arith.constant 0 : i32
        %dma_wait3A_825 = tpu.memref_slice %arg3[%add3A, %dma_wait3A_819, %dma_wait3A_824] : memref<32x400x25xi32, #tpu.memory_space<hbm>> -> memref<1x1x25xi32, #tpu.memory_space<hbm>>
        %dma_wait3A_826 = tpu.memref_squeeze %dma_wait3A_825 : memref<1x1x25xi32, #tpu.memory_space<hbm>> -> memref<25xi32, #tpu.memory_space<hbm>>
        %dma_wait3A_827 = arith.constant 0 : i32
        %dma_wait3A_828 = tpu.memref_slice %arg6[%dma_wait3A_820, %dma_wait3A_827] : memref<8x25xi32, #tpu.memory_space<vmem>> -> memref<1x25xi32, #tpu.memory_space<vmem>>
        %dma_wait3A_829 = tpu.memref_squeeze %dma_wait3A_828 : memref<1x25xi32, #tpu.memory_space<vmem>> -> memref<25xi32, #tpu.memory_space<vmem>>
        %dma_wait3A_830 = arith.constant 0 : i32
        %dma_wait3A_831 = tpu.memref_slice %arg3[%add3A, %dma_wait3A_819, %dma_wait3A_830] : memref<32x400x25xi32, #tpu.memory_space<hbm>> -> memref<1x1x25xi32, #tpu.memory_space<hbm>>
        %dma_wait3A_832 = tpu.memref_squeeze %dma_wait3A_831 : memref<1x1x25xi32, #tpu.memory_space<hbm>> -> memref<25xi32, #tpu.memory_space<hbm>>
        tpu.wait_dma2 semaphore(%arg10 : memref<!tpu.dma_semaphore, #tpu.memory_space<semaphore_mem>>) src(%dma_wait3A_832 : memref<25xi32, #tpu.memory_space<hbm>>) dst(%dma_wait3A_829 : memref<25xi32, #tpu.memory_space<vmem>>)
        %dma_wait3A_833 = arith.constant 0 : i32
        %dma_wait3A_834 = arith.constant 0 : i32
        %dma_wait3A_835 = arith.constant 0 : i32
        %dma_wait3A_836 = tpu.memref_slice %arg7[%dma_wait3A_834, %dma_wait3A_835] : memref<8x25xi32, #tpu.memory_space<vmem>> -> memref<1x25xi32, #tpu.memory_space<vmem>>
        %dma_wait3A_837 = tpu.memref_squeeze %dma_wait3A_836 : memref<1x25xi32, #tpu.memory_space<vmem>> -> memref<25xi32, #tpu.memory_space<vmem>>
        %dma_wait3A_838 = arith.constant 0 : i32
        %dma_wait3A_839 = tpu.memref_slice %arg4[%add3A, %dma_wait3A_833, %dma_wait3A_838] : memref<32x400x25xi32, #tpu.memory_space<hbm>> -> memref<1x1x25xi32, #tpu.memory_space<hbm>>
        %dma_wait3A_840 = tpu.memref_squeeze %dma_wait3A_839 : memref<1x1x25xi32, #tpu.memory_space<hbm>> -> memref<25xi32, #tpu.memory_space<hbm>>
        %dma_wait3A_841 = arith.constant 0 : i32
        %dma_wait3A_842 = tpu.memref_slice %arg7[%dma_wait3A_834, %dma_wait3A_841] : memref<8x25xi32, #tpu.memory_space<vmem>> -> memref<1x25xi32, #tpu.memory_space<vmem>>
        %dma_wait3A_843 = tpu.memref_squeeze %dma_wait3A_842 : memref<1x25xi32, #tpu.memory_space<vmem>> -> memref<25xi32, #tpu.memory_space<vmem>>
        %dma_wait3A_844 = arith.constant 0 : i32
        %dma_wait3A_845 = tpu.memref_slice %arg4[%add3A, %dma_wait3A_833, %dma_wait3A_844] : memref<32x400x25xi32, #tpu.memory_space<hbm>> -> memref<1x1x25xi32, #tpu.memory_space<hbm>>
        %dma_wait3A_846 = tpu.memref_squeeze %dma_wait3A_845 : memref<1x1x25xi32, #tpu.memory_space<hbm>> -> memref<25xi32, #tpu.memory_space<hbm>>
        tpu.wait_dma2 semaphore(%arg10 : memref<!tpu.dma_semaphore, #tpu.memory_space<semaphore_mem>>) src(%dma_wait3A_846 : memref<25xi32, #tpu.memory_space<hbm>>) dst(%dma_wait3A_843 : memref<25xi32, #tpu.memory_space<vmem>>)
        %dma_start3A_847 = arith.constant 0 : i32
        %dma_start3A_848 = arith.constant 0 : i32
        %dma_start3A_849 = arith.constant 0 : i32
        %dma_start3A_850 = arith.constant 0 : i32
        %dma_start3A_851 = tpu.memref_slice %arg8[%dma_start3A_848, %dma_start3A_849, %dma_start3A_850] : memref<8x25x128xf32, #tpu.memory_space<vmem>> -> memref<1x25x128xf32, #tpu.memory_space<vmem>>
        %dma_start3A_852 = tpu.memref_squeeze %dma_start3A_851 : memref<1x25x128xf32, #tpu.memory_space<vmem>> -> memref<25x128xf32, #tpu.memory_space<vmem>>
        %dma_start3A_853 = arith.constant 0 : i32
        %dma_start3A_854 = tpu.memref_slice %arg6[%dma_start3A_847, %dma_start3A_853] : memref<8x25xi32, #tpu.memory_space<vmem>> -> memref<1x25xi32, #tpu.memory_space<vmem>>
        %dma_start3A_855 = tpu.memref_squeeze %dma_start3A_854 : memref<1x25xi32, #tpu.memory_space<vmem>> -> memref<25xi32, #tpu.memory_space<vmem>>
        %dma_start3A_856 = arith.constant 0 : i32
        %dma_start3A_857 = arith.constant 0 : i32
        %dma_start3A_858 = tpu.memref_slice %arg2[%dma_start3A_856, %dma_start3A_857] : memref<10000x128xf32, #tpu.memory_space<hbm>> -> memref<10000x128xf32, #tpu.memory_space<hbm>>
        tpu.enqueue_indirect_dma source(%dma_start3A_858 : memref<10000x128xf32, #tpu.memory_space<hbm>>) target(%dma_start3A_852 : memref<25x128xf32, #tpu.memory_space<vmem>>) offsets(%dma_start3A_855 : memref<25xi32, #tpu.memory_space<vmem>>) semaphore(%arg18 : memref<!tpu.dma_semaphore, #tpu.memory_space<semaphore_mem>>)
      } else {
      }
      %mul3A_595 = arith.constant 8 : i32
      %mul3A_596 = arith.muli %scan3A_564, %mul3A_595 : i32
      %add3A_597 = arith.constant 1 : i32
      %add3A_598 = arith.addi %mul3A_596, %add3A_597 : i32
      %dma_wait3A_599 = arith.constant 0 : i32
      %dma_wait3A_600 = arith.constant 1 : i32
      %dma_wait3A_601 = arith.constant 0 : i32
      %dma_wait3A_602 = arith.constant 0 : i32
      %dma_wait3A_603 = tpu.memref_slice %arg8[%dma_wait3A_600, %dma_wait3A_601, %dma_wait3A_602] : memref<8x25x128xf32, #tpu.memory_space<vmem>> -> memref<1x25x128xf32, #tpu.memory_space<vmem>>
      %dma_wait3A_604 = tpu.memref_squeeze %dma_wait3A_603 : memref<1x25x128xf32, #tpu.memory_space<vmem>> -> memref<25x128xf32, #tpu.memory_space<vmem>>
      %dma_wait3A_605 = arith.constant 0 : i32
      %dma_wait3A_606 = tpu.memref_slice %arg6[%dma_wait3A_599, %dma_wait3A_605] : memref<8x25xi32, #tpu.memory_space<vmem>> -> memref<1x25xi32, #tpu.memory_space<vmem>>
      %dma_wait3A_607 = tpu.memref_squeeze %dma_wait3A_606 : memref<1x25xi32, #tpu.memory_space<vmem>> -> memref<25xi32, #tpu.memory_space<vmem>>
      %dma_wait3A_608 = arith.constant 0 : i32
      %dma_wait3A_609 = arith.constant 0 : i32
      %dma_wait3A_610 = tpu.memref_slice %arg2[%dma_wait3A_608, %dma_wait3A_609] : memref<10000x128xf32, #tpu.memory_space<hbm>> -> memref<10000x128xf32, #tpu.memory_space<hbm>>
      tpu.wait_indirect_dma semaphore(%arg19 : memref<!tpu.dma_semaphore, #tpu.memory_space<semaphore_mem>>) src(%dma_wait3A_610 : memref<10000x128xf32, #tpu.memory_space<hbm>>) dst(%dma_wait3A_604 : memref<25x128xf32, #tpu.memory_space<vmem>>)
      %run_scoped3A_611 = arith.constant 1 : i32
      %run_scoped3A_612 = arith.constant 1 : i32
      "tpu.region"() ({
        %run_scoped3A_819 = tpu.sem_alloc : memref<!tpu.dma_semaphore, #tpu.memory_space<semaphore_mem>>
        %dma_start3A_820 = arith.constant 0 : i32
        %dma_start3A_821 = arith.constant 0 : i32
        %dma_start3A_822 = tpu.memref_slice %arg8[%run_scoped3A_611, %dma_start3A_820, %dma_start3A_821] : memref<8x25x128xf32, #tpu.memory_space<vmem>> -> memref<1x25x128xf32, #tpu.memory_space<vmem>>
        %dma_start3A_823 = tpu.memref_squeeze %dma_start3A_822 : memref<1x25x128xf32, #tpu.memory_space<vmem>> -> memref<25x128xf32, #tpu.memory_space<vmem>>
        %dma_start3A_824 = arith.constant 0 : i32
        %dma_start3A_825 = tpu.memref_slice %arg7[%run_scoped3A_612, %dma_start3A_824] : memref<8x25xi32, #tpu.memory_space<vmem>> -> memref<1x25xi32, #tpu.memory_space<vmem>>
        %dma_start3A_826 = tpu.memref_squeeze %dma_start3A_825 : memref<1x25xi32, #tpu.memory_space<vmem>> -> memref<25xi32, #tpu.memory_space<vmem>>
        %dma_start3A_827 = arith.constant 0 : i32
        %dma_start3A_828 = arith.constant 0 : i32
        %dma_start3A_829 = tpu.memref_slice %arg9[%dma_start3A_827, %dma_start3A_828] : memref<10000x128xf32, #tpu.memory_space<vmem_shared>> -> memref<10000x128xf32, #tpu.memory_space<vmem_shared>>
        tpu.enqueue_indirect_dma source(%dma_start3A_823 : memref<25x128xf32, #tpu.memory_space<vmem>>) target(%dma_start3A_829 : memref<10000x128xf32, #tpu.memory_space<vmem_shared>>) offsets(%dma_start3A_826 : memref<25xi32, #tpu.memory_space<vmem>>) semaphore(%run_scoped3A_819 : memref<!tpu.dma_semaphore, #tpu.memory_space<semaphore_mem>>) {add = true}
        %dma_wait3A_830 = arith.constant 0 : i32
        %dma_wait3A_831 = arith.constant 0 : i32
        %dma_wait3A_832 = tpu.memref_slice %arg8[%run_scoped3A_611, %dma_wait3A_830, %dma_wait3A_831] : memref<8x25x128xf32, #tpu.memory_space<vmem>> -> memref<1x25x128xf32, #tpu.memory_space<vmem>>
        %dma_wait3A_833 = tpu.memref_squeeze %dma_wait3A_832 : memref<1x25x128xf32, #tpu.memory_space<vmem>> -> memref<25x128xf32, #tpu.memory_space<vmem>>
        %dma_wait3A_834 = arith.constant 0 : i32
        %dma_wait3A_835 = tpu.memref_slice %arg7[%run_scoped3A_612, %dma_wait3A_834] : memref<8x25xi32, #tpu.memory_space<vmem>> -> memref<1x25xi32, #tpu.memory_space<vmem>>
        %dma_wait3A_836 = tpu.memref_squeeze %dma_wait3A_835 : memref<1x25xi32, #tpu.memory_space<vmem>> -> memref<25xi32, #tpu.memory_space<vmem>>
        %dma_wait3A_837 = arith.constant 0 : i32
        %dma_wait3A_838 = arith.constant 0 : i32
        %dma_wait3A_839 = tpu.memref_slice %arg9[%dma_wait3A_837, %dma_wait3A_838] : memref<10000x128xf32, #tpu.memory_space<vmem_shared>> -> memref<10000x128xf32, #tpu.memory_space<vmem_shared>>
        tpu.wait_indirect_dma semaphore(%run_scoped3A_819 : memref<!tpu.dma_semaphore, #tpu.memory_space<semaphore_mem>>) src(%dma_wait3A_833 : memref<25x128xf32, #tpu.memory_space<vmem>>) dst(%dma_wait3A_839 : memref<10000x128xf32, #tpu.memory_space<vmem_shared>>)
        tpu.yield
      }) : () -> ()
      %add3A_613 = arith.constant 8 : i32
      %add3A_614 = arith.addi %add3A_598, %add3A_613 : i32
      %lt3A_615 = arith.constant 400 : i32
      %lt3A_616 = arith.cmpi slt, %add3A_614, %lt3A_615 : i32
      %convert_element_type3A_617 = arith.extui %lt3A_616 : i1 to i32
      %cond3A_618 = arith.constant 0 : i32
      %cond3A_619 = arith.cmpi ne, %convert_element_type3A_617, %cond3A_618 : i32
      scf.if %cond3A_619 {
        %add3A_819 = arith.constant 8 : i32
        %add3A_820 = arith.addi %add3A_598, %add3A_819 : i32
        %dma_start3A_821 = arith.constant 1 : i32
        %dma_start3A_822 = arith.constant 0 : i32
        %dma_start3A_823 = tpu.memref_slice %arg6[%dma_start3A_821, %dma_start3A_822] : memref<8x25xi32, #tpu.memory_space<vmem>> -> memref<1x25xi32, #tpu.memory_space<vmem>>
        %dma_start3A_824 = tpu.memref_squeeze %dma_start3A_823 : memref<1x25xi32, #tpu.memory_space<vmem>> -> memref<25xi32, #tpu.memory_space<vmem>>
        %dma_start3A_825 = arith.constant 0 : i32
        %dma_start3A_826 = tpu.memref_slice %arg3[%add3A, %add3A_820, %dma_start3A_825] : memref<32x400x25xi32, #tpu.memory_space<hbm>> -> memref<1x1x25xi32, #tpu.memory_space<hbm>>
        %dma_start3A_827 = tpu.memref_squeeze %dma_start3A_826 : memref<1x1x25xi32, #tpu.memory_space<hbm>> -> memref<25xi32, #tpu.memory_space<hbm>>
        %dma_start3A_828 = arith.constant 0 : i32
        %dma_start3A_829 = tpu.memref_slice %arg6[%dma_start3A_821, %dma_start3A_828] : memref<8x25xi32, #tpu.memory_space<vmem>> -> memref<1x25xi32, #tpu.memory_space<vmem>>
        %dma_start3A_830 = tpu.memref_squeeze %dma_start3A_829 : memref<1x25xi32, #tpu.memory_space<vmem>> -> memref<25xi32, #tpu.memory_space<vmem>>
        %dma_start3A_831 = arith.constant 0 : i32
        %dma_start3A_832 = tpu.memref_slice %arg3[%add3A, %add3A_820, %dma_start3A_831] : memref<32x400x25xi32, #tpu.memory_space<hbm>> -> memref<1x1x25xi32, #tpu.memory_space<hbm>>
        %dma_start3A_833 = tpu.memref_squeeze %dma_start3A_832 : memref<1x1x25xi32, #tpu.memory_space<hbm>> -> memref<25xi32, #tpu.memory_space<hbm>>
        tpu.enqueue_dma source(%dma_start3A_833 : memref<25xi32, #tpu.memory_space<hbm>>) target(%dma_start3A_830 : memref<25xi32, #tpu.memory_space<vmem>>) target_semaphore(%arg11 : memref<!tpu.dma_semaphore, #tpu.memory_space<semaphore_mem>>)
        %dma_start3A_834 = arith.constant 1 : i32
        %dma_start3A_835 = arith.constant 0 : i32
        %dma_start3A_836 = tpu.memref_slice %arg7[%dma_start3A_834, %dma_start3A_835] : memref<8x25xi32, #tpu.memory_space<vmem>> -> memref<1x25xi32, #tpu.memory_space<vmem>>
        %dma_start3A_837 = tpu.memref_squeeze %dma_start3A_836 : memref<1x25xi32, #tpu.memory_space<vmem>> -> memref<25xi32, #tpu.memory_space<vmem>>
        %dma_start3A_838 = arith.constant 0 : i32
        %dma_start3A_839 = tpu.memref_slice %arg4[%add3A, %add3A_820, %dma_start3A_838] : memref<32x400x25xi32, #tpu.memory_space<hbm>> -> memref<1x1x25xi32, #tpu.memory_space<hbm>>
        %dma_start3A_840 = tpu.memref_squeeze %dma_start3A_839 : memref<1x1x25xi32, #tpu.memory_space<hbm>> -> memref<25xi32, #tpu.memory_space<hbm>>
        %dma_start3A_841 = arith.constant 0 : i32
        %dma_start3A_842 = tpu.memref_slice %arg7[%dma_start3A_834, %dma_start3A_841] : memref<8x25xi32, #tpu.memory_space<vmem>> -> memref<1x25xi32, #tpu.memory_space<vmem>>
        %dma_start3A_843 = tpu.memref_squeeze %dma_start3A_842 : memref<1x25xi32, #tpu.memory_space<vmem>> -> memref<25xi32, #tpu.memory_space<vmem>>
        %dma_start3A_844 = arith.constant 0 : i32
        %dma_start3A_845 = tpu.memref_slice %arg4[%add3A, %add3A_820, %dma_start3A_844] : memref<32x400x25xi32, #tpu.memory_space<hbm>> -> memref<1x1x25xi32, #tpu.memory_space<hbm>>
        %dma_start3A_846 = tpu.memref_squeeze %dma_start3A_845 : memref<1x1x25xi32, #tpu.memory_space<hbm>> -> memref<25xi32, #tpu.memory_space<hbm>>
        tpu.enqueue_dma source(%dma_start3A_846 : memref<25xi32, #tpu.memory_space<hbm>>) target(%dma_start3A_843 : memref<25xi32, #tpu.memory_space<vmem>>) target_semaphore(%arg11 : memref<!tpu.dma_semaphore, #tpu.memory_space<semaphore_mem>>)
      } else {
      }
      %add3A_620 = arith.constant 8 : i32
      %add3A_621 = arith.addi %add3A_598, %add3A_620 : i32
      %lt3A_622 = arith.constant 400 : i32
      %lt3A_623 = arith.cmpi slt, %add3A_621, %lt3A_622 : i32
      %convert_element_type3A_624 = arith.extui %lt3A_623 : i1 to i32
      %cond3A_625 = arith.constant 0 : i32
      %cond3A_626 = arith.cmpi ne, %convert_element_type3A_624, %cond3A_625 : i32
      scf.if %cond3A_626 {
        %dma_wait3A_819 = arith.constant 0 : i32
        %dma_wait3A_820 = arith.constant 1 : i32
        %dma_wait3A_821 = arith.constant 0 : i32
        %dma_wait3A_822 = tpu.memref_slice %arg6[%dma_wait3A_820, %dma_wait3A_821] : memref<8x25xi32, #tpu.memory_space<vmem>> -> memref<1x25xi32, #tpu.memory_space<vmem>>
        %dma_wait3A_823 = tpu.memref_squeeze %dma_wait3A_822 : memref<1x25xi32, #tpu.memory_space<vmem>> -> memref<25xi32, #tpu.memory_space<vmem>>
        %dma_wait3A_824 = arith.constant 0 : i32
        %dma_wait3A_825 = tpu.memref_slice %arg3[%add3A, %dma_wait3A_819, %dma_wait3A_824] : memref<32x400x25xi32, #tpu.memory_space<hbm>> -> memref<1x1x25xi32, #tpu.memory_space<hbm>>
        %dma_wait3A_826 = tpu.memref_squeeze %dma_wait3A_825 : memref<1x1x25xi32, #tpu.memory_space<hbm>> -> memref<25xi32, #tpu.memory_space<hbm>>
        %dma_wait3A_827 = arith.constant 0 : i32
        %dma_wait3A_828 = tpu.memref_slice %arg6[%dma_wait3A_820, %dma_wait3A_827] : memref<8x25xi32, #tpu.memory_space<vmem>> -> memref<1x25xi32, #tpu.memory_space<vmem>>
        %dma_wait3A_829 = tpu.memref_squeeze %dma_wait3A_828 : memref<1x25xi32, #tpu.memory_space<vmem>> -> memref<25xi32, #tpu.memory_space<vmem>>
        %dma_wait3A_830 = arith.constant 0 : i32
        %dma_wait3A_831 = tpu.memref_slice %arg3[%add3A, %dma_wait3A_819, %dma_wait3A_830] : memref<32x400x25xi32, #tpu.memory_space<hbm>> -> memref<1x1x25xi32, #tpu.memory_space<hbm>>
        %dma_wait3A_832 = tpu.memref_squeeze %dma_wait3A_831 : memref<1x1x25xi32, #tpu.memory_space<hbm>> -> memref<25xi32, #tpu.memory_space<hbm>>
        tpu.wait_dma2 semaphore(%arg11 : memref<!tpu.dma_semaphore, #tpu.memory_space<semaphore_mem>>) src(%dma_wait3A_832 : memref<25xi32, #tpu.memory_space<hbm>>) dst(%dma_wait3A_829 : memref<25xi32, #tpu.memory_space<vmem>>)
        %dma_wait3A_833 = arith.constant 0 : i32
        %dma_wait3A_834 = arith.constant 1 : i32
        %dma_wait3A_835 = arith.constant 0 : i32
        %dma_wait3A_836 = tpu.memref_slice %arg7[%dma_wait3A_834, %dma_wait3A_835] : memref<8x25xi32, #tpu.memory_space<vmem>> -> memref<1x25xi32, #tpu.memory_space<vmem>>
        %dma_wait3A_837 = tpu.memref_squeeze %dma_wait3A_836 : memref<1x25xi32, #tpu.memory_space<vmem>> -> memref<25xi32, #tpu.memory_space<vmem>>
        %dma_wait3A_838 = arith.constant 0 : i32
        %dma_wait3A_839 = tpu.memref_slice %arg4[%add3A, %dma_wait3A_833, %dma_wait3A_838] : memref<32x400x25xi32, #tpu.memory_space<hbm>> -> memref<1x1x25xi32, #tpu.memory_space<hbm>>
        %dma_wait3A_840 = tpu.memref_squeeze %dma_wait3A_839 : memref<1x1x25xi32, #tpu.memory_space<hbm>> -> memref<25xi32, #tpu.memory_space<hbm>>
        %dma_wait3A_841 = arith.constant 0 : i32
        %dma_wait3A_842 = tpu.memref_slice %arg7[%dma_wait3A_834, %dma_wait3A_841] : memref<8x25xi32, #tpu.memory_space<vmem>> -> memref<1x25xi32, #tpu.memory_space<vmem>>
        %dma_wait3A_843 = tpu.memref_squeeze %dma_wait3A_842 : memref<1x25xi32, #tpu.memory_space<vmem>> -> memref<25xi32, #tpu.memory_space<vmem>>
        %dma_wait3A_844 = arith.constant 0 : i32
        %dma_wait3A_845 = tpu.memref_slice %arg4[%add3A, %dma_wait3A_833, %dma_wait3A_844] : memref<32x400x25xi32, #tpu.memory_space<hbm>> -> memref<1x1x25xi32, #tpu.memory_space<hbm>>
        %dma_wait3A_846 = tpu.memref_squeeze %dma_wait3A_845 : memref<1x1x25xi32, #tpu.memory_space<hbm>> -> memref<25xi32, #tpu.memory_space<hbm>>
        tpu.wait_dma2 semaphore(%arg11 : memref<!tpu.dma_semaphore, #tpu.memory_space<semaphore_mem>>) src(%dma_wait3A_846 : memref<25xi32, #tpu.memory_space<hbm>>) dst(%dma_wait3A_843 : memref<25xi32, #tpu.memory_space<vmem>>)
        %dma_start3A_847 = arith.constant 1 : i32
        %dma_start3A_848 = arith.constant 1 : i32
        %dma_start3A_849 = arith.constant 0 : i32
        %dma_start3A_850 = arith.constant 0 : i32
        %dma_start3A_851 = tpu.memref_slice %arg8[%dma_start3A_848, %dma_start3A_849, %dma_start3A_850] : memref<8x25x128xf32, #tpu.memory_space<vmem>> -> memref<1x25x128xf32, #tpu.memory_space<vmem>>
        %dma_start3A_852 = tpu.memref_squeeze %dma_start3A_851 : memref<1x25x128xf32, #tpu.memory_space<vmem>> -> memref<25x128xf32, #tpu.memory_space<vmem>>
        %dma_start3A_853 = arith.constant 0 : i32
        %dma_start3A_854 = tpu.memref_slice %arg6[%dma_start3A_847, %dma_start3A_853] : memref<8x25xi32, #tpu.memory_space<vmem>> -> memref<1x25xi32, #tpu.memory_space<vmem>>
        %dma_start3A_855 = tpu.memref_squeeze %dma_start3A_854 : memref<1x25xi32, #tpu.memory_space<vmem>> -> memref<25xi32, #tpu.memory_space<vmem>>
        %dma_start3A_856 = arith.constant 0 : i32
        %dma_start3A_857 = arith.constant 0 : i32
        %dma_start3A_858 = tpu.memref_slice %arg2[%dma_start3A_856, %dma_start3A_857] : memref<10000x128xf32, #tpu.memory_space<hbm>> -> memref<10000x128xf32, #tpu.memory_space<hbm>>
        tpu.enqueue_indirect_dma source(%dma_start3A_858 : memref<10000x128xf32, #tpu.memory_space<hbm>>) target(%dma_start3A_852 : memref<25x128xf32, #tpu.memory_space<vmem>>) offsets(%dma_start3A_855 : memref<25xi32, #tpu.memory_space<vmem>>) semaphore(%arg19 : memref<!tpu.dma_semaphore, #tpu.memory_space<semaphore_mem>>)
      } else {
      }
      %mul3A_627 = arith.constant 8 : i32
      %mul3A_628 = arith.muli %scan3A_564, %mul3A_627 : i32
      %add3A_629 = arith.constant 2 : i32
      %add3A_630 = arith.addi %mul3A_628, %add3A_629 : i32
      %dma_wait3A_631 = arith.constant 0 : i32
      %dma_wait3A_632 = arith.constant 2 : i32
      %dma_wait3A_633 = arith.constant 0 : i32
      %dma_wait3A_634 = arith.constant 0 : i32
      %dma_wait3A_635 = tpu.memref_slice %arg8[%dma_wait3A_632, %dma_wait3A_633, %dma_wait3A_634] : memref<8x25x128xf32, #tpu.memory_space<vmem>> -> memref<1x25x128xf32, #tpu.memory_space<vmem>>
      %dma_wait3A_636 = tpu.memref_squeeze %dma_wait3A_635 : memref<1x25x128xf32, #tpu.memory_space<vmem>> -> memref<25x128xf32, #tpu.memory_space<vmem>>
      %dma_wait3A_637 = arith.constant 0 : i32
      %dma_wait3A_638 = tpu.memref_slice %arg6[%dma_wait3A_631, %dma_wait3A_637] : memref<8x25xi32, #tpu.memory_space<vmem>> -> memref<1x25xi32, #tpu.memory_space<vmem>>
      %dma_wait3A_639 = tpu.memref_squeeze %dma_wait3A_638 : memref<1x25xi32, #tpu.memory_space<vmem>> -> memref<25xi32, #tpu.memory_space<vmem>>
      %dma_wait3A_640 = arith.constant 0 : i32
      %dma_wait3A_641 = arith.constant 0 : i32
      %dma_wait3A_642 = tpu.memref_slice %arg2[%dma_wait3A_640, %dma_wait3A_641] : memref<10000x128xf32, #tpu.memory_space<hbm>> -> memref<10000x128xf32, #tpu.memory_space<hbm>>
      tpu.wait_indirect_dma semaphore(%arg20 : memref<!tpu.dma_semaphore, #tpu.memory_space<semaphore_mem>>) src(%dma_wait3A_642 : memref<10000x128xf32, #tpu.memory_space<hbm>>) dst(%dma_wait3A_636 : memref<25x128xf32, #tpu.memory_space<vmem>>)
      %run_scoped3A_643 = arith.constant 2 : i32
      %run_scoped3A_644 = arith.constant 2 : i32
      "tpu.region"() ({
        %run_scoped3A_819 = tpu.sem_alloc : memref<!tpu.dma_semaphore, #tpu.memory_space<semaphore_mem>>
        %dma_start3A_820 = arith.constant 0 : i32
        %dma_start3A_821 = arith.constant 0 : i32
        %dma_start3A_822 = tpu.memref_slice %arg8[%run_scoped3A_643, %dma_start3A_820, %dma_start3A_821] : memref<8x25x128xf32, #tpu.memory_space<vmem>> -> memref<1x25x128xf32, #tpu.memory_space<vmem>>
        %dma_start3A_823 = tpu.memref_squeeze %dma_start3A_822 : memref<1x25x128xf32, #tpu.memory_space<vmem>> -> memref<25x128xf32, #tpu.memory_space<vmem>>
        %dma_start3A_824 = arith.constant 0 : i32
        %dma_start3A_825 = tpu.memref_slice %arg7[%run_scoped3A_644, %dma_start3A_824] : memref<8x25xi32, #tpu.memory_space<vmem>> -> memref<1x25xi32, #tpu.memory_space<vmem>>
        %dma_start3A_826 = tpu.memref_squeeze %dma_start3A_825 : memref<1x25xi32, #tpu.memory_space<vmem>> -> memref<25xi32, #tpu.memory_space<vmem>>
        %dma_start3A_827 = arith.constant 0 : i32
        %dma_start3A_828 = arith.constant 0 : i32
        %dma_start3A_829 = tpu.memref_slice %arg9[%dma_start3A_827, %dma_start3A_828] : memref<10000x128xf32, #tpu.memory_space<vmem_shared>> -> memref<10000x128xf32, #tpu.memory_space<vmem_shared>>
        tpu.enqueue_indirect_dma source(%dma_start3A_823 : memref<25x128xf32, #tpu.memory_space<vmem>>) target(%dma_start3A_829 : memref<10000x128xf32, #tpu.memory_space<vmem_shared>>) offsets(%dma_start3A_826 : memref<25xi32, #tpu.memory_space<vmem>>) semaphore(%run_scoped3A_819 : memref<!tpu.dma_semaphore, #tpu.memory_space<semaphore_mem>>) {add = true}
        %dma_wait3A_830 = arith.constant 0 : i32
        %dma_wait3A_831 = arith.constant 0 : i32
        %dma_wait3A_832 = tpu.memref_slice %arg8[%run_scoped3A_643, %dma_wait3A_830, %dma_wait3A_831] : memref<8x25x128xf32, #tpu.memory_space<vmem>> -> memref<1x25x128xf32, #tpu.memory_space<vmem>>
        %dma_wait3A_833 = tpu.memref_squeeze %dma_wait3A_832 : memref<1x25x128xf32, #tpu.memory_space<vmem>> -> memref<25x128xf32, #tpu.memory_space<vmem>>
        %dma_wait3A_834 = arith.constant 0 : i32
        %dma_wait3A_835 = tpu.memref_slice %arg7[%run_scoped3A_644, %dma_wait3A_834] : memref<8x25xi32, #tpu.memory_space<vmem>> -> memref<1x25xi32, #tpu.memory_space<vmem>>
        %dma_wait3A_836 = tpu.memref_squeeze %dma_wait3A_835 : memref<1x25xi32, #tpu.memory_space<vmem>> -> memref<25xi32, #tpu.memory_space<vmem>>
        %dma_wait3A_837 = arith.constant 0 : i32
        %dma_wait3A_838 = arith.constant 0 : i32
        %dma_wait3A_839 = tpu.memref_slice %arg9[%dma_wait3A_837, %dma_wait3A_838] : memref<10000x128xf32, #tpu.memory_space<vmem_shared>> -> memref<10000x128xf32, #tpu.memory_space<vmem_shared>>
        tpu.wait_indirect_dma semaphore(%run_scoped3A_819 : memref<!tpu.dma_semaphore, #tpu.memory_space<semaphore_mem>>) src(%dma_wait3A_833 : memref<25x128xf32, #tpu.memory_space<vmem>>) dst(%dma_wait3A_839 : memref<10000x128xf32, #tpu.memory_space<vmem_shared>>)
        tpu.yield
      }) : () -> ()
      %add3A_645 = arith.constant 8 : i32
      %add3A_646 = arith.addi %add3A_630, %add3A_645 : i32
      %lt3A_647 = arith.constant 400 : i32
      %lt3A_648 = arith.cmpi slt, %add3A_646, %lt3A_647 : i32
      %convert_element_type3A_649 = arith.extui %lt3A_648 : i1 to i32
      %cond3A_650 = arith.constant 0 : i32
      %cond3A_651 = arith.cmpi ne, %convert_element_type3A_649, %cond3A_650 : i32
      scf.if %cond3A_651 {
        %add3A_819 = arith.constant 8 : i32
        %add3A_820 = arith.addi %add3A_630, %add3A_819 : i32
        %dma_start3A_821 = arith.constant 2 : i32
        %dma_start3A_822 = arith.constant 0 : i32
        %dma_start3A_823 = tpu.memref_slice %arg6[%dma_start3A_821, %dma_start3A_822] : memref<8x25xi32, #tpu.memory_space<vmem>> -> memref<1x25xi32, #tpu.memory_space<vmem>>
        %dma_start3A_824 = tpu.memref_squeeze %dma_start3A_823 : memref<1x25xi32, #tpu.memory_space<vmem>> -> memref<25xi32, #tpu.memory_space<vmem>>
        %dma_start3A_825 = arith.constant 0 : i32
        %dma_start3A_826 = tpu.memref_slice %arg3[%add3A, %add3A_820, %dma_start3A_825] : memref<32x400x25xi32, #tpu.memory_space<hbm>> -> memref<1x1x25xi32, #tpu.memory_space<hbm>>
        %dma_start3A_827 = tpu.memref_squeeze %dma_start3A_826 : memref<1x1x25xi32, #tpu.memory_space<hbm>> -> memref<25xi32, #tpu.memory_space<hbm>>
        %dma_start3A_828 = arith.constant 0 : i32
        %dma_start3A_829 = tpu.memref_slice %arg6[%dma_start3A_821, %dma_start3A_828] : memref<8x25xi32, #tpu.memory_space<vmem>> -> memref<1x25xi32, #tpu.memory_space<vmem>>
        %dma_start3A_830 = tpu.memref_squeeze %dma_start3A_829 : memref<1x25xi32, #tpu.memory_space<vmem>> -> memref<25xi32, #tpu.memory_space<vmem>>
        %dma_start3A_831 = arith.constant 0 : i32
        %dma_start3A_832 = tpu.memref_slice %arg3[%add3A, %add3A_820, %dma_start3A_831] : memref<32x400x25xi32, #tpu.memory_space<hbm>> -> memref<1x1x25xi32, #tpu.memory_space<hbm>>
        %dma_start3A_833 = tpu.memref_squeeze %dma_start3A_832 : memref<1x1x25xi32, #tpu.memory_space<hbm>> -> memref<25xi32, #tpu.memory_space<hbm>>
        tpu.enqueue_dma source(%dma_start3A_833 : memref<25xi32, #tpu.memory_space<hbm>>) target(%dma_start3A_830 : memref<25xi32, #tpu.memory_space<vmem>>) target_semaphore(%arg12 : memref<!tpu.dma_semaphore, #tpu.memory_space<semaphore_mem>>)
        %dma_start3A_834 = arith.constant 2 : i32
        %dma_start3A_835 = arith.constant 0 : i32
        %dma_start3A_836 = tpu.memref_slice %arg7[%dma_start3A_834, %dma_start3A_835] : memref<8x25xi32, #tpu.memory_space<vmem>> -> memref<1x25xi32, #tpu.memory_space<vmem>>
        %dma_start3A_837 = tpu.memref_squeeze %dma_start3A_836 : memref<1x25xi32, #tpu.memory_space<vmem>> -> memref<25xi32, #tpu.memory_space<vmem>>
        %dma_start3A_838 = arith.constant 0 : i32
        %dma_start3A_839 = tpu.memref_slice %arg4[%add3A, %add3A_820, %dma_start3A_838] : memref<32x400x25xi32, #tpu.memory_space<hbm>> -> memref<1x1x25xi32, #tpu.memory_space<hbm>>
        %dma_start3A_840 = tpu.memref_squeeze %dma_start3A_839 : memref<1x1x25xi32, #tpu.memory_space<hbm>> -> memref<25xi32, #tpu.memory_space<hbm>>
        %dma_start3A_841 = arith.constant 0 : i32
        %dma_start3A_842 = tpu.memref_slice %arg7[%dma_start3A_834, %dma_start3A_841] : memref<8x25xi32, #tpu.memory_space<vmem>> -> memref<1x25xi32, #tpu.memory_space<vmem>>
        %dma_start3A_843 = tpu.memref_squeeze %dma_start3A_842 : memref<1x25xi32, #tpu.memory_space<vmem>> -> memref<25xi32, #tpu.memory_space<vmem>>
        %dma_start3A_844 = arith.constant 0 : i32
        %dma_start3A_845 = tpu.memref_slice %arg4[%add3A, %add3A_820, %dma_start3A_844] : memref<32x400x25xi32, #tpu.memory_space<hbm>> -> memref<1x1x25xi32, #tpu.memory_space<hbm>>
        %dma_start3A_846 = tpu.memref_squeeze %dma_start3A_845 : memref<1x1x25xi32, #tpu.memory_space<hbm>> -> memref<25xi32, #tpu.memory_space<hbm>>
        tpu.enqueue_dma source(%dma_start3A_846 : memref<25xi32, #tpu.memory_space<hbm>>) target(%dma_start3A_843 : memref<25xi32, #tpu.memory_space<vmem>>) target_semaphore(%arg12 : memref<!tpu.dma_semaphore, #tpu.memory_space<semaphore_mem>>)
      } else {
      }
      %add3A_652 = arith.constant 8 : i32
      %add3A_653 = arith.addi %add3A_630, %add3A_652 : i32
      %lt3A_654 = arith.constant 400 : i32
      %lt3A_655 = arith.cmpi slt, %add3A_653, %lt3A_654 : i32
      %convert_element_type3A_656 = arith.extui %lt3A_655 : i1 to i32
      %cond3A_657 = arith.constant 0 : i32
      %cond3A_658 = arith.cmpi ne, %convert_element_type3A_656, %cond3A_657 : i32
      scf.if %cond3A_658 {
        %dma_wait3A_819 = arith.constant 0 : i32
        %dma_wait3A_820 = arith.constant 2 : i32
        %dma_wait3A_821 = arith.constant 0 : i32
        %dma_wait3A_822 = tpu.memref_slice %arg6[%dma_wait3A_820, %dma_wait3A_821] : memref<8x25xi32, #tpu.memory_space<vmem>> -> memref<1x25xi32, #tpu.memory_space<vmem>>
        %dma_wait3A_823 = tpu.memref_squeeze %dma_wait3A_822 : memref<1x25xi32, #tpu.memory_space<vmem>> -> memref<25xi32, #tpu.memory_space<vmem>>
        %dma_wait3A_824 = arith.constant 0 : i32
        %dma_wait3A_825 = tpu.memref_slice %arg3[%add3A, %dma_wait3A_819, %dma_wait3A_824] : memref<32x400x25xi32, #tpu.memory_space<hbm>> -> memref<1x1x25xi32, #tpu.memory_space<hbm>>
        %dma_wait3A_826 = tpu.memref_squeeze %dma_wait3A_825 : memref<1x1x25xi32, #tpu.memory_space<hbm>> -> memref<25xi32, #tpu.memory_space<hbm>>
        %dma_wait3A_827 = arith.constant 0 : i32
        %dma_wait3A_828 = tpu.memref_slice %arg6[%dma_wait3A_820, %dma_wait3A_827] : memref<8x25xi32, #tpu.memory_space<vmem>> -> memref<1x25xi32, #tpu.memory_space<vmem>>
        %dma_wait3A_829 = tpu.memref_squeeze %dma_wait3A_828 : memref<1x25xi32, #tpu.memory_space<vmem>> -> memref<25xi32, #tpu.memory_space<vmem>>
        %dma_wait3A_830 = arith.constant 0 : i32
        %dma_wait3A_831 = tpu.memref_slice %arg3[%add3A, %dma_wait3A_819, %dma_wait3A_830] : memref<32x400x25xi32, #tpu.memory_space<hbm>> -> memref<1x1x25xi32, #tpu.memory_space<hbm>>
        %dma_wait3A_832 = tpu.memref_squeeze %dma_wait3A_831 : memref<1x1x25xi32, #tpu.memory_space<hbm>> -> memref<25xi32, #tpu.memory_space<hbm>>
        tpu.wait_dma2 semaphore(%arg12 : memref<!tpu.dma_semaphore, #tpu.memory_space<semaphore_mem>>) src(%dma_wait3A_832 : memref<25xi32, #tpu.memory_space<hbm>>) dst(%dma_wait3A_829 : memref<25xi32, #tpu.memory_space<vmem>>)
        %dma_wait3A_833 = arith.constant 0 : i32
        %dma_wait3A_834 = arith.constant 2 : i32
        %dma_wait3A_835 = arith.constant 0 : i32
        %dma_wait3A_836 = tpu.memref_slice %arg7[%dma_wait3A_834, %dma_wait3A_835] : memref<8x25xi32, #tpu.memory_space<vmem>> -> memref<1x25xi32, #tpu.memory_space<vmem>>
        %dma_wait3A_837 = tpu.memref_squeeze %dma_wait3A_836 : memref<1x25xi32, #tpu.memory_space<vmem>> -> memref<25xi32, #tpu.memory_space<vmem>>
        %dma_wait3A_838 = arith.constant 0 : i32
        %dma_wait3A_839 = tpu.memref_slice %arg4[%add3A, %dma_wait3A_833, %dma_wait3A_838] : memref<32x400x25xi32, #tpu.memory_space<hbm>> -> memref<1x1x25xi32, #tpu.memory_space<hbm>>
        %dma_wait3A_840 = tpu.memref_squeeze %dma_wait3A_839 : memref<1x1x25xi32, #tpu.memory_space<hbm>> -> memref<25xi32, #tpu.memory_space<hbm>>
        %dma_wait3A_841 = arith.constant 0 : i32
        %dma_wait3A_842 = tpu.memref_slice %arg7[%dma_wait3A_834, %dma_wait3A_841] : memref<8x25xi32, #tpu.memory_space<vmem>> -> memref<1x25xi32, #tpu.memory_space<vmem>>
        %dma_wait3A_843 = tpu.memref_squeeze %dma_wait3A_842 : memref<1x25xi32, #tpu.memory_space<vmem>> -> memref<25xi32, #tpu.memory_space<vmem>>
        %dma_wait3A_844 = arith.constant 0 : i32
        %dma_wait3A_845 = tpu.memref_slice %arg4[%add3A, %dma_wait3A_833, %dma_wait3A_844] : memref<32x400x25xi32, #tpu.memory_space<hbm>> -> memref<1x1x25xi32, #tpu.memory_space<hbm>>
        %dma_wait3A_846 = tpu.memref_squeeze %dma_wait3A_845 : memref<1x1x25xi32, #tpu.memory_space<hbm>> -> memref<25xi32, #tpu.memory_space<hbm>>
        tpu.wait_dma2 semaphore(%arg12 : memref<!tpu.dma_semaphore, #tpu.memory_space<semaphore_mem>>) src(%dma_wait3A_846 : memref<25xi32, #tpu.memory_space<hbm>>) dst(%dma_wait3A_843 : memref<25xi32, #tpu.memory_space<vmem>>)
        %dma_start3A_847 = arith.constant 2 : i32
        %dma_start3A_848 = arith.constant 2 : i32
        %dma_start3A_849 = arith.constant 0 : i32
        %dma_start3A_850 = arith.constant 0 : i32
        %dma_start3A_851 = tpu.memref_slice %arg8[%dma_start3A_848, %dma_start3A_849, %dma_start3A_850] : memref<8x25x128xf32, #tpu.memory_space<vmem>> -> memref<1x25x128xf32, #tpu.memory_space<vmem>>
        %dma_start3A_852 = tpu.memref_squeeze %dma_start3A_851 : memref<1x25x128xf32, #tpu.memory_space<vmem>> -> memref<25x128xf32, #tpu.memory_space<vmem>>
        %dma_start3A_853 = arith.constant 0 : i32
        %dma_start3A_854 = tpu.memref_slice %arg6[%dma_start3A_847, %dma_start3A_853] : memref<8x25xi32, #tpu.memory_space<vmem>> -> memref<1x25xi32, #tpu.memory_space<vmem>>
        %dma_start3A_855 = tpu.memref_squeeze %dma_start3A_854 : memref<1x25xi32, #tpu.memory_space<vmem>> -> memref<25xi32, #tpu.memory_space<vmem>>
        %dma_start3A_856 = arith.constant 0 : i32
        %dma_start3A_857 = arith.constant 0 : i32
        %dma_start3A_858 = tpu.memref_slice %arg2[%dma_start3A_856, %dma_start3A_857] : memref<10000x128xf32, #tpu.memory_space<hbm>> -> memref<10000x128xf32, #tpu.memory_space<hbm>>
        tpu.enqueue_indirect_dma source(%dma_start3A_858 : memref<10000x128xf32, #tpu.memory_space<hbm>>) target(%dma_start3A_852 : memref<25x128xf32, #tpu.memory_space<vmem>>) offsets(%dma_start3A_855 : memref<25xi32, #tpu.memory_space<vmem>>) semaphore(%arg20 : memref<!tpu.dma_semaphore, #tpu.memory_space<semaphore_mem>>)
      } else {
      }
      %mul3A_659 = arith.constant 8 : i32
      %mul3A_660 = arith.muli %scan3A_564, %mul3A_659 : i32
      %add3A_661 = arith.constant 3 : i32
      %add3A_662 = arith.addi %mul3A_660, %add3A_661 : i32
      %dma_wait3A_663 = arith.constant 0 : i32
      %dma_wait3A_664 = arith.constant 3 : i32
      %dma_wait3A_665 = arith.constant 0 : i32
      %dma_wait3A_666 = arith.constant 0 : i32
      %dma_wait3A_667 = tpu.memref_slice %arg8[%dma_wait3A_664, %dma_wait3A_665, %dma_wait3A_666] : memref<8x25x128xf32, #tpu.memory_space<vmem>> -> memref<1x25x128xf32, #tpu.memory_space<vmem>>
      %dma_wait3A_668 = tpu.memref_squeeze %dma_wait3A_667 : memref<1x25x128xf32, #tpu.memory_space<vmem>> -> memref<25x128xf32, #tpu.memory_space<vmem>>
      %dma_wait3A_669 = arith.constant 0 : i32
      %dma_wait3A_670 = tpu.memref_slice %arg6[%dma_wait3A_663, %dma_wait3A_669] : memref<8x25xi32, #tpu.memory_space<vmem>> -> memref<1x25xi32, #tpu.memory_space<vmem>>
      %dma_wait3A_671 = tpu.memref_squeeze %dma_wait3A_670 : memref<1x25xi32, #tpu.memory_space<vmem>> -> memref<25xi32, #tpu.memory_space<vmem>>
      %dma_wait3A_672 = arith.constant 0 : i32
      %dma_wait3A_673 = arith.constant 0 : i32
      %dma_wait3A_674 = tpu.memref_slice %arg2[%dma_wait3A_672, %dma_wait3A_673] : memref<10000x128xf32, #tpu.memory_space<hbm>> -> memref<10000x128xf32, #tpu.memory_space<hbm>>
      tpu.wait_indirect_dma semaphore(%arg21 : memref<!tpu.dma_semaphore, #tpu.memory_space<semaphore_mem>>) src(%dma_wait3A_674 : memref<10000x128xf32, #tpu.memory_space<hbm>>) dst(%dma_wait3A_668 : memref<25x128xf32, #tpu.memory_space<vmem>>)
      %run_scoped3A_675 = arith.constant 3 : i32
      %run_scoped3A_676 = arith.constant 3 : i32
      "tpu.region"() ({
        %run_scoped3A_819 = tpu.sem_alloc : memref<!tpu.dma_semaphore, #tpu.memory_space<semaphore_mem>>
        %dma_start3A_820 = arith.constant 0 : i32
        %dma_start3A_821 = arith.constant 0 : i32
        %dma_start3A_822 = tpu.memref_slice %arg8[%run_scoped3A_675, %dma_start3A_820, %dma_start3A_821] : memref<8x25x128xf32, #tpu.memory_space<vmem>> -> memref<1x25x128xf32, #tpu.memory_space<vmem>>
        %dma_start3A_823 = tpu.memref_squeeze %dma_start3A_822 : memref<1x25x128xf32, #tpu.memory_space<vmem>> -> memref<25x128xf32, #tpu.memory_space<vmem>>
        %dma_start3A_824 = arith.constant 0 : i32
        %dma_start3A_825 = tpu.memref_slice %arg7[%run_scoped3A_676, %dma_start3A_824] : memref<8x25xi32, #tpu.memory_space<vmem>> -> memref<1x25xi32, #tpu.memory_space<vmem>>
        %dma_start3A_826 = tpu.memref_squeeze %dma_start3A_825 : memref<1x25xi32, #tpu.memory_space<vmem>> -> memref<25xi32, #tpu.memory_space<vmem>>
        %dma_start3A_827 = arith.constant 0 : i32
        %dma_start3A_828 = arith.constant 0 : i32
        %dma_start3A_829 = tpu.memref_slice %arg9[%dma_start3A_827, %dma_start3A_828] : memref<10000x128xf32, #tpu.memory_space<vmem_shared>> -> memref<10000x128xf32, #tpu.memory_space<vmem_shared>>
        tpu.enqueue_indirect_dma source(%dma_start3A_823 : memref<25x128xf32, #tpu.memory_space<vmem>>) target(%dma_start3A_829 : memref<10000x128xf32, #tpu.memory_space<vmem_shared>>) offsets(%dma_start3A_826 : memref<25xi32, #tpu.memory_space<vmem>>) semaphore(%run_scoped3A_819 : memref<!tpu.dma_semaphore, #tpu.memory_space<semaphore_mem>>) {add = true}
        %dma_wait3A_830 = arith.constant 0 : i32
        %dma_wait3A_831 = arith.constant 0 : i32
        %dma_wait3A_832 = tpu.memref_slice %arg8[%run_scoped3A_675, %dma_wait3A_830, %dma_wait3A_831] : memref<8x25x128xf32, #tpu.memory_space<vmem>> -> memref<1x25x128xf32, #tpu.memory_space<vmem>>
        %dma_wait3A_833 = tpu.memref_squeeze %dma_wait3A_832 : memref<1x25x128xf32, #tpu.memory_space<vmem>> -> memref<25x128xf32, #tpu.memory_space<vmem>>
        %dma_wait3A_834 = arith.constant 0 : i32
        %dma_wait3A_835 = tpu.memref_slice %arg7[%run_scoped3A_676, %dma_wait3A_834] : memref<8x25xi32, #tpu.memory_space<vmem>> -> memref<1x25xi32, #tpu.memory_space<vmem>>
        %dma_wait3A_836 = tpu.memref_squeeze %dma_wait3A_835 : memref<1x25xi32, #tpu.memory_space<vmem>> -> memref<25xi32, #tpu.memory_space<vmem>>
        %dma_wait3A_837 = arith.constant 0 : i32
        %dma_wait3A_838 = arith.constant 0 : i32
        %dma_wait3A_839 = tpu.memref_slice %arg9[%dma_wait3A_837, %dma_wait3A_838] : memref<10000x128xf32, #tpu.memory_space<vmem_shared>> -> memref<10000x128xf32, #tpu.memory_space<vmem_shared>>
        tpu.wait_indirect_dma semaphore(%run_scoped3A_819 : memref<!tpu.dma_semaphore, #tpu.memory_space<semaphore_mem>>) src(%dma_wait3A_833 : memref<25x128xf32, #tpu.memory_space<vmem>>) dst(%dma_wait3A_839 : memref<10000x128xf32, #tpu.memory_space<vmem_shared>>)
        tpu.yield
      }) : () -> ()
      %add3A_677 = arith.constant 8 : i32
      %add3A_678 = arith.addi %add3A_662, %add3A_677 : i32
      %lt3A_679 = arith.constant 400 : i32
      %lt3A_680 = arith.cmpi slt, %add3A_678, %lt3A_679 : i32
      %convert_element_type3A_681 = arith.extui %lt3A_680 : i1 to i32
      %cond3A_682 = arith.constant 0 : i32
      %cond3A_683 = arith.cmpi ne, %convert_element_type3A_681, %cond3A_682 : i32
      scf.if %cond3A_683 {
        %add3A_819 = arith.constant 8 : i32
        %add3A_820 = arith.addi %add3A_662, %add3A_819 : i32
        %dma_start3A_821 = arith.constant 3 : i32
        %dma_start3A_822 = arith.constant 0 : i32
        %dma_start3A_823 = tpu.memref_slice %arg6[%dma_start3A_821, %dma_start3A_822] : memref<8x25xi32, #tpu.memory_space<vmem>> -> memref<1x25xi32, #tpu.memory_space<vmem>>
        %dma_start3A_824 = tpu.memref_squeeze %dma_start3A_823 : memref<1x25xi32, #tpu.memory_space<vmem>> -> memref<25xi32, #tpu.memory_space<vmem>>
        %dma_start3A_825 = arith.constant 0 : i32
        %dma_start3A_826 = tpu.memref_slice %arg3[%add3A, %add3A_820, %dma_start3A_825] : memref<32x400x25xi32, #tpu.memory_space<hbm>> -> memref<1x1x25xi32, #tpu.memory_space<hbm>>
        %dma_start3A_827 = tpu.memref_squeeze %dma_start3A_826 : memref<1x1x25xi32, #tpu.memory_space<hbm>> -> memref<25xi32, #tpu.memory_space<hbm>>
        %dma_start3A_828 = arith.constant 0 : i32
        %dma_start3A_829 = tpu.memref_slice %arg6[%dma_start3A_821, %dma_start3A_828] : memref<8x25xi32, #tpu.memory_space<vmem>> -> memref<1x25xi32, #tpu.memory_space<vmem>>
        %dma_start3A_830 = tpu.memref_squeeze %dma_start3A_829 : memref<1x25xi32, #tpu.memory_space<vmem>> -> memref<25xi32, #tpu.memory_space<vmem>>
        %dma_start3A_831 = arith.constant 0 : i32
        %dma_start3A_832 = tpu.memref_slice %arg3[%add3A, %add3A_820, %dma_start3A_831] : memref<32x400x25xi32, #tpu.memory_space<hbm>> -> memref<1x1x25xi32, #tpu.memory_space<hbm>>
        %dma_start3A_833 = tpu.memref_squeeze %dma_start3A_832 : memref<1x1x25xi32, #tpu.memory_space<hbm>> -> memref<25xi32, #tpu.memory_space<hbm>>
        tpu.enqueue_dma source(%dma_start3A_833 : memref<25xi32, #tpu.memory_space<hbm>>) target(%dma_start3A_830 : memref<25xi32, #tpu.memory_space<vmem>>) target_semaphore(%arg13 : memref<!tpu.dma_semaphore, #tpu.memory_space<semaphore_mem>>)
        %dma_start3A_834 = arith.constant 3 : i32
        %dma_start3A_835 = arith.constant 0 : i32
        %dma_start3A_836 = tpu.memref_slice %arg7[%dma_start3A_834, %dma_start3A_835] : memref<8x25xi32, #tpu.memory_space<vmem>> -> memref<1x25xi32, #tpu.memory_space<vmem>>
        %dma_start3A_837 = tpu.memref_squeeze %dma_start3A_836 : memref<1x25xi32, #tpu.memory_space<vmem>> -> memref<25xi32, #tpu.memory_space<vmem>>
        %dma_start3A_838 = arith.constant 0 : i32
        %dma_start3A_839 = tpu.memref_slice %arg4[%add3A, %add3A_820, %dma_start3A_838] : memref<32x400x25xi32, #tpu.memory_space<hbm>> -> memref<1x1x25xi32, #tpu.memory_space<hbm>>
        %dma_start3A_840 = tpu.memref_squeeze %dma_start3A_839 : memref<1x1x25xi32, #tpu.memory_space<hbm>> -> memref<25xi32, #tpu.memory_space<hbm>>
        %dma_start3A_841 = arith.constant 0 : i32
        %dma_start3A_842 = tpu.memref_slice %arg7[%dma_start3A_834, %dma_start3A_841] : memref<8x25xi32, #tpu.memory_space<vmem>> -> memref<1x25xi32, #tpu.memory_space<vmem>>
        %dma_start3A_843 = tpu.memref_squeeze %dma_start3A_842 : memref<1x25xi32, #tpu.memory_space<vmem>> -> memref<25xi32, #tpu.memory_space<vmem>>
        %dma_start3A_844 = arith.constant 0 : i32
        %dma_start3A_845 = tpu.memref_slice %arg4[%add3A, %add3A_820, %dma_start3A_844] : memref<32x400x25xi32, #tpu.memory_space<hbm>> -> memref<1x1x25xi32, #tpu.memory_space<hbm>>
        %dma_start3A_846 = tpu.memref_squeeze %dma_start3A_845 : memref<1x1x25xi32, #tpu.memory_space<hbm>> -> memref<25xi32, #tpu.memory_space<hbm>>
        tpu.enqueue_dma source(%dma_start3A_846 : memref<25xi32, #tpu.memory_space<hbm>>) target(%dma_start3A_843 : memref<25xi32, #tpu.memory_space<vmem>>) target_semaphore(%arg13 : memref<!tpu.dma_semaphore, #tpu.memory_space<semaphore_mem>>)
      } else {
      }
      %add3A_684 = arith.constant 8 : i32
      %add3A_685 = arith.addi %add3A_662, %add3A_684 : i32
      %lt3A_686 = arith.constant 400 : i32
      %lt3A_687 = arith.cmpi slt, %add3A_685, %lt3A_686 : i32
      %convert_element_type3A_688 = arith.extui %lt3A_687 : i1 to i32
      %cond3A_689 = arith.constant 0 : i32
      %cond3A_690 = arith.cmpi ne, %convert_element_type3A_688, %cond3A_689 : i32
      scf.if %cond3A_690 {
        %dma_wait3A_819 = arith.constant 0 : i32
        %dma_wait3A_820 = arith.constant 3 : i32
        %dma_wait3A_821 = arith.constant 0 : i32
        %dma_wait3A_822 = tpu.memref_slice %arg6[%dma_wait3A_820, %dma_wait3A_821] : memref<8x25xi32, #tpu.memory_space<vmem>> -> memref<1x25xi32, #tpu.memory_space<vmem>>
        %dma_wait3A_823 = tpu.memref_squeeze %dma_wait3A_822 : memref<1x25xi32, #tpu.memory_space<vmem>> -> memref<25xi32, #tpu.memory_space<vmem>>
        %dma_wait3A_824 = arith.constant 0 : i32
        %dma_wait3A_825 = tpu.memref_slice %arg3[%add3A, %dma_wait3A_819, %dma_wait3A_824] : memref<32x400x25xi32, #tpu.memory_space<hbm>> -> memref<1x1x25xi32, #tpu.memory_space<hbm>>
        %dma_wait3A_826 = tpu.memref_squeeze %dma_wait3A_825 : memref<1x1x25xi32, #tpu.memory_space<hbm>> -> memref<25xi32, #tpu.memory_space<hbm>>
        %dma_wait3A_827 = arith.constant 0 : i32
        %dma_wait3A_828 = tpu.memref_slice %arg6[%dma_wait3A_820, %dma_wait3A_827] : memref<8x25xi32, #tpu.memory_space<vmem>> -> memref<1x25xi32, #tpu.memory_space<vmem>>
        %dma_wait3A_829 = tpu.memref_squeeze %dma_wait3A_828 : memref<1x25xi32, #tpu.memory_space<vmem>> -> memref<25xi32, #tpu.memory_space<vmem>>
        %dma_wait3A_830 = arith.constant 0 : i32
        %dma_wait3A_831 = tpu.memref_slice %arg3[%add3A, %dma_wait3A_819, %dma_wait3A_830] : memref<32x400x25xi32, #tpu.memory_space<hbm>> -> memref<1x1x25xi32, #tpu.memory_space<hbm>>
        %dma_wait3A_832 = tpu.memref_squeeze %dma_wait3A_831 : memref<1x1x25xi32, #tpu.memory_space<hbm>> -> memref<25xi32, #tpu.memory_space<hbm>>
        tpu.wait_dma2 semaphore(%arg13 : memref<!tpu.dma_semaphore, #tpu.memory_space<semaphore_mem>>) src(%dma_wait3A_832 : memref<25xi32, #tpu.memory_space<hbm>>) dst(%dma_wait3A_829 : memref<25xi32, #tpu.memory_space<vmem>>)
        %dma_wait3A_833 = arith.constant 0 : i32
        %dma_wait3A_834 = arith.constant 3 : i32
        %dma_wait3A_835 = arith.constant 0 : i32
        %dma_wait3A_836 = tpu.memref_slice %arg7[%dma_wait3A_834, %dma_wait3A_835] : memref<8x25xi32, #tpu.memory_space<vmem>> -> memref<1x25xi32, #tpu.memory_space<vmem>>
        %dma_wait3A_837 = tpu.memref_squeeze %dma_wait3A_836 : memref<1x25xi32, #tpu.memory_space<vmem>> -> memref<25xi32, #tpu.memory_space<vmem>>
        %dma_wait3A_838 = arith.constant 0 : i32
        %dma_wait3A_839 = tpu.memref_slice %arg4[%add3A, %dma_wait3A_833, %dma_wait3A_838] : memref<32x400x25xi32, #tpu.memory_space<hbm>> -> memref<1x1x25xi32, #tpu.memory_space<hbm>>
        %dma_wait3A_840 = tpu.memref_squeeze %dma_wait3A_839 : memref<1x1x25xi32, #tpu.memory_space<hbm>> -> memref<25xi32, #tpu.memory_space<hbm>>
        %dma_wait3A_841 = arith.constant 0 : i32
        %dma_wait3A_842 = tpu.memref_slice %arg7[%dma_wait3A_834, %dma_wait3A_841] : memref<8x25xi32, #tpu.memory_space<vmem>> -> memref<1x25xi32, #tpu.memory_space<vmem>>
        %dma_wait3A_843 = tpu.memref_squeeze %dma_wait3A_842 : memref<1x25xi32, #tpu.memory_space<vmem>> -> memref<25xi32, #tpu.memory_space<vmem>>
        %dma_wait3A_844 = arith.constant 0 : i32
        %dma_wait3A_845 = tpu.memref_slice %arg4[%add3A, %dma_wait3A_833, %dma_wait3A_844] : memref<32x400x25xi32, #tpu.memory_space<hbm>> -> memref<1x1x25xi32, #tpu.memory_space<hbm>>
        %dma_wait3A_846 = tpu.memref_squeeze %dma_wait3A_845 : memref<1x1x25xi32, #tpu.memory_space<hbm>> -> memref<25xi32, #tpu.memory_space<hbm>>
        tpu.wait_dma2 semaphore(%arg13 : memref<!tpu.dma_semaphore, #tpu.memory_space<semaphore_mem>>) src(%dma_wait3A_846 : memref<25xi32, #tpu.memory_space<hbm>>) dst(%dma_wait3A_843 : memref<25xi32, #tpu.memory_space<vmem>>)
        %dma_start3A_847 = arith.constant 3 : i32
        %dma_start3A_848 = arith.constant 3 : i32
        %dma_start3A_849 = arith.constant 0 : i32
        %dma_start3A_850 = arith.constant 0 : i32
        %dma_start3A_851 = tpu.memref_slice %arg8[%dma_start3A_848, %dma_start3A_849, %dma_start3A_850] : memref<8x25x128xf32, #tpu.memory_space<vmem>> -> memref<1x25x128xf32, #tpu.memory_space<vmem>>
        %dma_start3A_852 = tpu.memref_squeeze %dma_start3A_851 : memref<1x25x128xf32, #tpu.memory_space<vmem>> -> memref<25x128xf32, #tpu.memory_space<vmem>>
        %dma_start3A_853 = arith.constant 0 : i32
        %dma_start3A_854 = tpu.memref_slice %arg6[%dma_start3A_847, %dma_start3A_853] : memref<8x25xi32, #tpu.memory_space<vmem>> -> memref<1x25xi32, #tpu.memory_space<vmem>>
        %dma_start3A_855 = tpu.memref_squeeze %dma_start3A_854 : memref<1x25xi32, #tpu.memory_space<vmem>> -> memref<25xi32, #tpu.memory_space<vmem>>
        %dma_start3A_856 = arith.constant 0 : i32
        %dma_start3A_857 = arith.constant 0 : i32
        %dma_start3A_858 = tpu.memref_slice %arg2[%dma_start3A_856, %dma_start3A_857] : memref<10000x128xf32, #tpu.memory_space<hbm>> -> memref<10000x128xf32, #tpu.memory_space<hbm>>
        tpu.enqueue_indirect_dma source(%dma_start3A_858 : memref<10000x128xf32, #tpu.memory_space<hbm>>) target(%dma_start3A_852 : memref<25x128xf32, #tpu.memory_space<vmem>>) offsets(%dma_start3A_855 : memref<25xi32, #tpu.memory_space<vmem>>) semaphore(%arg21 : memref<!tpu.dma_semaphore, #tpu.memory_space<semaphore_mem>>)
      } else {
      }
      %mul3A_691 = arith.constant 8 : i32
      %mul3A_692 = arith.muli %scan3A_564, %mul3A_691 : i32
      %add3A_693 = arith.constant 4 : i32
      %add3A_694 = arith.addi %mul3A_692, %add3A_693 : i32
      %dma_wait3A_695 = arith.constant 0 : i32
      %dma_wait3A_696 = arith.constant 4 : i32
      %dma_wait3A_697 = arith.constant 0 : i32
      %dma_wait3A_698 = arith.constant 0 : i32
      %dma_wait3A_699 = tpu.memref_slice %arg8[%dma_wait3A_696, %dma_wait3A_697, %dma_wait3A_698] : memref<8x25x128xf32, #tpu.memory_space<vmem>> -> memref<1x25x128xf32, #tpu.memory_space<vmem>>
      %dma_wait3A_700 = tpu.memref_squeeze %dma_wait3A_699 : memref<1x25x128xf32, #tpu.memory_space<vmem>> -> memref<25x128xf32, #tpu.memory_space<vmem>>
      %dma_wait3A_701 = arith.constant 0 : i32
      %dma_wait3A_702 = tpu.memref_slice %arg6[%dma_wait3A_695, %dma_wait3A_701] : memref<8x25xi32, #tpu.memory_space<vmem>> -> memref<1x25xi32, #tpu.memory_space<vmem>>
      %dma_wait3A_703 = tpu.memref_squeeze %dma_wait3A_702 : memref<1x25xi32, #tpu.memory_space<vmem>> -> memref<25xi32, #tpu.memory_space<vmem>>
      %dma_wait3A_704 = arith.constant 0 : i32
      %dma_wait3A_705 = arith.constant 0 : i32
      %dma_wait3A_706 = tpu.memref_slice %arg2[%dma_wait3A_704, %dma_wait3A_705] : memref<10000x128xf32, #tpu.memory_space<hbm>> -> memref<10000x128xf32, #tpu.memory_space<hbm>>
      tpu.wait_indirect_dma semaphore(%arg22 : memref<!tpu.dma_semaphore, #tpu.memory_space<semaphore_mem>>) src(%dma_wait3A_706 : memref<10000x128xf32, #tpu.memory_space<hbm>>) dst(%dma_wait3A_700 : memref<25x128xf32, #tpu.memory_space<vmem>>)
      %run_scoped3A_707 = arith.constant 4 : i32
      %run_scoped3A_708 = arith.constant 4 : i32
      "tpu.region"() ({
        %run_scoped3A_819 = tpu.sem_alloc : memref<!tpu.dma_semaphore, #tpu.memory_space<semaphore_mem>>
        %dma_start3A_820 = arith.constant 0 : i32
        %dma_start3A_821 = arith.constant 0 : i32
        %dma_start3A_822 = tpu.memref_slice %arg8[%run_scoped3A_707, %dma_start3A_820, %dma_start3A_821] : memref<8x25x128xf32, #tpu.memory_space<vmem>> -> memref<1x25x128xf32, #tpu.memory_space<vmem>>
        %dma_start3A_823 = tpu.memref_squeeze %dma_start3A_822 : memref<1x25x128xf32, #tpu.memory_space<vmem>> -> memref<25x128xf32, #tpu.memory_space<vmem>>
        %dma_start3A_824 = arith.constant 0 : i32
        %dma_start3A_825 = tpu.memref_slice %arg7[%run_scoped3A_708, %dma_start3A_824] : memref<8x25xi32, #tpu.memory_space<vmem>> -> memref<1x25xi32, #tpu.memory_space<vmem>>
        %dma_start3A_826 = tpu.memref_squeeze %dma_start3A_825 : memref<1x25xi32, #tpu.memory_space<vmem>> -> memref<25xi32, #tpu.memory_space<vmem>>
        %dma_start3A_827 = arith.constant 0 : i32
        %dma_start3A_828 = arith.constant 0 : i32
        %dma_start3A_829 = tpu.memref_slice %arg9[%dma_start3A_827, %dma_start3A_828] : memref<10000x128xf32, #tpu.memory_space<vmem_shared>> -> memref<10000x128xf32, #tpu.memory_space<vmem_shared>>
        tpu.enqueue_indirect_dma source(%dma_start3A_823 : memref<25x128xf32, #tpu.memory_space<vmem>>) target(%dma_start3A_829 : memref<10000x128xf32, #tpu.memory_space<vmem_shared>>) offsets(%dma_start3A_826 : memref<25xi32, #tpu.memory_space<vmem>>) semaphore(%run_scoped3A_819 : memref<!tpu.dma_semaphore, #tpu.memory_space<semaphore_mem>>) {add = true}
        %dma_wait3A_830 = arith.constant 0 : i32
        %dma_wait3A_831 = arith.constant 0 : i32
        %dma_wait3A_832 = tpu.memref_slice %arg8[%run_scoped3A_707, %dma_wait3A_830, %dma_wait3A_831] : memref<8x25x128xf32, #tpu.memory_space<vmem>> -> memref<1x25x128xf32, #tpu.memory_space<vmem>>
        %dma_wait3A_833 = tpu.memref_squeeze %dma_wait3A_832 : memref<1x25x128xf32, #tpu.memory_space<vmem>> -> memref<25x128xf32, #tpu.memory_space<vmem>>
        %dma_wait3A_834 = arith.constant 0 : i32
        %dma_wait3A_835 = tpu.memref_slice %arg7[%run_scoped3A_708, %dma_wait3A_834] : memref<8x25xi32, #tpu.memory_space<vmem>> -> memref<1x25xi32, #tpu.memory_space<vmem>>
        %dma_wait3A_836 = tpu.memref_squeeze %dma_wait3A_835 : memref<1x25xi32, #tpu.memory_space<vmem>> -> memref<25xi32, #tpu.memory_space<vmem>>
        %dma_wait3A_837 = arith.constant 0 : i32
        %dma_wait3A_838 = arith.constant 0 : i32
        %dma_wait3A_839 = tpu.memref_slice %arg9[%dma_wait3A_837, %dma_wait3A_838] : memref<10000x128xf32, #tpu.memory_space<vmem_shared>> -> memref<10000x128xf32, #tpu.memory_space<vmem_shared>>
        tpu.wait_indirect_dma semaphore(%run_scoped3A_819 : memref<!tpu.dma_semaphore, #tpu.memory_space<semaphore_mem>>) src(%dma_wait3A_833 : memref<25x128xf32, #tpu.memory_space<vmem>>) dst(%dma_wait3A_839 : memref<10000x128xf32, #tpu.memory_space<vmem_shared>>)
        tpu.yield
      }) : () -> ()
      %add3A_709 = arith.constant 8 : i32
      %add3A_710 = arith.addi %add3A_694, %add3A_709 : i32
      %lt3A_711 = arith.constant 400 : i32
      %lt3A_712 = arith.cmpi slt, %add3A_710, %lt3A_711 : i32
      %convert_element_type3A_713 = arith.extui %lt3A_712 : i1 to i32
      %cond3A_714 = arith.constant 0 : i32
      %cond3A_715 = arith.cmpi ne, %convert_element_type3A_713, %cond3A_714 : i32
      scf.if %cond3A_715 {
        %add3A_819 = arith.constant 8 : i32
        %add3A_820 = arith.addi %add3A_694, %add3A_819 : i32
        %dma_start3A_821 = arith.constant 4 : i32
        %dma_start3A_822 = arith.constant 0 : i32
        %dma_start3A_823 = tpu.memref_slice %arg6[%dma_start3A_821, %dma_start3A_822] : memref<8x25xi32, #tpu.memory_space<vmem>> -> memref<1x25xi32, #tpu.memory_space<vmem>>
        %dma_start3A_824 = tpu.memref_squeeze %dma_start3A_823 : memref<1x25xi32, #tpu.memory_space<vmem>> -> memref<25xi32, #tpu.memory_space<vmem>>
        %dma_start3A_825 = arith.constant 0 : i32
        %dma_start3A_826 = tpu.memref_slice %arg3[%add3A, %add3A_820, %dma_start3A_825] : memref<32x400x25xi32, #tpu.memory_space<hbm>> -> memref<1x1x25xi32, #tpu.memory_space<hbm>>
        %dma_start3A_827 = tpu.memref_squeeze %dma_start3A_826 : memref<1x1x25xi32, #tpu.memory_space<hbm>> -> memref<25xi32, #tpu.memory_space<hbm>>
        %dma_start3A_828 = arith.constant 0 : i32
        %dma_start3A_829 = tpu.memref_slice %arg6[%dma_start3A_821, %dma_start3A_828] : memref<8x25xi32, #tpu.memory_space<vmem>> -> memref<1x25xi32, #tpu.memory_space<vmem>>
        %dma_start3A_830 = tpu.memref_squeeze %dma_start3A_829 : memref<1x25xi32, #tpu.memory_space<vmem>> -> memref<25xi32, #tpu.memory_space<vmem>>
        %dma_start3A_831 = arith.constant 0 : i32
        %dma_start3A_832 = tpu.memref_slice %arg3[%add3A, %add3A_820, %dma_start3A_831] : memref<32x400x25xi32, #tpu.memory_space<hbm>> -> memref<1x1x25xi32, #tpu.memory_space<hbm>>
        %dma_start3A_833 = tpu.memref_squeeze %dma_start3A_832 : memref<1x1x25xi32, #tpu.memory_space<hbm>> -> memref<25xi32, #tpu.memory_space<hbm>>
        tpu.enqueue_dma source(%dma_start3A_833 : memref<25xi32, #tpu.memory_space<hbm>>) target(%dma_start3A_830 : memref<25xi32, #tpu.memory_space<vmem>>) target_semaphore(%arg14 : memref<!tpu.dma_semaphore, #tpu.memory_space<semaphore_mem>>)
        %dma_start3A_834 = arith.constant 4 : i32
        %dma_start3A_835 = arith.constant 0 : i32
        %dma_start3A_836 = tpu.memref_slice %arg7[%dma_start3A_834, %dma_start3A_835] : memref<8x25xi32, #tpu.memory_space<vmem>> -> memref<1x25xi32, #tpu.memory_space<vmem>>
        %dma_start3A_837 = tpu.memref_squeeze %dma_start3A_836 : memref<1x25xi32, #tpu.memory_space<vmem>> -> memref<25xi32, #tpu.memory_space<vmem>>
        %dma_start3A_838 = arith.constant 0 : i32
        %dma_start3A_839 = tpu.memref_slice %arg4[%add3A, %add3A_820, %dma_start3A_838] : memref<32x400x25xi32, #tpu.memory_space<hbm>> -> memref<1x1x25xi32, #tpu.memory_space<hbm>>
        %dma_start3A_840 = tpu.memref_squeeze %dma_start3A_839 : memref<1x1x25xi32, #tpu.memory_space<hbm>> -> memref<25xi32, #tpu.memory_space<hbm>>
        %dma_start3A_841 = arith.constant 0 : i32
        %dma_start3A_842 = tpu.memref_slice %arg7[%dma_start3A_834, %dma_start3A_841] : memref<8x25xi32, #tpu.memory_space<vmem>> -> memref<1x25xi32, #tpu.memory_space<vmem>>
        %dma_start3A_843 = tpu.memref_squeeze %dma_start3A_842 : memref<1x25xi32, #tpu.memory_space<vmem>> -> memref<25xi32, #tpu.memory_space<vmem>>
        %dma_start3A_844 = arith.constant 0 : i32
        %dma_start3A_845 = tpu.memref_slice %arg4[%add3A, %add3A_820, %dma_start3A_844] : memref<32x400x25xi32, #tpu.memory_space<hbm>> -> memref<1x1x25xi32, #tpu.memory_space<hbm>>
        %dma_start3A_846 = tpu.memref_squeeze %dma_start3A_845 : memref<1x1x25xi32, #tpu.memory_space<hbm>> -> memref<25xi32, #tpu.memory_space<hbm>>
        tpu.enqueue_dma source(%dma_start3A_846 : memref<25xi32, #tpu.memory_space<hbm>>) target(%dma_start3A_843 : memref<25xi32, #tpu.memory_space<vmem>>) target_semaphore(%arg14 : memref<!tpu.dma_semaphore, #tpu.memory_space<semaphore_mem>>)
      } else {
      }
      %add3A_716 = arith.constant 8 : i32
      %add3A_717 = arith.addi %add3A_694, %add3A_716 : i32
      %lt3A_718 = arith.constant 400 : i32
      %lt3A_719 = arith.cmpi slt, %add3A_717, %lt3A_718 : i32
      %convert_element_type3A_720 = arith.extui %lt3A_719 : i1 to i32
      %cond3A_721 = arith.constant 0 : i32
      %cond3A_722 = arith.cmpi ne, %convert_element_type3A_720, %cond3A_721 : i32
      scf.if %cond3A_722 {
        %dma_wait3A_819 = arith.constant 0 : i32
        %dma_wait3A_820 = arith.constant 4 : i32
        %dma_wait3A_821 = arith.constant 0 : i32
        %dma_wait3A_822 = tpu.memref_slice %arg6[%dma_wait3A_820, %dma_wait3A_821] : memref<8x25xi32, #tpu.memory_space<vmem>> -> memref<1x25xi32, #tpu.memory_space<vmem>>
        %dma_wait3A_823 = tpu.memref_squeeze %dma_wait3A_822 : memref<1x25xi32, #tpu.memory_space<vmem>> -> memref<25xi32, #tpu.memory_space<vmem>>
        %dma_wait3A_824 = arith.constant 0 : i32
        %dma_wait3A_825 = tpu.memref_slice %arg3[%add3A, %dma_wait3A_819, %dma_wait3A_824] : memref<32x400x25xi32, #tpu.memory_space<hbm>> -> memref<1x1x25xi32, #tpu.memory_space<hbm>>
        %dma_wait3A_826 = tpu.memref_squeeze %dma_wait3A_825 : memref<1x1x25xi32, #tpu.memory_space<hbm>> -> memref<25xi32, #tpu.memory_space<hbm>>
        %dma_wait3A_827 = arith.constant 0 : i32
        %dma_wait3A_828 = tpu.memref_slice %arg6[%dma_wait3A_820, %dma_wait3A_827] : memref<8x25xi32, #tpu.memory_space<vmem>> -> memref<1x25xi32, #tpu.memory_space<vmem>>
        %dma_wait3A_829 = tpu.memref_squeeze %dma_wait3A_828 : memref<1x25xi32, #tpu.memory_space<vmem>> -> memref<25xi32, #tpu.memory_space<vmem>>
        %dma_wait3A_830 = arith.constant 0 : i32
        %dma_wait3A_831 = tpu.memref_slice %arg3[%add3A, %dma_wait3A_819, %dma_wait3A_830] : memref<32x400x25xi32, #tpu.memory_space<hbm>> -> memref<1x1x25xi32, #tpu.memory_space<hbm>>
        %dma_wait3A_832 = tpu.memref_squeeze %dma_wait3A_831 : memref<1x1x25xi32, #tpu.memory_space<hbm>> -> memref<25xi32, #tpu.memory_space<hbm>>
        tpu.wait_dma2 semaphore(%arg14 : memref<!tpu.dma_semaphore, #tpu.memory_space<semaphore_mem>>) src(%dma_wait3A_832 : memref<25xi32, #tpu.memory_space<hbm>>) dst(%dma_wait3A_829 : memref<25xi32, #tpu.memory_space<vmem>>)
        %dma_wait3A_833 = arith.constant 0 : i32
        %dma_wait3A_834 = arith.constant 4 : i32
        %dma_wait3A_835 = arith.constant 0 : i32
        %dma_wait3A_836 = tpu.memref_slice %arg7[%dma_wait3A_834, %dma_wait3A_835] : memref<8x25xi32, #tpu.memory_space<vmem>> -> memref<1x25xi32, #tpu.memory_space<vmem>>
        %dma_wait3A_837 = tpu.memref_squeeze %dma_wait3A_836 : memref<1x25xi32, #tpu.memory_space<vmem>> -> memref<25xi32, #tpu.memory_space<vmem>>
        %dma_wait3A_838 = arith.constant 0 : i32
        %dma_wait3A_839 = tpu.memref_slice %arg4[%add3A, %dma_wait3A_833, %dma_wait3A_838] : memref<32x400x25xi32, #tpu.memory_space<hbm>> -> memref<1x1x25xi32, #tpu.memory_space<hbm>>
        %dma_wait3A_840 = tpu.memref_squeeze %dma_wait3A_839 : memref<1x1x25xi32, #tpu.memory_space<hbm>> -> memref<25xi32, #tpu.memory_space<hbm>>
        %dma_wait3A_841 = arith.constant 0 : i32
        %dma_wait3A_842 = tpu.memref_slice %arg7[%dma_wait3A_834, %dma_wait3A_841] : memref<8x25xi32, #tpu.memory_space<vmem>> -> memref<1x25xi32, #tpu.memory_space<vmem>>
        %dma_wait3A_843 = tpu.memref_squeeze %dma_wait3A_842 : memref<1x25xi32, #tpu.memory_space<vmem>> -> memref<25xi32, #tpu.memory_space<vmem>>
        %dma_wait3A_844 = arith.constant 0 : i32
        %dma_wait3A_845 = tpu.memref_slice %arg4[%add3A, %dma_wait3A_833, %dma_wait3A_844] : memref<32x400x25xi32, #tpu.memory_space<hbm>> -> memref<1x1x25xi32, #tpu.memory_space<hbm>>
        %dma_wait3A_846 = tpu.memref_squeeze %dma_wait3A_845 : memref<1x1x25xi32, #tpu.memory_space<hbm>> -> memref<25xi32, #tpu.memory_space<hbm>>
        tpu.wait_dma2 semaphore(%arg14 : memref<!tpu.dma_semaphore, #tpu.memory_space<semaphore_mem>>) src(%dma_wait3A_846 : memref<25xi32, #tpu.memory_space<hbm>>) dst(%dma_wait3A_843 : memref<25xi32, #tpu.memory_space<vmem>>)
        %dma_start3A_847 = arith.constant 4 : i32
        %dma_start3A_848 = arith.constant 4 : i32
        %dma_start3A_849 = arith.constant 0 : i32
        %dma_start3A_850 = arith.constant 0 : i32
        %dma_start3A_851 = tpu.memref_slice %arg8[%dma_start3A_848, %dma_start3A_849, %dma_start3A_850] : memref<8x25x128xf32, #tpu.memory_space<vmem>> -> memref<1x25x128xf32, #tpu.memory_space<vmem>>
        %dma_start3A_852 = tpu.memref_squeeze %dma_start3A_851 : memref<1x25x128xf32, #tpu.memory_space<vmem>> -> memref<25x128xf32, #tpu.memory_space<vmem>>
        %dma_start3A_853 = arith.constant 0 : i32
        %dma_start3A_854 = tpu.memref_slice %arg6[%dma_start3A_847, %dma_start3A_853] : memref<8x25xi32, #tpu.memory_space<vmem>> -> memref<1x25xi32, #tpu.memory_space<vmem>>
        %dma_start3A_855 = tpu.memref_squeeze %dma_start3A_854 : memref<1x25xi32, #tpu.memory_space<vmem>> -> memref<25xi32, #tpu.memory_space<vmem>>
        %dma_start3A_856 = arith.constant 0 : i32
        %dma_start3A_857 = arith.constant 0 : i32
        %dma_start3A_858 = tpu.memref_slice %arg2[%dma_start3A_856, %dma_start3A_857] : memref<10000x128xf32, #tpu.memory_space<hbm>> -> memref<10000x128xf32, #tpu.memory_space<hbm>>
        tpu.enqueue_indirect_dma source(%dma_start3A_858 : memref<10000x128xf32, #tpu.memory_space<hbm>>) target(%dma_start3A_852 : memref<25x128xf32, #tpu.memory_space<vmem>>) offsets(%dma_start3A_855 : memref<25xi32, #tpu.memory_space<vmem>>) semaphore(%arg22 : memref<!tpu.dma_semaphore, #tpu.memory_space<semaphore_mem>>)
      } else {
      }
      %mul3A_723 = arith.constant 8 : i32
      %mul3A_724 = arith.muli %scan3A_564, %mul3A_723 : i32
      %add3A_725 = arith.constant 5 : i32
      %add3A_726 = arith.addi %mul3A_724, %add3A_725 : i32
      %dma_wait3A_727 = arith.constant 0 : i32
      %dma_wait3A_728 = arith.constant 5 : i32
      %dma_wait3A_729 = arith.constant 0 : i32
      %dma_wait3A_730 = arith.constant 0 : i32
      %dma_wait3A_731 = tpu.memref_slice %arg8[%dma_wait3A_728, %dma_wait3A_729, %dma_wait3A_730] : memref<8x25x128xf32, #tpu.memory_space<vmem>> -> memref<1x25x128xf32, #tpu.memory_space<vmem>>
      %dma_wait3A_732 = tpu.memref_squeeze %dma_wait3A_731 : memref<1x25x128xf32, #tpu.memory_space<vmem>> -> memref<25x128xf32, #tpu.memory_space<vmem>>
      %dma_wait3A_733 = arith.constant 0 : i32
      %dma_wait3A_734 = tpu.memref_slice %arg6[%dma_wait3A_727, %dma_wait3A_733] : memref<8x25xi32, #tpu.memory_space<vmem>> -> memref<1x25xi32, #tpu.memory_space<vmem>>
      %dma_wait3A_735 = tpu.memref_squeeze %dma_wait3A_734 : memref<1x25xi32, #tpu.memory_space<vmem>> -> memref<25xi32, #tpu.memory_space<vmem>>
      %dma_wait3A_736 = arith.constant 0 : i32
      %dma_wait3A_737 = arith.constant 0 : i32
      %dma_wait3A_738 = tpu.memref_slice %arg2[%dma_wait3A_736, %dma_wait3A_737] : memref<10000x128xf32, #tpu.memory_space<hbm>> -> memref<10000x128xf32, #tpu.memory_space<hbm>>
      tpu.wait_indirect_dma semaphore(%arg23 : memref<!tpu.dma_semaphore, #tpu.memory_space<semaphore_mem>>) src(%dma_wait3A_738 : memref<10000x128xf32, #tpu.memory_space<hbm>>) dst(%dma_wait3A_732 : memref<25x128xf32, #tpu.memory_space<vmem>>)
      %run_scoped3A_739 = arith.constant 5 : i32
      %run_scoped3A_740 = arith.constant 5 : i32
      "tpu.region"() ({
        %run_scoped3A_819 = tpu.sem_alloc : memref<!tpu.dma_semaphore, #tpu.memory_space<semaphore_mem>>
        %dma_start3A_820 = arith.constant 0 : i32
        %dma_start3A_821 = arith.constant 0 : i32
        %dma_start3A_822 = tpu.memref_slice %arg8[%run_scoped3A_739, %dma_start3A_820, %dma_start3A_821] : memref<8x25x128xf32, #tpu.memory_space<vmem>> -> memref<1x25x128xf32, #tpu.memory_space<vmem>>
        %dma_start3A_823 = tpu.memref_squeeze %dma_start3A_822 : memref<1x25x128xf32, #tpu.memory_space<vmem>> -> memref<25x128xf32, #tpu.memory_space<vmem>>
        %dma_start3A_824 = arith.constant 0 : i32
        %dma_start3A_825 = tpu.memref_slice %arg7[%run_scoped3A_740, %dma_start3A_824] : memref<8x25xi32, #tpu.memory_space<vmem>> -> memref<1x25xi32, #tpu.memory_space<vmem>>
        %dma_start3A_826 = tpu.memref_squeeze %dma_start3A_825 : memref<1x25xi32, #tpu.memory_space<vmem>> -> memref<25xi32, #tpu.memory_space<vmem>>
        %dma_start3A_827 = arith.constant 0 : i32
        %dma_start3A_828 = arith.constant 0 : i32
        %dma_start3A_829 = tpu.memref_slice %arg9[%dma_start3A_827, %dma_start3A_828] : memref<10000x128xf32, #tpu.memory_space<vmem_shared>> -> memref<10000x128xf32, #tpu.memory_space<vmem_shared>>
        tpu.enqueue_indirect_dma source(%dma_start3A_823 : memref<25x128xf32, #tpu.memory_space<vmem>>) target(%dma_start3A_829 : memref<10000x128xf32, #tpu.memory_space<vmem_shared>>) offsets(%dma_start3A_826 : memref<25xi32, #tpu.memory_space<vmem>>) semaphore(%run_scoped3A_819 : memref<!tpu.dma_semaphore, #tpu.memory_space<semaphore_mem>>) {add = true}
        %dma_wait3A_830 = arith.constant 0 : i32
        %dma_wait3A_831 = arith.constant 0 : i32
        %dma_wait3A_832 = tpu.memref_slice %arg8[%run_scoped3A_739, %dma_wait3A_830, %dma_wait3A_831] : memref<8x25x128xf32, #tpu.memory_space<vmem>> -> memref<1x25x128xf32, #tpu.memory_space<vmem>>
        %dma_wait3A_833 = tpu.memref_squeeze %dma_wait3A_832 : memref<1x25x128xf32, #tpu.memory_space<vmem>> -> memref<25x128xf32, #tpu.memory_space<vmem>>
        %dma_wait3A_834 = arith.constant 0 : i32
        %dma_wait3A_835 = tpu.memref_slice %arg7[%run_scoped3A_740, %dma_wait3A_834] : memref<8x25xi32, #tpu.memory_space<vmem>> -> memref<1x25xi32, #tpu.memory_space<vmem>>
        %dma_wait3A_836 = tpu.memref_squeeze %dma_wait3A_835 : memref<1x25xi32, #tpu.memory_space<vmem>> -> memref<25xi32, #tpu.memory_space<vmem>>
        %dma_wait3A_837 = arith.constant 0 : i32
        %dma_wait3A_838 = arith.constant 0 : i32
        %dma_wait3A_839 = tpu.memref_slice %arg9[%dma_wait3A_837, %dma_wait3A_838] : memref<10000x128xf32, #tpu.memory_space<vmem_shared>> -> memref<10000x128xf32, #tpu.memory_space<vmem_shared>>
        tpu.wait_indirect_dma semaphore(%run_scoped3A_819 : memref<!tpu.dma_semaphore, #tpu.memory_space<semaphore_mem>>) src(%dma_wait3A_833 : memref<25x128xf32, #tpu.memory_space<vmem>>) dst(%dma_wait3A_839 : memref<10000x128xf32, #tpu.memory_space<vmem_shared>>)
        tpu.yield
      }) : () -> ()
      %add3A_741 = arith.constant 8 : i32
      %add3A_742 = arith.addi %add3A_726, %add3A_741 : i32
      %lt3A_743 = arith.constant 400 : i32
      %lt3A_744 = arith.cmpi slt, %add3A_742, %lt3A_743 : i32
      %convert_element_type3A_745 = arith.extui %lt3A_744 : i1 to i32
      %cond3A_746 = arith.constant 0 : i32
      %cond3A_747 = arith.cmpi ne, %convert_element_type3A_745, %cond3A_746 : i32
      scf.if %cond3A_747 {
        %add3A_819 = arith.constant 8 : i32
        %add3A_820 = arith.addi %add3A_726, %add3A_819 : i32
        %dma_start3A_821 = arith.constant 5 : i32
        %dma_start3A_822 = arith.constant 0 : i32
        %dma_start3A_823 = tpu.memref_slice %arg6[%dma_start3A_821, %dma_start3A_822] : memref<8x25xi32, #tpu.memory_space<vmem>> -> memref<1x25xi32, #tpu.memory_space<vmem>>
        %dma_start3A_824 = tpu.memref_squeeze %dma_start3A_823 : memref<1x25xi32, #tpu.memory_space<vmem>> -> memref<25xi32, #tpu.memory_space<vmem>>
        %dma_start3A_825 = arith.constant 0 : i32
        %dma_start3A_826 = tpu.memref_slice %arg3[%add3A, %add3A_820, %dma_start3A_825] : memref<32x400x25xi32, #tpu.memory_space<hbm>> -> memref<1x1x25xi32, #tpu.memory_space<hbm>>
        %dma_start3A_827 = tpu.memref_squeeze %dma_start3A_826 : memref<1x1x25xi32, #tpu.memory_space<hbm>> -> memref<25xi32, #tpu.memory_space<hbm>>
        %dma_start3A_828 = arith.constant 0 : i32
        %dma_start3A_829 = tpu.memref_slice %arg6[%dma_start3A_821, %dma_start3A_828] : memref<8x25xi32, #tpu.memory_space<vmem>> -> memref<1x25xi32, #tpu.memory_space<vmem>>
        %dma_start3A_830 = tpu.memref_squeeze %dma_start3A_829 : memref<1x25xi32, #tpu.memory_space<vmem>> -> memref<25xi32, #tpu.memory_space<vmem>>
        %dma_start3A_831 = arith.constant 0 : i32
        %dma_start3A_832 = tpu.memref_slice %arg3[%add3A, %add3A_820, %dma_start3A_831] : memref<32x400x25xi32, #tpu.memory_space<hbm>> -> memref<1x1x25xi32, #tpu.memory_space<hbm>>
        %dma_start3A_833 = tpu.memref_squeeze %dma_start3A_832 : memref<1x1x25xi32, #tpu.memory_space<hbm>> -> memref<25xi32, #tpu.memory_space<hbm>>
        tpu.enqueue_dma source(%dma_start3A_833 : memref<25xi32, #tpu.memory_space<hbm>>) target(%dma_start3A_830 : memref<25xi32, #tpu.memory_space<vmem>>) target_semaphore(%arg15 : memref<!tpu.dma_semaphore, #tpu.memory_space<semaphore_mem>>)
        %dma_start3A_834 = arith.constant 5 : i32
        %dma_start3A_835 = arith.constant 0 : i32
        %dma_start3A_836 = tpu.memref_slice %arg7[%dma_start3A_834, %dma_start3A_835] : memref<8x25xi32, #tpu.memory_space<vmem>> -> memref<1x25xi32, #tpu.memory_space<vmem>>
        %dma_start3A_837 = tpu.memref_squeeze %dma_start3A_836 : memref<1x25xi32, #tpu.memory_space<vmem>> -> memref<25xi32, #tpu.memory_space<vmem>>
        %dma_start3A_838 = arith.constant 0 : i32
        %dma_start3A_839 = tpu.memref_slice %arg4[%add3A, %add3A_820, %dma_start3A_838] : memref<32x400x25xi32, #tpu.memory_space<hbm>> -> memref<1x1x25xi32, #tpu.memory_space<hbm>>
        %dma_start3A_840 = tpu.memref_squeeze %dma_start3A_839 : memref<1x1x25xi32, #tpu.memory_space<hbm>> -> memref<25xi32, #tpu.memory_space<hbm>>
        %dma_start3A_841 = arith.constant 0 : i32
        %dma_start3A_842 = tpu.memref_slice %arg7[%dma_start3A_834, %dma_start3A_841] : memref<8x25xi32, #tpu.memory_space<vmem>> -> memref<1x25xi32, #tpu.memory_space<vmem>>
        %dma_start3A_843 = tpu.memref_squeeze %dma_start3A_842 : memref<1x25xi32, #tpu.memory_space<vmem>> -> memref<25xi32, #tpu.memory_space<vmem>>
        %dma_start3A_844 = arith.constant 0 : i32
        %dma_start3A_845 = tpu.memref_slice %arg4[%add3A, %add3A_820, %dma_start3A_844] : memref<32x400x25xi32, #tpu.memory_space<hbm>> -> memref<1x1x25xi32, #tpu.memory_space<hbm>>
        %dma_start3A_846 = tpu.memref_squeeze %dma_start3A_845 : memref<1x1x25xi32, #tpu.memory_space<hbm>> -> memref<25xi32, #tpu.memory_space<hbm>>
        tpu.enqueue_dma source(%dma_start3A_846 : memref<25xi32, #tpu.memory_space<hbm>>) target(%dma_start3A_843 : memref<25xi32, #tpu.memory_space<vmem>>) target_semaphore(%arg15 : memref<!tpu.dma_semaphore, #tpu.memory_space<semaphore_mem>>)
      } else {
      }
      %add3A_748 = arith.constant 8 : i32
      %add3A_749 = arith.addi %add3A_726, %add3A_748 : i32
      %lt3A_750 = arith.constant 400 : i32
      %lt3A_751 = arith.cmpi slt, %add3A_749, %lt3A_750 : i32
      %convert_element_type3A_752 = arith.extui %lt3A_751 : i1 to i32
      %cond3A_753 = arith.constant 0 : i32
      %cond3A_754 = arith.cmpi ne, %convert_element_type3A_752, %cond3A_753 : i32
      scf.if %cond3A_754 {
        %dma_wait3A_819 = arith.constant 0 : i32
        %dma_wait3A_820 = arith.constant 5 : i32
        %dma_wait3A_821 = arith.constant 0 : i32
        %dma_wait3A_822 = tpu.memref_slice %arg6[%dma_wait3A_820, %dma_wait3A_821] : memref<8x25xi32, #tpu.memory_space<vmem>> -> memref<1x25xi32, #tpu.memory_space<vmem>>
        %dma_wait3A_823 = tpu.memref_squeeze %dma_wait3A_822 : memref<1x25xi32, #tpu.memory_space<vmem>> -> memref<25xi32, #tpu.memory_space<vmem>>
        %dma_wait3A_824 = arith.constant 0 : i32
        %dma_wait3A_825 = tpu.memref_slice %arg3[%add3A, %dma_wait3A_819, %dma_wait3A_824] : memref<32x400x25xi32, #tpu.memory_space<hbm>> -> memref<1x1x25xi32, #tpu.memory_space<hbm>>
        %dma_wait3A_826 = tpu.memref_squeeze %dma_wait3A_825 : memref<1x1x25xi32, #tpu.memory_space<hbm>> -> memref<25xi32, #tpu.memory_space<hbm>>
        %dma_wait3A_827 = arith.constant 0 : i32
        %dma_wait3A_828 = tpu.memref_slice %arg6[%dma_wait3A_820, %dma_wait3A_827] : memref<8x25xi32, #tpu.memory_space<vmem>> -> memref<1x25xi32, #tpu.memory_space<vmem>>
        %dma_wait3A_829 = tpu.memref_squeeze %dma_wait3A_828 : memref<1x25xi32, #tpu.memory_space<vmem>> -> memref<25xi32, #tpu.memory_space<vmem>>
        %dma_wait3A_830 = arith.constant 0 : i32
        %dma_wait3A_831 = tpu.memref_slice %arg3[%add3A, %dma_wait3A_819, %dma_wait3A_830] : memref<32x400x25xi32, #tpu.memory_space<hbm>> -> memref<1x1x25xi32, #tpu.memory_space<hbm>>
        %dma_wait3A_832 = tpu.memref_squeeze %dma_wait3A_831 : memref<1x1x25xi32, #tpu.memory_space<hbm>> -> memref<25xi32, #tpu.memory_space<hbm>>
        tpu.wait_dma2 semaphore(%arg15 : memref<!tpu.dma_semaphore, #tpu.memory_space<semaphore_mem>>) src(%dma_wait3A_832 : memref<25xi32, #tpu.memory_space<hbm>>) dst(%dma_wait3A_829 : memref<25xi32, #tpu.memory_space<vmem>>)
        %dma_wait3A_833 = arith.constant 0 : i32
        %dma_wait3A_834 = arith.constant 5 : i32
        %dma_wait3A_835 = arith.constant 0 : i32
        %dma_wait3A_836 = tpu.memref_slice %arg7[%dma_wait3A_834, %dma_wait3A_835] : memref<8x25xi32, #tpu.memory_space<vmem>> -> memref<1x25xi32, #tpu.memory_space<vmem>>
        %dma_wait3A_837 = tpu.memref_squeeze %dma_wait3A_836 : memref<1x25xi32, #tpu.memory_space<vmem>> -> memref<25xi32, #tpu.memory_space<vmem>>
        %dma_wait3A_838 = arith.constant 0 : i32
        %dma_wait3A_839 = tpu.memref_slice %arg4[%add3A, %dma_wait3A_833, %dma_wait3A_838] : memref<32x400x25xi32, #tpu.memory_space<hbm>> -> memref<1x1x25xi32, #tpu.memory_space<hbm>>
        %dma_wait3A_840 = tpu.memref_squeeze %dma_wait3A_839 : memref<1x1x25xi32, #tpu.memory_space<hbm>> -> memref<25xi32, #tpu.memory_space<hbm>>
        %dma_wait3A_841 = arith.constant 0 : i32
        %dma_wait3A_842 = tpu.memref_slice %arg7[%dma_wait3A_834, %dma_wait3A_841] : memref<8x25xi32, #tpu.memory_space<vmem>> -> memref<1x25xi32, #tpu.memory_space<vmem>>
        %dma_wait3A_843 = tpu.memref_squeeze %dma_wait3A_842 : memref<1x25xi32, #tpu.memory_space<vmem>> -> memref<25xi32, #tpu.memory_space<vmem>>
        %dma_wait3A_844 = arith.constant 0 : i32
        %dma_wait3A_845 = tpu.memref_slice %arg4[%add3A, %dma_wait3A_833, %dma_wait3A_844] : memref<32x400x25xi32, #tpu.memory_space<hbm>> -> memref<1x1x25xi32, #tpu.memory_space<hbm>>
        %dma_wait3A_846 = tpu.memref_squeeze %dma_wait3A_845 : memref<1x1x25xi32, #tpu.memory_space<hbm>> -> memref<25xi32, #tpu.memory_space<hbm>>
        tpu.wait_dma2 semaphore(%arg15 : memref<!tpu.dma_semaphore, #tpu.memory_space<semaphore_mem>>) src(%dma_wait3A_846 : memref<25xi32, #tpu.memory_space<hbm>>) dst(%dma_wait3A_843 : memref<25xi32, #tpu.memory_space<vmem>>)
        %dma_start3A_847 = arith.constant 5 : i32
        %dma_start3A_848 = arith.constant 5 : i32
        %dma_start3A_849 = arith.constant 0 : i32
        %dma_start3A_850 = arith.constant 0 : i32
        %dma_start3A_851 = tpu.memref_slice %arg8[%dma_start3A_848, %dma_start3A_849, %dma_start3A_850] : memref<8x25x128xf32, #tpu.memory_space<vmem>> -> memref<1x25x128xf32, #tpu.memory_space<vmem>>
        %dma_start3A_852 = tpu.memref_squeeze %dma_start3A_851 : memref<1x25x128xf32, #tpu.memory_space<vmem>> -> memref<25x128xf32, #tpu.memory_space<vmem>>
        %dma_start3A_853 = arith.constant 0 : i32
        %dma_start3A_854 = tpu.memref_slice %arg6[%dma_start3A_847, %dma_start3A_853] : memref<8x25xi32, #tpu.memory_space<vmem>> -> memref<1x25xi32, #tpu.memory_space<vmem>>
        %dma_start3A_855 = tpu.memref_squeeze %dma_start3A_854 : memref<1x25xi32, #tpu.memory_space<vmem>> -> memref<25xi32, #tpu.memory_space<vmem>>
        %dma_start3A_856 = arith.constant 0 : i32
        %dma_start3A_857 = arith.constant 0 : i32
        %dma_start3A_858 = tpu.memref_slice %arg2[%dma_start3A_856, %dma_start3A_857] : memref<10000x128xf32, #tpu.memory_space<hbm>> -> memref<10000x128xf32, #tpu.memory_space<hbm>>
        tpu.enqueue_indirect_dma source(%dma_start3A_858 : memref<10000x128xf32, #tpu.memory_space<hbm>>) target(%dma_start3A_852 : memref<25x128xf32, #tpu.memory_space<vmem>>) offsets(%dma_start3A_855 : memref<25xi32, #tpu.memory_space<vmem>>) semaphore(%arg23 : memref<!tpu.dma_semaphore, #tpu.memory_space<semaphore_mem>>)
      } else {
      }
      %mul3A_755 = arith.constant 8 : i32
      %mul3A_756 = arith.muli %scan3A_564, %mul3A_755 : i32
      %add3A_757 = arith.constant 6 : i32
      %add3A_758 = arith.addi %mul3A_756, %add3A_757 : i32
      %dma_wait3A_759 = arith.constant 0 : i32
      %dma_wait3A_760 = arith.constant 6 : i32
      %dma_wait3A_761 = arith.constant 0 : i32
      %dma_wait3A_762 = arith.constant 0 : i32
      %dma_wait3A_763 = tpu.memref_slice %arg8[%dma_wait3A_760, %dma_wait3A_761, %dma_wait3A_762] : memref<8x25x128xf32, #tpu.memory_space<vmem>> -> memref<1x25x128xf32, #tpu.memory_space<vmem>>
      %dma_wait3A_764 = tpu.memref_squeeze %dma_wait3A_763 : memref<1x25x128xf32, #tpu.memory_space<vmem>> -> memref<25x128xf32, #tpu.memory_space<vmem>>
      %dma_wait3A_765 = arith.constant 0 : i32
      %dma_wait3A_766 = tpu.memref_slice %arg6[%dma_wait3A_759, %dma_wait3A_765] : memref<8x25xi32, #tpu.memory_space<vmem>> -> memref<1x25xi32, #tpu.memory_space<vmem>>
      %dma_wait3A_767 = tpu.memref_squeeze %dma_wait3A_766 : memref<1x25xi32, #tpu.memory_space<vmem>> -> memref<25xi32, #tpu.memory_space<vmem>>
      %dma_wait3A_768 = arith.constant 0 : i32
      %dma_wait3A_769 = arith.constant 0 : i32
      %dma_wait3A_770 = tpu.memref_slice %arg2[%dma_wait3A_768, %dma_wait3A_769] : memref<10000x128xf32, #tpu.memory_space<hbm>> -> memref<10000x128xf32, #tpu.memory_space<hbm>>
      tpu.wait_indirect_dma semaphore(%arg24 : memref<!tpu.dma_semaphore, #tpu.memory_space<semaphore_mem>>) src(%dma_wait3A_770 : memref<10000x128xf32, #tpu.memory_space<hbm>>) dst(%dma_wait3A_764 : memref<25x128xf32, #tpu.memory_space<vmem>>)
      %run_scoped3A_771 = arith.constant 6 : i32
      %run_scoped3A_772 = arith.constant 6 : i32
      "tpu.region"() ({
        %run_scoped3A_819 = tpu.sem_alloc : memref<!tpu.dma_semaphore, #tpu.memory_space<semaphore_mem>>
        %dma_start3A_820 = arith.constant 0 : i32
        %dma_start3A_821 = arith.constant 0 : i32
        %dma_start3A_822 = tpu.memref_slice %arg8[%run_scoped3A_771, %dma_start3A_820, %dma_start3A_821] : memref<8x25x128xf32, #tpu.memory_space<vmem>> -> memref<1x25x128xf32, #tpu.memory_space<vmem>>
        %dma_start3A_823 = tpu.memref_squeeze %dma_start3A_822 : memref<1x25x128xf32, #tpu.memory_space<vmem>> -> memref<25x128xf32, #tpu.memory_space<vmem>>
        %dma_start3A_824 = arith.constant 0 : i32
        %dma_start3A_825 = tpu.memref_slice %arg7[%run_scoped3A_772, %dma_start3A_824] : memref<8x25xi32, #tpu.memory_space<vmem>> -> memref<1x25xi32, #tpu.memory_space<vmem>>
        %dma_start3A_826 = tpu.memref_squeeze %dma_start3A_825 : memref<1x25xi32, #tpu.memory_space<vmem>> -> memref<25xi32, #tpu.memory_space<vmem>>
        %dma_start3A_827 = arith.constant 0 : i32
        %dma_start3A_828 = arith.constant 0 : i32
        %dma_start3A_829 = tpu.memref_slice %arg9[%dma_start3A_827, %dma_start3A_828] : memref<10000x128xf32, #tpu.memory_space<vmem_shared>> -> memref<10000x128xf32, #tpu.memory_space<vmem_shared>>
        tpu.enqueue_indirect_dma source(%dma_start3A_823 : memref<25x128xf32, #tpu.memory_space<vmem>>) target(%dma_start3A_829 : memref<10000x128xf32, #tpu.memory_space<vmem_shared>>) offsets(%dma_start3A_826 : memref<25xi32, #tpu.memory_space<vmem>>) semaphore(%run_scoped3A_819 : memref<!tpu.dma_semaphore, #tpu.memory_space<semaphore_mem>>) {add = true}
        %dma_wait3A_830 = arith.constant 0 : i32
        %dma_wait3A_831 = arith.constant 0 : i32
        %dma_wait3A_832 = tpu.memref_slice %arg8[%run_scoped3A_771, %dma_wait3A_830, %dma_wait3A_831] : memref<8x25x128xf32, #tpu.memory_space<vmem>> -> memref<1x25x128xf32, #tpu.memory_space<vmem>>
        %dma_wait3A_833 = tpu.memref_squeeze %dma_wait3A_832 : memref<1x25x128xf32, #tpu.memory_space<vmem>> -> memref<25x128xf32, #tpu.memory_space<vmem>>
        %dma_wait3A_834 = arith.constant 0 : i32
        %dma_wait3A_835 = tpu.memref_slice %arg7[%run_scoped3A_772, %dma_wait3A_834] : memref<8x25xi32, #tpu.memory_space<vmem>> -> memref<1x25xi32, #tpu.memory_space<vmem>>
        %dma_wait3A_836 = tpu.memref_squeeze %dma_wait3A_835 : memref<1x25xi32, #tpu.memory_space<vmem>> -> memref<25xi32, #tpu.memory_space<vmem>>
        %dma_wait3A_837 = arith.constant 0 : i32
        %dma_wait3A_838 = arith.constant 0 : i32
        %dma_wait3A_839 = tpu.memref_slice %arg9[%dma_wait3A_837, %dma_wait3A_838] : memref<10000x128xf32, #tpu.memory_space<vmem_shared>> -> memref<10000x128xf32, #tpu.memory_space<vmem_shared>>
        tpu.wait_indirect_dma semaphore(%run_scoped3A_819 : memref<!tpu.dma_semaphore, #tpu.memory_space<semaphore_mem>>) src(%dma_wait3A_833 : memref<25x128xf32, #tpu.memory_space<vmem>>) dst(%dma_wait3A_839 : memref<10000x128xf32, #tpu.memory_space<vmem_shared>>)
        tpu.yield
      }) : () -> ()
      %add3A_773 = arith.constant 8 : i32
      %add3A_774 = arith.addi %add3A_758, %add3A_773 : i32
      %lt3A_775 = arith.constant 400 : i32
      %lt3A_776 = arith.cmpi slt, %add3A_774, %lt3A_775 : i32
      %convert_element_type3A_777 = arith.extui %lt3A_776 : i1 to i32
      %cond3A_778 = arith.constant 0 : i32
      %cond3A_779 = arith.cmpi ne, %convert_element_type3A_777, %cond3A_778 : i32
      scf.if %cond3A_779 {
        %add3A_819 = arith.constant 8 : i32
        %add3A_820 = arith.addi %add3A_758, %add3A_819 : i32
        %dma_start3A_821 = arith.constant 6 : i32
        %dma_start3A_822 = arith.constant 0 : i32
        %dma_start3A_823 = tpu.memref_slice %arg6[%dma_start3A_821, %dma_start3A_822] : memref<8x25xi32, #tpu.memory_space<vmem>> -> memref<1x25xi32, #tpu.memory_space<vmem>>
        %dma_start3A_824 = tpu.memref_squeeze %dma_start3A_823 : memref<1x25xi32, #tpu.memory_space<vmem>> -> memref<25xi32, #tpu.memory_space<vmem>>
        %dma_start3A_825 = arith.constant 0 : i32
        %dma_start3A_826 = tpu.memref_slice %arg3[%add3A, %add3A_820, %dma_start3A_825] : memref<32x400x25xi32, #tpu.memory_space<hbm>> -> memref<1x1x25xi32, #tpu.memory_space<hbm>>
        %dma_start3A_827 = tpu.memref_squeeze %dma_start3A_826 : memref<1x1x25xi32, #tpu.memory_space<hbm>> -> memref<25xi32, #tpu.memory_space<hbm>>
        %dma_start3A_828 = arith.constant 0 : i32
        %dma_start3A_829 = tpu.memref_slice %arg6[%dma_start3A_821, %dma_start3A_828] : memref<8x25xi32, #tpu.memory_space<vmem>> -> memref<1x25xi32, #tpu.memory_space<vmem>>
        %dma_start3A_830 = tpu.memref_squeeze %dma_start3A_829 : memref<1x25xi32, #tpu.memory_space<vmem>> -> memref<25xi32, #tpu.memory_space<vmem>>
        %dma_start3A_831 = arith.constant 0 : i32
        %dma_start3A_832 = tpu.memref_slice %arg3[%add3A, %add3A_820, %dma_start3A_831] : memref<32x400x25xi32, #tpu.memory_space<hbm>> -> memref<1x1x25xi32, #tpu.memory_space<hbm>>
        %dma_start3A_833 = tpu.memref_squeeze %dma_start3A_832 : memref<1x1x25xi32, #tpu.memory_space<hbm>> -> memref<25xi32, #tpu.memory_space<hbm>>
        tpu.enqueue_dma source(%dma_start3A_833 : memref<25xi32, #tpu.memory_space<hbm>>) target(%dma_start3A_830 : memref<25xi32, #tpu.memory_space<vmem>>) target_semaphore(%arg16 : memref<!tpu.dma_semaphore, #tpu.memory_space<semaphore_mem>>)
        %dma_start3A_834 = arith.constant 6 : i32
        %dma_start3A_835 = arith.constant 0 : i32
        %dma_start3A_836 = tpu.memref_slice %arg7[%dma_start3A_834, %dma_start3A_835] : memref<8x25xi32, #tpu.memory_space<vmem>> -> memref<1x25xi32, #tpu.memory_space<vmem>>
        %dma_start3A_837 = tpu.memref_squeeze %dma_start3A_836 : memref<1x25xi32, #tpu.memory_space<vmem>> -> memref<25xi32, #tpu.memory_space<vmem>>
        %dma_start3A_838 = arith.constant 0 : i32
        %dma_start3A_839 = tpu.memref_slice %arg4[%add3A, %add3A_820, %dma_start3A_838] : memref<32x400x25xi32, #tpu.memory_space<hbm>> -> memref<1x1x25xi32, #tpu.memory_space<hbm>>
        %dma_start3A_840 = tpu.memref_squeeze %dma_start3A_839 : memref<1x1x25xi32, #tpu.memory_space<hbm>> -> memref<25xi32, #tpu.memory_space<hbm>>
        %dma_start3A_841 = arith.constant 0 : i32
        %dma_start3A_842 = tpu.memref_slice %arg7[%dma_start3A_834, %dma_start3A_841] : memref<8x25xi32, #tpu.memory_space<vmem>> -> memref<1x25xi32, #tpu.memory_space<vmem>>
        %dma_start3A_843 = tpu.memref_squeeze %dma_start3A_842 : memref<1x25xi32, #tpu.memory_space<vmem>> -> memref<25xi32, #tpu.memory_space<vmem>>
        %dma_start3A_844 = arith.constant 0 : i32
        %dma_start3A_845 = tpu.memref_slice %arg4[%add3A, %add3A_820, %dma_start3A_844] : memref<32x400x25xi32, #tpu.memory_space<hbm>> -> memref<1x1x25xi32, #tpu.memory_space<hbm>>
        %dma_start3A_846 = tpu.memref_squeeze %dma_start3A_845 : memref<1x1x25xi32, #tpu.memory_space<hbm>> -> memref<25xi32, #tpu.memory_space<hbm>>
        tpu.enqueue_dma source(%dma_start3A_846 : memref<25xi32, #tpu.memory_space<hbm>>) target(%dma_start3A_843 : memref<25xi32, #tpu.memory_space<vmem>>) target_semaphore(%arg16 : memref<!tpu.dma_semaphore, #tpu.memory_space<semaphore_mem>>)
      } else {
      }
      %add3A_780 = arith.constant 8 : i32
      %add3A_781 = arith.addi %add3A_758, %add3A_780 : i32
      %lt3A_782 = arith.constant 400 : i32
      %lt3A_783 = arith.cmpi slt, %add3A_781, %lt3A_782 : i32
      %convert_element_type3A_784 = arith.extui %lt3A_783 : i1 to i32
      %cond3A_785 = arith.constant 0 : i32
      %cond3A_786 = arith.cmpi ne, %convert_element_type3A_784, %cond3A_785 : i32
      scf.if %cond3A_786 {
        %dma_wait3A_819 = arith.constant 0 : i32
        %dma_wait3A_820 = arith.constant 6 : i32
        %dma_wait3A_821 = arith.constant 0 : i32
        %dma_wait3A_822 = tpu.memref_slice %arg6[%dma_wait3A_820, %dma_wait3A_821] : memref<8x25xi32, #tpu.memory_space<vmem>> -> memref<1x25xi32, #tpu.memory_space<vmem>>
        %dma_wait3A_823 = tpu.memref_squeeze %dma_wait3A_822 : memref<1x25xi32, #tpu.memory_space<vmem>> -> memref<25xi32, #tpu.memory_space<vmem>>
        %dma_wait3A_824 = arith.constant 0 : i32
        %dma_wait3A_825 = tpu.memref_slice %arg3[%add3A, %dma_wait3A_819, %dma_wait3A_824] : memref<32x400x25xi32, #tpu.memory_space<hbm>> -> memref<1x1x25xi32, #tpu.memory_space<hbm>>
        %dma_wait3A_826 = tpu.memref_squeeze %dma_wait3A_825 : memref<1x1x25xi32, #tpu.memory_space<hbm>> -> memref<25xi32, #tpu.memory_space<hbm>>
        %dma_wait3A_827 = arith.constant 0 : i32
        %dma_wait3A_828 = tpu.memref_slice %arg6[%dma_wait3A_820, %dma_wait3A_827] : memref<8x25xi32, #tpu.memory_space<vmem>> -> memref<1x25xi32, #tpu.memory_space<vmem>>
        %dma_wait3A_829 = tpu.memref_squeeze %dma_wait3A_828 : memref<1x25xi32, #tpu.memory_space<vmem>> -> memref<25xi32, #tpu.memory_space<vmem>>
        %dma_wait3A_830 = arith.constant 0 : i32
        %dma_wait3A_831 = tpu.memref_slice %arg3[%add3A, %dma_wait3A_819, %dma_wait3A_830] : memref<32x400x25xi32, #tpu.memory_space<hbm>> -> memref<1x1x25xi32, #tpu.memory_space<hbm>>
        %dma_wait3A_832 = tpu.memref_squeeze %dma_wait3A_831 : memref<1x1x25xi32, #tpu.memory_space<hbm>> -> memref<25xi32, #tpu.memory_space<hbm>>
        tpu.wait_dma2 semaphore(%arg16 : memref<!tpu.dma_semaphore, #tpu.memory_space<semaphore_mem>>) src(%dma_wait3A_832 : memref<25xi32, #tpu.memory_space<hbm>>) dst(%dma_wait3A_829 : memref<25xi32, #tpu.memory_space<vmem>>)
        %dma_wait3A_833 = arith.constant 0 : i32
        %dma_wait3A_834 = arith.constant 6 : i32
        %dma_wait3A_835 = arith.constant 0 : i32
        %dma_wait3A_836 = tpu.memref_slice %arg7[%dma_wait3A_834, %dma_wait3A_835] : memref<8x25xi32, #tpu.memory_space<vmem>> -> memref<1x25xi32, #tpu.memory_space<vmem>>
        %dma_wait3A_837 = tpu.memref_squeeze %dma_wait3A_836 : memref<1x25xi32, #tpu.memory_space<vmem>> -> memref<25xi32, #tpu.memory_space<vmem>>
        %dma_wait3A_838 = arith.constant 0 : i32
        %dma_wait3A_839 = tpu.memref_slice %arg4[%add3A, %dma_wait3A_833, %dma_wait3A_838] : memref<32x400x25xi32, #tpu.memory_space<hbm>> -> memref<1x1x25xi32, #tpu.memory_space<hbm>>
        %dma_wait3A_840 = tpu.memref_squeeze %dma_wait3A_839 : memref<1x1x25xi32, #tpu.memory_space<hbm>> -> memref<25xi32, #tpu.memory_space<hbm>>
        %dma_wait3A_841 = arith.constant 0 : i32
        %dma_wait3A_842 = tpu.memref_slice %arg7[%dma_wait3A_834, %dma_wait3A_841] : memref<8x25xi32, #tpu.memory_space<vmem>> -> memref<1x25xi32, #tpu.memory_space<vmem>>
        %dma_wait3A_843 = tpu.memref_squeeze %dma_wait3A_842 : memref<1x25xi32, #tpu.memory_space<vmem>> -> memref<25xi32, #tpu.memory_space<vmem>>
        %dma_wait3A_844 = arith.constant 0 : i32
        %dma_wait3A_845 = tpu.memref_slice %arg4[%add3A, %dma_wait3A_833, %dma_wait3A_844] : memref<32x400x25xi32, #tpu.memory_space<hbm>> -> memref<1x1x25xi32, #tpu.memory_space<hbm>>
        %dma_wait3A_846 = tpu.memref_squeeze %dma_wait3A_845 : memref<1x1x25xi32, #tpu.memory_space<hbm>> -> memref<25xi32, #tpu.memory_space<hbm>>
        tpu.wait_dma2 semaphore(%arg16 : memref<!tpu.dma_semaphore, #tpu.memory_space<semaphore_mem>>) src(%dma_wait3A_846 : memref<25xi32, #tpu.memory_space<hbm>>) dst(%dma_wait3A_843 : memref<25xi32, #tpu.memory_space<vmem>>)
        %dma_start3A_847 = arith.constant 6 : i32
        %dma_start3A_848 = arith.constant 6 : i32
        %dma_start3A_849 = arith.constant 0 : i32
        %dma_start3A_850 = arith.constant 0 : i32
        %dma_start3A_851 = tpu.memref_slice %arg8[%dma_start3A_848, %dma_start3A_849, %dma_start3A_850] : memref<8x25x128xf32, #tpu.memory_space<vmem>> -> memref<1x25x128xf32, #tpu.memory_space<vmem>>
        %dma_start3A_852 = tpu.memref_squeeze %dma_start3A_851 : memref<1x25x128xf32, #tpu.memory_space<vmem>> -> memref<25x128xf32, #tpu.memory_space<vmem>>
        %dma_start3A_853 = arith.constant 0 : i32
        %dma_start3A_854 = tpu.memref_slice %arg6[%dma_start3A_847, %dma_start3A_853] : memref<8x25xi32, #tpu.memory_space<vmem>> -> memref<1x25xi32, #tpu.memory_space<vmem>>
        %dma_start3A_855 = tpu.memref_squeeze %dma_start3A_854 : memref<1x25xi32, #tpu.memory_space<vmem>> -> memref<25xi32, #tpu.memory_space<vmem>>
        %dma_start3A_856 = arith.constant 0 : i32
        %dma_start3A_857 = arith.constant 0 : i32
        %dma_start3A_858 = tpu.memref_slice %arg2[%dma_start3A_856, %dma_start3A_857] : memref<10000x128xf32, #tpu.memory_space<hbm>> -> memref<10000x128xf32, #tpu.memory_space<hbm>>
        tpu.enqueue_indirect_dma source(%dma_start3A_858 : memref<10000x128xf32, #tpu.memory_space<hbm>>) target(%dma_start3A_852 : memref<25x128xf32, #tpu.memory_space<vmem>>) offsets(%dma_start3A_855 : memref<25xi32, #tpu.memory_space<vmem>>) semaphore(%arg24 : memref<!tpu.dma_semaphore, #tpu.memory_space<semaphore_mem>>)
      } else {
      }
      %mul3A_787 = arith.constant 8 : i32
      %mul3A_788 = arith.muli %scan3A_564, %mul3A_787 : i32
      %add3A_789 = arith.constant 7 : i32
      %add3A_790 = arith.addi %mul3A_788, %add3A_789 : i32
      %dma_wait3A_791 = arith.constant 0 : i32
      %dma_wait3A_792 = arith.constant 7 : i32
      %dma_wait3A_793 = arith.constant 0 : i32
      %dma_wait3A_794 = arith.constant 0 : i32
      %dma_wait3A_795 = tpu.memref_slice %arg8[%dma_wait3A_792, %dma_wait3A_793, %dma_wait3A_794] : memref<8x25x128xf32, #tpu.memory_space<vmem>> -> memref<1x25x128xf32, #tpu.memory_space<vmem>>
      %dma_wait3A_796 = tpu.memref_squeeze %dma_wait3A_795 : memref<1x25x128xf32, #tpu.memory_space<vmem>> -> memref<25x128xf32, #tpu.memory_space<vmem>>
      %dma_wait3A_797 = arith.constant 0 : i32
      %dma_wait3A_798 = tpu.memref_slice %arg6[%dma_wait3A_791, %dma_wait3A_797] : memref<8x25xi32, #tpu.memory_space<vmem>> -> memref<1x25xi32, #tpu.memory_space<vmem>>
      %dma_wait3A_799 = tpu.memref_squeeze %dma_wait3A_798 : memref<1x25xi32, #tpu.memory_space<vmem>> -> memref<25xi32, #tpu.memory_space<vmem>>
      %dma_wait3A_800 = arith.constant 0 : i32
      %dma_wait3A_801 = arith.constant 0 : i32
      %dma_wait3A_802 = tpu.memref_slice %arg2[%dma_wait3A_800, %dma_wait3A_801] : memref<10000x128xf32, #tpu.memory_space<hbm>> -> memref<10000x128xf32, #tpu.memory_space<hbm>>
      tpu.wait_indirect_dma semaphore(%arg25 : memref<!tpu.dma_semaphore, #tpu.memory_space<semaphore_mem>>) src(%dma_wait3A_802 : memref<10000x128xf32, #tpu.memory_space<hbm>>) dst(%dma_wait3A_796 : memref<25x128xf32, #tpu.memory_space<vmem>>)
      %run_scoped3A_803 = arith.constant 7 : i32
      %run_scoped3A_804 = arith.constant 7 : i32
      "tpu.region"() ({
        %run_scoped3A_819 = tpu.sem_alloc : memref<!tpu.dma_semaphore, #tpu.memory_space<semaphore_mem>>
        %dma_start3A_820 = arith.constant 0 : i32
        %dma_start3A_821 = arith.constant 0 : i32
        %dma_start3A_822 = tpu.memref_slice %arg8[%run_scoped3A_803, %dma_start3A_820, %dma_start3A_821] : memref<8x25x128xf32, #tpu.memory_space<vmem>> -> memref<1x25x128xf32, #tpu.memory_space<vmem>>
        %dma_start3A_823 = tpu.memref_squeeze %dma_start3A_822 : memref<1x25x128xf32, #tpu.memory_space<vmem>> -> memref<25x128xf32, #tpu.memory_space<vmem>>
        %dma_start3A_824 = arith.constant 0 : i32
        %dma_start3A_825 = tpu.memref_slice %arg7[%run_scoped3A_804, %dma_start3A_824] : memref<8x25xi32, #tpu.memory_space<vmem>> -> memref<1x25xi32, #tpu.memory_space<vmem>>
        %dma_start3A_826 = tpu.memref_squeeze %dma_start3A_825 : memref<1x25xi32, #tpu.memory_space<vmem>> -> memref<25xi32, #tpu.memory_space<vmem>>
        %dma_start3A_827 = arith.constant 0 : i32
        %dma_start3A_828 = arith.constant 0 : i32
        %dma_start3A_829 = tpu.memref_slice %arg9[%dma_start3A_827, %dma_start3A_828] : memref<10000x128xf32, #tpu.memory_space<vmem_shared>> -> memref<10000x128xf32, #tpu.memory_space<vmem_shared>>
        tpu.enqueue_indirect_dma source(%dma_start3A_823 : memref<25x128xf32, #tpu.memory_space<vmem>>) target(%dma_start3A_829 : memref<10000x128xf32, #tpu.memory_space<vmem_shared>>) offsets(%dma_start3A_826 : memref<25xi32, #tpu.memory_space<vmem>>) semaphore(%run_scoped3A_819 : memref<!tpu.dma_semaphore, #tpu.memory_space<semaphore_mem>>) {add = true}
        %dma_wait3A_830 = arith.constant 0 : i32
        %dma_wait3A_831 = arith.constant 0 : i32
        %dma_wait3A_832 = tpu.memref_slice %arg8[%run_scoped3A_803, %dma_wait3A_830, %dma_wait3A_831] : memref<8x25x128xf32, #tpu.memory_space<vmem>> -> memref<1x25x128xf32, #tpu.memory_space<vmem>>
        %dma_wait3A_833 = tpu.memref_squeeze %dma_wait3A_832 : memref<1x25x128xf32, #tpu.memory_space<vmem>> -> memref<25x128xf32, #tpu.memory_space<vmem>>
        %dma_wait3A_834 = arith.constant 0 : i32
        %dma_wait3A_835 = tpu.memref_slice %arg7[%run_scoped3A_804, %dma_wait3A_834] : memref<8x25xi32, #tpu.memory_space<vmem>> -> memref<1x25xi32, #tpu.memory_space<vmem>>
        %dma_wait3A_836 = tpu.memref_squeeze %dma_wait3A_835 : memref<1x25xi32, #tpu.memory_space<vmem>> -> memref<25xi32, #tpu.memory_space<vmem>>
        %dma_wait3A_837 = arith.constant 0 : i32
        %dma_wait3A_838 = arith.constant 0 : i32
        %dma_wait3A_839 = tpu.memref_slice %arg9[%dma_wait3A_837, %dma_wait3A_838] : memref<10000x128xf32, #tpu.memory_space<vmem_shared>> -> memref<10000x128xf32, #tpu.memory_space<vmem_shared>>
        tpu.wait_indirect_dma semaphore(%run_scoped3A_819 : memref<!tpu.dma_semaphore, #tpu.memory_space<semaphore_mem>>) src(%dma_wait3A_833 : memref<25x128xf32, #tpu.memory_space<vmem>>) dst(%dma_wait3A_839 : memref<10000x128xf32, #tpu.memory_space<vmem_shared>>)
        tpu.yield
      }) : () -> ()
      %add3A_805 = arith.constant 8 : i32
      %add3A_806 = arith.addi %add3A_790, %add3A_805 : i32
      %lt3A_807 = arith.constant 400 : i32
      %lt3A_808 = arith.cmpi slt, %add3A_806, %lt3A_807 : i32
      %convert_element_type3A_809 = arith.extui %lt3A_808 : i1 to i32
      %cond3A_810 = arith.constant 0 : i32
      %cond3A_811 = arith.cmpi ne, %convert_element_type3A_809, %cond3A_810 : i32
      scf.if %cond3A_811 {
        %add3A_819 = arith.constant 8 : i32
        %add3A_820 = arith.addi %add3A_790, %add3A_819 : i32
        %dma_start3A_821 = arith.constant 7 : i32
        %dma_start3A_822 = arith.constant 0 : i32
        %dma_start3A_823 = tpu.memref_slice %arg6[%dma_start3A_821, %dma_start3A_822] : memref<8x25xi32, #tpu.memory_space<vmem>> -> memref<1x25xi32, #tpu.memory_space<vmem>>
        %dma_start3A_824 = tpu.memref_squeeze %dma_start3A_823 : memref<1x25xi32, #tpu.memory_space<vmem>> -> memref<25xi32, #tpu.memory_space<vmem>>
        %dma_start3A_825 = arith.constant 0 : i32
        %dma_start3A_826 = tpu.memref_slice %arg3[%add3A, %add3A_820, %dma_start3A_825] : memref<32x400x25xi32, #tpu.memory_space<hbm>> -> memref<1x1x25xi32, #tpu.memory_space<hbm>>
        %dma_start3A_827 = tpu.memref_squeeze %dma_start3A_826 : memref<1x1x25xi32, #tpu.memory_space<hbm>> -> memref<25xi32, #tpu.memory_space<hbm>>
        %dma_start3A_828 = arith.constant 0 : i32
        %dma_start3A_829 = tpu.memref_slice %arg6[%dma_start3A_821, %dma_start3A_828] : memref<8x25xi32, #tpu.memory_space<vmem>> -> memref<1x25xi32, #tpu.memory_space<vmem>>
        %dma_start3A_830 = tpu.memref_squeeze %dma_start3A_829 : memref<1x25xi32, #tpu.memory_space<vmem>> -> memref<25xi32, #tpu.memory_space<vmem>>
        %dma_start3A_831 = arith.constant 0 : i32
        %dma_start3A_832 = tpu.memref_slice %arg3[%add3A, %add3A_820, %dma_start3A_831] : memref<32x400x25xi32, #tpu.memory_space<hbm>> -> memref<1x1x25xi32, #tpu.memory_space<hbm>>
        %dma_start3A_833 = tpu.memref_squeeze %dma_start3A_832 : memref<1x1x25xi32, #tpu.memory_space<hbm>> -> memref<25xi32, #tpu.memory_space<hbm>>
        tpu.enqueue_dma source(%dma_start3A_833 : memref<25xi32, #tpu.memory_space<hbm>>) target(%dma_start3A_830 : memref<25xi32, #tpu.memory_space<vmem>>) target_semaphore(%arg17 : memref<!tpu.dma_semaphore, #tpu.memory_space<semaphore_mem>>)
        %dma_start3A_834 = arith.constant 7 : i32
        %dma_start3A_835 = arith.constant 0 : i32
        %dma_start3A_836 = tpu.memref_slice %arg7[%dma_start3A_834, %dma_start3A_835] : memref<8x25xi32, #tpu.memory_space<vmem>> -> memref<1x25xi32, #tpu.memory_space<vmem>>
        %dma_start3A_837 = tpu.memref_squeeze %dma_start3A_836 : memref<1x25xi32, #tpu.memory_space<vmem>> -> memref<25xi32, #tpu.memory_space<vmem>>
        %dma_start3A_838 = arith.constant 0 : i32
        %dma_start3A_839 = tpu.memref_slice %arg4[%add3A, %add3A_820, %dma_start3A_838] : memref<32x400x25xi32, #tpu.memory_space<hbm>> -> memref<1x1x25xi32, #tpu.memory_space<hbm>>
        %dma_start3A_840 = tpu.memref_squeeze %dma_start3A_839 : memref<1x1x25xi32, #tpu.memory_space<hbm>> -> memref<25xi32, #tpu.memory_space<hbm>>
        %dma_start3A_841 = arith.constant 0 : i32
        %dma_start3A_842 = tpu.memref_slice %arg7[%dma_start3A_834, %dma_start3A_841] : memref<8x25xi32, #tpu.memory_space<vmem>> -> memref<1x25xi32, #tpu.memory_space<vmem>>
        %dma_start3A_843 = tpu.memref_squeeze %dma_start3A_842 : memref<1x25xi32, #tpu.memory_space<vmem>> -> memref<25xi32, #tpu.memory_space<vmem>>
        %dma_start3A_844 = arith.constant 0 : i32
        %dma_start3A_845 = tpu.memref_slice %arg4[%add3A, %add3A_820, %dma_start3A_844] : memref<32x400x25xi32, #tpu.memory_space<hbm>> -> memref<1x1x25xi32, #tpu.memory_space<hbm>>
        %dma_start3A_846 = tpu.memref_squeeze %dma_start3A_845 : memref<1x1x25xi32, #tpu.memory_space<hbm>> -> memref<25xi32, #tpu.memory_space<hbm>>
        tpu.enqueue_dma source(%dma_start3A_846 : memref<25xi32, #tpu.memory_space<hbm>>) target(%dma_start3A_843 : memref<25xi32, #tpu.memory_space<vmem>>) target_semaphore(%arg17 : memref<!tpu.dma_semaphore, #tpu.memory_space<semaphore_mem>>)
      } else {
      }
      %add3A_812 = arith.constant 8 : i32
      %add3A_813 = arith.addi %add3A_790, %add3A_812 : i32
      %lt3A_814 = arith.constant 400 : i32
      %lt3A_815 = arith.cmpi slt, %add3A_813, %lt3A_814 : i32
      %convert_element_type3A_816 = arith.extui %lt3A_815 : i1 to i32
      %cond3A_817 = arith.constant 0 : i32
      %cond3A_818 = arith.cmpi ne, %convert_element_type3A_816, %cond3A_817 : i32
      scf.if %cond3A_818 {
        %dma_wait3A_819 = arith.constant 0 : i32
        %dma_wait3A_820 = arith.constant 7 : i32
        %dma_wait3A_821 = arith.constant 0 : i32
        %dma_wait3A_822 = tpu.memref_slice %arg6[%dma_wait3A_820, %dma_wait3A_821] : memref<8x25xi32, #tpu.memory_space<vmem>> -> memref<1x25xi32, #tpu.memory_space<vmem>>
        %dma_wait3A_823 = tpu.memref_squeeze %dma_wait3A_822 : memref<1x25xi32, #tpu.memory_space<vmem>> -> memref<25xi32, #tpu.memory_space<vmem>>
        %dma_wait3A_824 = arith.constant 0 : i32
        %dma_wait3A_825 = tpu.memref_slice %arg3[%add3A, %dma_wait3A_819, %dma_wait3A_824] : memref<32x400x25xi32, #tpu.memory_space<hbm>> -> memref<1x1x25xi32, #tpu.memory_space<hbm>>
        %dma_wait3A_826 = tpu.memref_squeeze %dma_wait3A_825 : memref<1x1x25xi32, #tpu.memory_space<hbm>> -> memref<25xi32, #tpu.memory_space<hbm>>
        %dma_wait3A_827 = arith.constant 0 : i32
        %dma_wait3A_828 = tpu.memref_slice %arg6[%dma_wait3A_820, %dma_wait3A_827] : memref<8x25xi32, #tpu.memory_space<vmem>> -> memref<1x25xi32, #tpu.memory_space<vmem>>
        %dma_wait3A_829 = tpu.memref_squeeze %dma_wait3A_828 : memref<1x25xi32, #tpu.memory_space<vmem>> -> memref<25xi32, #tpu.memory_space<vmem>>
        %dma_wait3A_830 = arith.constant 0 : i32
        %dma_wait3A_831 = tpu.memref_slice %arg3[%add3A, %dma_wait3A_819, %dma_wait3A_830] : memref<32x400x25xi32, #tpu.memory_space<hbm>> -> memref<1x1x25xi32, #tpu.memory_space<hbm>>
        %dma_wait3A_832 = tpu.memref_squeeze %dma_wait3A_831 : memref<1x1x25xi32, #tpu.memory_space<hbm>> -> memref<25xi32, #tpu.memory_space<hbm>>
        tpu.wait_dma2 semaphore(%arg17 : memref<!tpu.dma_semaphore, #tpu.memory_space<semaphore_mem>>) src(%dma_wait3A_832 : memref<25xi32, #tpu.memory_space<hbm>>) dst(%dma_wait3A_829 : memref<25xi32, #tpu.memory_space<vmem>>)
        %dma_wait3A_833 = arith.constant 0 : i32
        %dma_wait3A_834 = arith.constant 7 : i32
        %dma_wait3A_835 = arith.constant 0 : i32
        %dma_wait3A_836 = tpu.memref_slice %arg7[%dma_wait3A_834, %dma_wait3A_835] : memref<8x25xi32, #tpu.memory_space<vmem>> -> memref<1x25xi32, #tpu.memory_space<vmem>>
        %dma_wait3A_837 = tpu.memref_squeeze %dma_wait3A_836 : memref<1x25xi32, #tpu.memory_space<vmem>> -> memref<25xi32, #tpu.memory_space<vmem>>
        %dma_wait3A_838 = arith.constant 0 : i32
        %dma_wait3A_839 = tpu.memref_slice %arg4[%add3A, %dma_wait3A_833, %dma_wait3A_838] : memref<32x400x25xi32, #tpu.memory_space<hbm>> -> memref<1x1x25xi32, #tpu.memory_space<hbm>>
        %dma_wait3A_840 = tpu.memref_squeeze %dma_wait3A_839 : memref<1x1x25xi32, #tpu.memory_space<hbm>> -> memref<25xi32, #tpu.memory_space<hbm>>
        %dma_wait3A_841 = arith.constant 0 : i32
        %dma_wait3A_842 = tpu.memref_slice %arg7[%dma_wait3A_834, %dma_wait3A_841] : memref<8x25xi32, #tpu.memory_space<vmem>> -> memref<1x25xi32, #tpu.memory_space<vmem>>
        %dma_wait3A_843 = tpu.memref_squeeze %dma_wait3A_842 : memref<1x25xi32, #tpu.memory_space<vmem>> -> memref<25xi32, #tpu.memory_space<vmem>>
        %dma_wait3A_844 = arith.constant 0 : i32
        %dma_wait3A_845 = tpu.memref_slice %arg4[%add3A, %dma_wait3A_833, %dma_wait3A_844] : memref<32x400x25xi32, #tpu.memory_space<hbm>> -> memref<1x1x25xi32, #tpu.memory_space<hbm>>
        %dma_wait3A_846 = tpu.memref_squeeze %dma_wait3A_845 : memref<1x1x25xi32, #tpu.memory_space<hbm>> -> memref<25xi32, #tpu.memory_space<hbm>>
        tpu.wait_dma2 semaphore(%arg17 : memref<!tpu.dma_semaphore, #tpu.memory_space<semaphore_mem>>) src(%dma_wait3A_846 : memref<25xi32, #tpu.memory_space<hbm>>) dst(%dma_wait3A_843 : memref<25xi32, #tpu.memory_space<vmem>>)
        %dma_start3A_847 = arith.constant 7 : i32
        %dma_start3A_848 = arith.constant 7 : i32
        %dma_start3A_849 = arith.constant 0 : i32
        %dma_start3A_850 = arith.constant 0 : i32
        %dma_start3A_851 = tpu.memref_slice %arg8[%dma_start3A_848, %dma_start3A_849, %dma_start3A_850] : memref<8x25x128xf32, #tpu.memory_space<vmem>> -> memref<1x25x128xf32, #tpu.memory_space<vmem>>
        %dma_start3A_852 = tpu.memref_squeeze %dma_start3A_851 : memref<1x25x128xf32, #tpu.memory_space<vmem>> -> memref<25x128xf32, #tpu.memory_space<vmem>>
        %dma_start3A_853 = arith.constant 0 : i32
        %dma_start3A_854 = tpu.memref_slice %arg6[%dma_start3A_847, %dma_start3A_853] : memref<8x25xi32, #tpu.memory_space<vmem>> -> memref<1x25xi32, #tpu.memory_space<vmem>>
        %dma_start3A_855 = tpu.memref_squeeze %dma_start3A_854 : memref<1x25xi32, #tpu.memory_space<vmem>> -> memref<25xi32, #tpu.memory_space<vmem>>
        %dma_start3A_856 = arith.constant 0 : i32
        %dma_start3A_857 = arith.constant 0 : i32
        %dma_start3A_858 = tpu.memref_slice %arg2[%dma_start3A_856, %dma_start3A_857] : memref<10000x128xf32, #tpu.memory_space<hbm>> -> memref<10000x128xf32, #tpu.memory_space<hbm>>
        tpu.enqueue_indirect_dma source(%dma_start3A_858 : memref<10000x128xf32, #tpu.memory_space<hbm>>) target(%dma_start3A_852 : memref<25x128xf32, #tpu.memory_space<vmem>>) offsets(%dma_start3A_855 : memref<25xi32, #tpu.memory_space<vmem>>) semaphore(%arg25 : memref<!tpu.dma_semaphore, #tpu.memory_space<semaphore_mem>>)
      } else {
      }
    }
    %scan3A_553 = arith.constant 50 : i32
    %barrier3A_554 = arith.constant 0 : index
    tpu.barrier barrier_id(%barrier3A_554)
    %mul3A_555 = arith.constant 624 : i32
    %mul3A_556 = arith.muli %arg1, %mul3A_555 : i32
    %mul3A_557 = arith.constant 624 : i32
    %mul3A_558 = arith.muli %arg1, %mul3A_557 : i32
    "tpu.region"() ({
      %run_scoped3A = tpu.sem_alloc : memref<!tpu.dma_semaphore, #tpu.memory_space<semaphore_mem>>
      %dma_start3A_564 = arith.constant 0 : i32
      %dma_start3A_565 = tpu.memref_slice %arg5[%arg0, %mul3A_558, %dma_start3A_564] : memref<2x10000x128xf32, #tpu.memory_space<hbm>> -> memref<1x624x128xf32, #tpu.memory_space<hbm>>
      %dma_start3A_566 = tpu.memref_squeeze %dma_start3A_565 : memref<1x624x128xf32, #tpu.memory_space<hbm>> -> memref<624x128xf32, #tpu.memory_space<hbm>>
      %dma_start3A_567 = arith.constant 0 : i32
      %dma_start3A_568 = tpu.memref_slice %arg9[%mul3A_556, %dma_start3A_567] : memref<10000x128xf32, #tpu.memory_space<vmem_shared>> -> memref<624x128xf32, #tpu.memory_space<vmem_shared>>
      tpu.enqueue_dma source(%dma_start3A_568 : memref<624x128xf32, #tpu.memory_space<vmem_shared>>) target(%dma_start3A_566 : memref<624x128xf32, #tpu.memory_space<hbm>>) target_semaphore(%run_scoped3A : memref<!tpu.dma_semaphore, #tpu.memory_space<semaphore_mem>>)
      %dma_wait3A_569 = arith.constant 0 : i32
      %dma_wait3A_570 = tpu.memref_slice %arg5[%arg0, %mul3A_558, %dma_wait3A_569] : memref<2x10000x128xf32, #tpu.memory_space<hbm>> -> memref<1x624x128xf32, #tpu.memory_space<hbm>>
      %dma_wait3A_571 = tpu.memref_squeeze %dma_wait3A_570 : memref<1x624x128xf32, #tpu.memory_space<hbm>> -> memref<624x128xf32, #tpu.memory_space<hbm>>
      %dma_wait3A_572 = arith.constant 0 : i32
      %dma_wait3A_573 = tpu.memref_slice %arg9[%mul3A_556, %dma_wait3A_572] : memref<10000x128xf32, #tpu.memory_space<vmem_shared>> -> memref<624x128xf32, #tpu.memory_space<vmem_shared>>
      tpu.wait_dma2 semaphore(%run_scoped3A : memref<!tpu.dma_semaphore, #tpu.memory_space<semaphore_mem>>) src(%dma_wait3A_573 : memref<624x128xf32, #tpu.memory_space<vmem_shared>>) dst(%dma_wait3A_571 : memref<624x128xf32, #tpu.memory_space<hbm>>)
      tpu.yield
    }) : () -> ()
    %eq3A_559 = arith.constant 0 : i32
    %eq3A_560 = arith.cmpi eq, %arg1, %eq3A_559 : i32
    %convert_element_type3A_561 = arith.extui %eq3A_560 : i1 to i32
    %cond3A_562 = arith.constant 0 : i32
    %cond3A_563 = arith.cmpi ne, %convert_element_type3A_561, %cond3A_562 : i32
    scf.if %cond3A_563 {
      "tpu.region"() ({
        %run_scoped3A = tpu.sem_alloc : memref<!tpu.dma_semaphore, #tpu.memory_space<semaphore_mem>>
        %dma_start3A_564 = arith.constant 9984 : i32
        %dma_start3A_565 = arith.constant 0 : i32
        %dma_start3A_566 = tpu.memref_slice %arg5[%arg0, %dma_start3A_564, %dma_start3A_565] : memref<2x10000x128xf32, #tpu.memory_space<hbm>> -> memref<1x16x128xf32, #tpu.memory_space<hbm>>
        %dma_start3A_567 = tpu.memref_squeeze %dma_start3A_566 : memref<1x16x128xf32, #tpu.memory_space<hbm>> -> memref<16x128xf32, #tpu.memory_space<hbm>>
        %dma_start3A_568 = arith.constant 9984 : i32
        %dma_start3A_569 = arith.constant 0 : i32
        %dma_start3A_570 = tpu.memref_slice %arg9[%dma_start3A_568, %dma_start3A_569] : memref<10000x128xf32, #tpu.memory_space<vmem_shared>> -> memref<16x128xf32, #tpu.memory_space<vmem_shared>>
        tpu.enqueue_dma source(%dma_start3A_570 : memref<16x128xf32, #tpu.memory_space<vmem_shared>>) target(%dma_start3A_567 : memref<16x128xf32, #tpu.memory_space<hbm>>) target_semaphore(%run_scoped3A : memref<!tpu.dma_semaphore, #tpu.memory_space<semaphore_mem>>)
        %dma_wait3A_571 = arith.constant 9984 : i32
        %dma_wait3A_572 = arith.constant 0 : i32
        %dma_wait3A_573 = tpu.memref_slice %arg5[%arg0, %dma_wait3A_571, %dma_wait3A_572] : memref<2x10000x128xf32, #tpu.memory_space<hbm>> -> memref<1x16x128xf32, #tpu.memory_space<hbm>>
        %dma_wait3A_574 = tpu.memref_squeeze %dma_wait3A_573 : memref<1x16x128xf32, #tpu.memory_space<hbm>> -> memref<16x128xf32, #tpu.memory_space<hbm>>
        %dma_wait3A_575 = arith.constant 9984 : i32
        %dma_wait3A_576 = arith.constant 0 : i32
        %dma_wait3A_577 = tpu.memref_slice %arg9[%dma_wait3A_575, %dma_wait3A_576] : memref<10000x128xf32, #tpu.memory_space<vmem_shared>> -> memref<16x128xf32, #tpu.memory_space<vmem_shared>>
        tpu.wait_dma2 semaphore(%run_scoped3A : memref<!tpu.dma_semaphore, #tpu.memory_space<semaphore_mem>>) src(%dma_wait3A_577 : memref<16x128xf32, #tpu.memory_space<vmem_shared>>) dst(%dma_wait3A_574 : memref<16x128xf32, #tpu.memory_space<hbm>>)
        tpu.yield
      }) : () -> ()
    } else {
    }
    return
  }
}

module attributes {stable_mosaic.version = 14 : i64} {
  func.func @_combine_body(%arg0: i32, %arg1: memref<2x2000x128xf32, #tpu.memory_space<vmem>>, %arg2: memref<2000x128xf32, #tpu.memory_space<vmem>>, %arg3: memref<2000x128xf32, #tpu.memory_space<vmem>>) attributes {dimension_semantics = [#tpu.dimension_semantics<arbitrary>], iteration_bounds = array<i64: 5>, scalar_prefetch = 0 : i64, scratch_operands = 0 : i64, tpu.core_type = #tpu.core_type<tc>, window_params = [{transform_indices = @transform_0, window_bounds = array<i64: 2, 2000, 128>}, {transform_indices = @transform_1, window_bounds = array<i64: 2000, 128>}, {transform_indices = @transform_2, window_bounds = array<i64: 2000, 128>}]} {
    %get3A = arith.constant 0 : index
    %get3A_0 = arith.constant 0 : index
    %get3A_1 = arith.constant 0 : index
    %get3A_2 = vector.load %arg1[%get3A, %get3A_0, %get3A_1] : memref<2x2000x128xf32, #tpu.memory_space<vmem>>, vector<1x2000x128xf32>
    %get3A_3 = vector.shape_cast %get3A_2 : vector<1x2000x128xf32> to vector<2000x128xf32>
    %get3A_4 = arith.constant 1 : index
    %get3A_5 = arith.constant 0 : index
    %get3A_6 = arith.constant 0 : index
    %get3A_7 = vector.load %arg1[%get3A_4, %get3A_5, %get3A_6] : memref<2x2000x128xf32, #tpu.memory_space<vmem>>, vector<1x2000x128xf32>
    %get3A_8 = vector.shape_cast %get3A_7 : vector<1x2000x128xf32> to vector<2000x128xf32>
    %add3A = arith.addf %get3A_3, %get3A_8 : vector<2000x128xf32>
    %get3A_9 = arith.constant 0 : index
    %get3A_10 = arith.constant 0 : index
    %get3A_11 = vector.load %arg2[%get3A_9, %get3A_10] : memref<2000x128xf32, #tpu.memory_space<vmem>>, vector<2000x128xf32>
    %sub3A = arith.subf %add3A, %get3A_11 : vector<2000x128xf32>
    %swap3A = arith.constant 0 : index
    %swap3A_12 = arith.constant 0 : index
    %swap3A_13 = vector.load %arg3[%swap3A, %swap3A_12] : memref<2000x128xf32, #tpu.memory_space<vmem>>, vector<2000x128xf32>
    tpu.vector_store %arg3[%swap3A, %swap3A_12], %sub3A {strides = array<i32>} : memref<2000x128xf32, #tpu.memory_space<vmem>>, vector<2000x128xf32>,
    return
  }
  func.func @transform_0(%arg0: i32) -> (i32, i32, i32) {
    %c0_i32 = arith.constant 0 : i32
    %c0_i32_0 = arith.constant 0 : i32
    %c0_i32_1 = arith.constant 0 : i32
    return %c0_i32, %arg0, %c0_i32_0 : i32, i32, i32
  }
  func.func @transform_1(%arg0: i32) -> (i32, i32) {
    %c0_i32 = arith.constant 0 : i32
    %c0_i32_0 = arith.constant 0 : i32
    return %arg0, %c0_i32 : i32, i32
  }
  func.func @transform_2(%arg0: i32) -> (i32, i32) {
    %c0_i32 = arith.constant 0 : i32
    %c0_i32_0 = arith.constant 0 : i32
    return %arg0, %c0_i32 : i32, i32
  }
}

module attributes {stable_mosaic.version = 14 : i64} {
  func.func @_bmm_body(%arg0: i32, %arg1: memref<200x128xf32, #tpu.memory_space<vmem>>, %arg2: memref<200x128x128xf32, #tpu.memory_space<vmem>>, %arg3: memref<1x128xf32, #tpu.memory_space<vmem>>, %arg4: memref<200x128xf32, #tpu.memory_space<vmem>>) attributes {dimension_semantics = [#tpu.dimension_semantics<arbitrary>], iteration_bounds = array<i64: 50>, scalar_prefetch = 0 : i64, scratch_operands = 0 : i64, tpu.core_type = #tpu.core_type<tc>, window_params = [{transform_indices = @transform_0, window_bounds = array<i64: 200, 128>}, {transform_indices = @transform_1, window_bounds = array<i64: 200, 128, 128>}, {pipeline_mode = #tpu.pipeline_mode<synchronous>, transform_indices = @transform_2, window_bounds = array<i64: 1, 128>}, {transform_indices = @transform_3, window_bounds = array<i64: 200, 128>}]} {
    %get3A = arith.constant 0 : index
    %get3A_0 = arith.constant 0 : index
    %get3A_1 = vector.load %arg3[%get3A, %get3A_0] : memref<1x128xf32, #tpu.memory_space<vmem>>, vector<1x128xf32>
    %iota3A = tpu.iota {dimensions = array<i32: 1>} : vector<8x1024xi32>
    %jit3A = arith.constant 128 : i32
    %div3A = vector.broadcast %jit3A : i32 to vector<8x1024xi32>
    %div3A_2 = arith.divsi %iota3A, %div3A : vector<8x1024xi32>
    %sign3A = arith.constant 0 : i32
    %sign3A_3 = vector.broadcast %sign3A : i32 to vector<8x1024xi32>
    %sign3A_4 = arith.cmpi sgt, %iota3A, %sign3A_3 : vector<8x1024xi32>
    %sign3A_5 = arith.extui %sign3A_4 : vector<8x1024xi1> to vector<8x1024xi32>
    %sign3A_6 = arith.constant 0 : i32
    %sign3A_7 = vector.broadcast %sign3A_6 : i32 to vector<8x1024xi32>
    %sign3A_8 = arith.cmpi slt, %iota3A, %sign3A_7 : vector<8x1024xi32>
    %sign3A_9 = arith.extui %sign3A_8 : vector<8x1024xi1> to vector<8x1024xi32>
    %sign3A_10 = arith.subi %sign3A_5, %sign3A_9 : vector<8x1024xi32>
    %sign3A_11 = arith.constant 0 : i32
    %sign3A_12 = arith.cmpi sgt, %jit3A, %sign3A_11 : i32
    %sign3A_13 = arith.extui %sign3A_12 : i1 to i32
    %sign3A_14 = arith.constant 0 : i32
    %sign3A_15 = arith.cmpi slt, %jit3A, %sign3A_14 : i32
    %sign3A_16 = arith.extui %sign3A_15 : i1 to i32
    %sign3A_17 = arith.subi %sign3A_13, %sign3A_16 : i32
    %ne3A = vector.broadcast %sign3A_17 : i32 to vector<8x1024xi32>
    %ne3A_18 = arith.cmpi ne, %sign3A_10, %ne3A : vector<8x1024xi32>
    %rem3A = vector.broadcast %jit3A : i32 to vector<8x1024xi32>
    %rem3A_19 = arith.remsi %iota3A, %rem3A : vector<8x1024xi32>
    %ne3A_20 = arith.constant 0 : i32
    %ne3A_21 = vector.broadcast %ne3A_20 : i32 to vector<8x1024xi32>
    %ne3A_22 = arith.cmpi ne, %rem3A_19, %ne3A_21 : vector<8x1024xi32>
    %and3A = arith.andi %ne3A_18, %ne3A_22 : vector<8x1024xi1>
    %sub3A = arith.constant 1 : i32
    %sub3A_23 = vector.broadcast %sub3A : i32 to vector<8x1024xi32>
    %sub3A_24 = arith.subi %div3A_2, %sub3A_23 : vector<8x1024xi32>
    %select_n3A = arith.select %and3A, %sub3A_24, %div3A_2 : vector<8x1024xi1>, vector<8x1024xi32>
    %iota3A_25 = tpu.iota {dimensions = array<i32: 0>} : vector<8x1024xi32>
    %eq3A = arith.cmpi eq, %select_n3A, %iota3A_25 : vector<8x1024xi32>
    %get3A_26 = arith.constant 0 : index
    %get3A_27 = arith.constant 0 : index
    %get3A_28 = vector.load %arg1[%get3A_26, %get3A_27] : memref<200x128xf32, #tpu.memory_space<vmem>>, vector<8x128xf32>
    %get3A_29 = arith.constant 0 : index
    %get3A_30 = arith.constant 0 : index
    %get3A_31 = arith.constant 0 : index
    %get3A_32 = vector.load %arg2[%get3A_29, %get3A_30, %get3A_31] : memref<200x128x128xf32, #tpu.memory_space<vmem>>, vector<8x128x128xf32>
    %reshape3A = vector.shape_cast %get3A_32 : vector<8x128x128xf32> to vector<1024x128xf32>
    %tile3A = tpu.concatenate %get3A_28, %get3A_28, %get3A_28, %get3A_28, %get3A_28, %get3A_28, %get3A_28, %get3A_28 in 1 : vector<8x128xf32>, vector<8x128xf32>, vector<8x128xf32>, vector<8x128xf32>, vector<8x128xf32>, vector<8x128xf32>, vector<8x128xf32>, vector<8x128xf32> -> vector<8x1024xf32>
    %jit3A_33 = arith.constant 0.000000e+00 : f32
    %broadcast_in_dim3A = vector.broadcast %jit3A_33 : f32 to vector<8x1024xf32>
    %select_n3A_34 = arith.select %eq3A, %tile3A, %broadcast_in_dim3A : vector<8x1024xi1>, vector<8x1024xf32>
    %dot_general3A = arith.constant dense<0.000000e+00> : vector<8x128xf32>
    %dot_general3A_35 = tpu.matmul %select_n3A_34, %reshape3A, %dot_general3A {dimension_numbers = #tpu.dot_dimension_numbers<[1], [0], [0], [1], [0, 0, 1, 1], [], []>, transpose_lhs_hint = false} : vector<8x1024xf32>, vector<1024x128xf32>, vector<8x128xf32> -> vector<8x128xf32>
    %add3A = vector.broadcast %get3A_1 : vector<1x128xf32> to vector<8x128xf32>
    %add3A_36 = arith.addf %dot_general3A_35, %add3A : vector<8x128xf32>
    %swap3A = arith.constant 0 : index
    %swap3A_37 = arith.constant 0 : index
    %swap3A_38 = vector.load %arg4[%swap3A, %swap3A_37] : memref<200x128xf32, #tpu.memory_space<vmem>>, vector<8x128xf32>
    tpu.vector_store %arg4[%swap3A, %swap3A_37], %add3A_36 {strides = array<i32>} : memref<200x128xf32, #tpu.memory_space<vmem>>, vector<8x128xf32>,
    %get3A_39 = arith.constant 8 : index
    %get3A_40 = arith.constant 0 : index
    %get3A_41 = vector.load %arg1[%get3A_39, %get3A_40] : memref<200x128xf32, #tpu.memory_space<vmem>>, vector<8x128xf32>
    %get3A_42 = arith.constant 8 : index
    %get3A_43 = arith.constant 0 : index
    %get3A_44 = arith.constant 0 : index
    %get3A_45 = vector.load %arg2[%get3A_42, %get3A_43, %get3A_44] : memref<200x128x128xf32, #tpu.memory_space<vmem>>, vector<8x128x128xf32>
    %reshape3A_46 = vector.shape_cast %get3A_45 : vector<8x128x128xf32> to vector<1024x128xf32>
    %tile3A_47 = tpu.concatenate %get3A_41, %get3A_41, %get3A_41, %get3A_41, %get3A_41, %get3A_41, %get3A_41, %get3A_41 in 1 : vector<8x128xf32>, vector<8x128xf32>, vector<8x128xf32>, vector<8x128xf32>, vector<8x128xf32>, vector<8x128xf32>, vector<8x128xf32>, vector<8x128xf32> -> vector<8x1024xf32>
    %jit3A_48 = arith.constant 0.000000e+00 : f32
    %broadcast_in_dim3A_49 = vector.broadcast %jit3A_48 : f32 to vector<8x1024xf32>
    %select_n3A_50 = arith.select %eq3A, %tile3A_47, %broadcast_in_dim3A_49 : vector<8x1024xi1>, vector<8x1024xf32>
    %dot_general3A_51 = arith.constant dense<0.000000e+00> : vector<8x128xf32>
    %dot_general3A_52 = tpu.matmul %select_n3A_50, %reshape3A_46, %dot_general3A_51 {dimension_numbers = #tpu.dot_dimension_numbers<[1], [0], [0], [1], [0, 0, 1, 1], [], []>, transpose_lhs_hint = false} : vector<8x1024xf32>, vector<1024x128xf32>, vector<8x128xf32> -> vector<8x128xf32>
    %add3A_53 = vector.broadcast %get3A_1 : vector<1x128xf32> to vector<8x128xf32>
    %add3A_54 = arith.addf %dot_general3A_52, %add3A_53 : vector<8x128xf32>
    %swap3A_55 = arith.constant 8 : index
    %swap3A_56 = arith.constant 0 : index
    %swap3A_57 = vector.load %arg4[%swap3A_55, %swap3A_56] : memref<200x128xf32, #tpu.memory_space<vmem>>, vector<8x128xf32>
    tpu.vector_store %arg4[%swap3A_55, %swap3A_56], %add3A_54 {strides = array<i32>} : memref<200x128xf32, #tpu.memory_space<vmem>>, vector<8x128xf32>,
    %get3A_58 = arith.constant 16 : index
    %get3A_59 = arith.constant 0 : index
    %get3A_60 = vector.load %arg1[%get3A_58, %get3A_59] : memref<200x128xf32, #tpu.memory_space<vmem>>, vector<8x128xf32>
    %get3A_61 = arith.constant 16 : index
    %get3A_62 = arith.constant 0 : index
    %get3A_63 = arith.constant 0 : index
    %get3A_64 = vector.load %arg2[%get3A_61, %get3A_62, %get3A_63] : memref<200x128x128xf32, #tpu.memory_space<vmem>>, vector<8x128x128xf32>
    %reshape3A_65 = vector.shape_cast %get3A_64 : vector<8x128x128xf32> to vector<1024x128xf32>
    %tile3A_66 = tpu.concatenate %get3A_60, %get3A_60, %get3A_60, %get3A_60, %get3A_60, %get3A_60, %get3A_60, %get3A_60 in 1 : vector<8x128xf32>, vector<8x128xf32>, vector<8x128xf32>, vector<8x128xf32>, vector<8x128xf32>, vector<8x128xf32>, vector<8x128xf32>, vector<8x128xf32> -> vector<8x1024xf32>
    %jit3A_67 = arith.constant 0.000000e+00 : f32
    %broadcast_in_dim3A_68 = vector.broadcast %jit3A_67 : f32 to vector<8x1024xf32>
    %select_n3A_69 = arith.select %eq3A, %tile3A_66, %broadcast_in_dim3A_68 : vector<8x1024xi1>, vector<8x1024xf32>
    %dot_general3A_70 = arith.constant dense<0.000000e+00> : vector<8x128xf32>
    %dot_general3A_71 = tpu.matmul %select_n3A_69, %reshape3A_65, %dot_general3A_70 {dimension_numbers = #tpu.dot_dimension_numbers<[1], [0], [0], [1], [0, 0, 1, 1], [], []>, transpose_lhs_hint = false} : vector<8x1024xf32>, vector<1024x128xf32>, vector<8x128xf32> -> vector<8x128xf32>
    %add3A_72 = vector.broadcast %get3A_1 : vector<1x128xf32> to vector<8x128xf32>
    %add3A_73 = arith.addf %dot_general3A_71, %add3A_72 : vector<8x128xf32>
    %swap3A_74 = arith.constant 16 : index
    %swap3A_75 = arith.constant 0 : index
    %swap3A_76 = vector.load %arg4[%swap3A_74, %swap3A_75] : memref<200x128xf32, #tpu.memory_space<vmem>>, vector<8x128xf32>
    tpu.vector_store %arg4[%swap3A_74, %swap3A_75], %add3A_73 {strides = array<i32>} : memref<200x128xf32, #tpu.memory_space<vmem>>, vector<8x128xf32>,
    %get3A_77 = arith.constant 24 : index
    %get3A_78 = arith.constant 0 : index
    %get3A_79 = vector.load %arg1[%get3A_77, %get3A_78] : memref<200x128xf32, #tpu.memory_space<vmem>>, vector<8x128xf32>
    %get3A_80 = arith.constant 24 : index
    %get3A_81 = arith.constant 0 : index
    %get3A_82 = arith.constant 0 : index
    %get3A_83 = vector.load %arg2[%get3A_80, %get3A_81, %get3A_82] : memref<200x128x128xf32, #tpu.memory_space<vmem>>, vector<8x128x128xf32>
    %reshape3A_84 = vector.shape_cast %get3A_83 : vector<8x128x128xf32> to vector<1024x128xf32>
    %tile3A_85 = tpu.concatenate %get3A_79, %get3A_79, %get3A_79, %get3A_79, %get3A_79, %get3A_79, %get3A_79, %get3A_79 in 1 : vector<8x128xf32>, vector<8x128xf32>, vector<8x128xf32>, vector<8x128xf32>, vector<8x128xf32>, vector<8x128xf32>, vector<8x128xf32>, vector<8x128xf32> -> vector<8x1024xf32>
    %jit3A_86 = arith.constant 0.000000e+00 : f32
    %broadcast_in_dim3A_87 = vector.broadcast %jit3A_86 : f32 to vector<8x1024xf32>
    %select_n3A_88 = arith.select %eq3A, %tile3A_85, %broadcast_in_dim3A_87 : vector<8x1024xi1>, vector<8x1024xf32>
    %dot_general3A_89 = arith.constant dense<0.000000e+00> : vector<8x128xf32>
    %dot_general3A_90 = tpu.matmul %select_n3A_88, %reshape3A_84, %dot_general3A_89 {dimension_numbers = #tpu.dot_dimension_numbers<[1], [0], [0], [1], [0, 0, 1, 1], [], []>, transpose_lhs_hint = false} : vector<8x1024xf32>, vector<1024x128xf32>, vector<8x128xf32> -> vector<8x128xf32>
    %add3A_91 = vector.broadcast %get3A_1 : vector<1x128xf32> to vector<8x128xf32>
    %add3A_92 = arith.addf %dot_general3A_90, %add3A_91 : vector<8x128xf32>
    %swap3A_93 = arith.constant 24 : index
    %swap3A_94 = arith.constant 0 : index
    %swap3A_95 = vector.load %arg4[%swap3A_93, %swap3A_94] : memref<200x128xf32, #tpu.memory_space<vmem>>, vector<8x128xf32>
    tpu.vector_store %arg4[%swap3A_93, %swap3A_94], %add3A_92 {strides = array<i32>} : memref<200x128xf32, #tpu.memory_space<vmem>>, vector<8x128xf32>,
    %get3A_96 = arith.constant 32 : index
    %get3A_97 = arith.constant 0 : index
    %get3A_98 = vector.load %arg1[%get3A_96, %get3A_97] : memref<200x128xf32, #tpu.memory_space<vmem>>, vector<8x128xf32>
    %get3A_99 = arith.constant 32 : index
    %get3A_100 = arith.constant 0 : index
    %get3A_101 = arith.constant 0 : index
    %get3A_102 = vector.load %arg2[%get3A_99, %get3A_100, %get3A_101] : memref<200x128x128xf32, #tpu.memory_space<vmem>>, vector<8x128x128xf32>
    %reshape3A_103 = vector.shape_cast %get3A_102 : vector<8x128x128xf32> to vector<1024x128xf32>
    %tile3A_104 = tpu.concatenate %get3A_98, %get3A_98, %get3A_98, %get3A_98, %get3A_98, %get3A_98, %get3A_98, %get3A_98 in 1 : vector<8x128xf32>, vector<8x128xf32>, vector<8x128xf32>, vector<8x128xf32>, vector<8x128xf32>, vector<8x128xf32>, vector<8x128xf32>, vector<8x128xf32> -> vector<8x1024xf32>
    %jit3A_105 = arith.constant 0.000000e+00 : f32
    %broadcast_in_dim3A_106 = vector.broadcast %jit3A_105 : f32 to vector<8x1024xf32>
    %select_n3A_107 = arith.select %eq3A, %tile3A_104, %broadcast_in_dim3A_106 : vector<8x1024xi1>, vector<8x1024xf32>
    %dot_general3A_108 = arith.constant dense<0.000000e+00> : vector<8x128xf32>
    %dot_general3A_109 = tpu.matmul %select_n3A_107, %reshape3A_103, %dot_general3A_108 {dimension_numbers = #tpu.dot_dimension_numbers<[1], [0], [0], [1], [0, 0, 1, 1], [], []>, transpose_lhs_hint = false} : vector<8x1024xf32>, vector<1024x128xf32>, vector<8x128xf32> -> vector<8x128xf32>
    %add3A_110 = vector.broadcast %get3A_1 : vector<1x128xf32> to vector<8x128xf32>
    %add3A_111 = arith.addf %dot_general3A_109, %add3A_110 : vector<8x128xf32>
    %swap3A_112 = arith.constant 32 : index
    %swap3A_113 = arith.constant 0 : index
    %swap3A_114 = vector.load %arg4[%swap3A_112, %swap3A_113] : memref<200x128xf32, #tpu.memory_space<vmem>>, vector<8x128xf32>
    tpu.vector_store %arg4[%swap3A_112, %swap3A_113], %add3A_111 {strides = array<i32>} : memref<200x128xf32, #tpu.memory_space<vmem>>, vector<8x128xf32>,
    %get3A_115 = arith.constant 40 : index
    %get3A_116 = arith.constant 0 : index
    %get3A_117 = vector.load %arg1[%get3A_115, %get3A_116] : memref<200x128xf32, #tpu.memory_space<vmem>>, vector<8x128xf32>
    %get3A_118 = arith.constant 40 : index
    %get3A_119 = arith.constant 0 : index
    %get3A_120 = arith.constant 0 : index
    %get3A_121 = vector.load %arg2[%get3A_118, %get3A_119, %get3A_120] : memref<200x128x128xf32, #tpu.memory_space<vmem>>, vector<8x128x128xf32>
    %reshape3A_122 = vector.shape_cast %get3A_121 : vector<8x128x128xf32> to vector<1024x128xf32>
    %tile3A_123 = tpu.concatenate %get3A_117, %get3A_117, %get3A_117, %get3A_117, %get3A_117, %get3A_117, %get3A_117, %get3A_117 in 1 : vector<8x128xf32>, vector<8x128xf32>, vector<8x128xf32>, vector<8x128xf32>, vector<8x128xf32>, vector<8x128xf32>, vector<8x128xf32>, vector<8x128xf32> -> vector<8x1024xf32>
    %jit3A_124 = arith.constant 0.000000e+00 : f32
    %broadcast_in_dim3A_125 = vector.broadcast %jit3A_124 : f32 to vector<8x1024xf32>
    %select_n3A_126 = arith.select %eq3A, %tile3A_123, %broadcast_in_dim3A_125 : vector<8x1024xi1>, vector<8x1024xf32>
    %dot_general3A_127 = arith.constant dense<0.000000e+00> : vector<8x128xf32>
    %dot_general3A_128 = tpu.matmul %select_n3A_126, %reshape3A_122, %dot_general3A_127 {dimension_numbers = #tpu.dot_dimension_numbers<[1], [0], [0], [1], [0, 0, 1, 1], [], []>, transpose_lhs_hint = false} : vector<8x1024xf32>, vector<1024x128xf32>, vector<8x128xf32> -> vector<8x128xf32>
    %add3A_129 = vector.broadcast %get3A_1 : vector<1x128xf32> to vector<8x128xf32>
    %add3A_130 = arith.addf %dot_general3A_128, %add3A_129 : vector<8x128xf32>
    %swap3A_131 = arith.constant 40 : index
    %swap3A_132 = arith.constant 0 : index
    %swap3A_133 = vector.load %arg4[%swap3A_131, %swap3A_132] : memref<200x128xf32, #tpu.memory_space<vmem>>, vector<8x128xf32>
    tpu.vector_store %arg4[%swap3A_131, %swap3A_132], %add3A_130 {strides = array<i32>} : memref<200x128xf32, #tpu.memory_space<vmem>>, vector<8x128xf32>,
    %get3A_134 = arith.constant 48 : index
    %get3A_135 = arith.constant 0 : index
    %get3A_136 = vector.load %arg1[%get3A_134, %get3A_135] : memref<200x128xf32, #tpu.memory_space<vmem>>, vector<8x128xf32>
    %get3A_137 = arith.constant 48 : index
    %get3A_138 = arith.constant 0 : index
    %get3A_139 = arith.constant 0 : index
    %get3A_140 = vector.load %arg2[%get3A_137, %get3A_138, %get3A_139] : memref<200x128x128xf32, #tpu.memory_space<vmem>>, vector<8x128x128xf32>
    %reshape3A_141 = vector.shape_cast %get3A_140 : vector<8x128x128xf32> to vector<1024x128xf32>
    %tile3A_142 = tpu.concatenate %get3A_136, %get3A_136, %get3A_136, %get3A_136, %get3A_136, %get3A_136, %get3A_136, %get3A_136 in 1 : vector<8x128xf32>, vector<8x128xf32>, vector<8x128xf32>, vector<8x128xf32>, vector<8x128xf32>, vector<8x128xf32>, vector<8x128xf32>, vector<8x128xf32> -> vector<8x1024xf32>
    %jit3A_143 = arith.constant 0.000000e+00 : f32
    %broadcast_in_dim3A_144 = vector.broadcast %jit3A_143 : f32 to vector<8x1024xf32>
    %select_n3A_145 = arith.select %eq3A, %tile3A_142, %broadcast_in_dim3A_144 : vector<8x1024xi1>, vector<8x1024xf32>
    %dot_general3A_146 = arith.constant dense<0.000000e+00> : vector<8x128xf32>
    %dot_general3A_147 = tpu.matmul %select_n3A_145, %reshape3A_141, %dot_general3A_146 {dimension_numbers = #tpu.dot_dimension_numbers<[1], [0], [0], [1], [0, 0, 1, 1], [], []>, transpose_lhs_hint = false} : vector<8x1024xf32>, vector<1024x128xf32>, vector<8x128xf32> -> vector<8x128xf32>
    %add3A_148 = vector.broadcast %get3A_1 : vector<1x128xf32> to vector<8x128xf32>
    %add3A_149 = arith.addf %dot_general3A_147, %add3A_148 : vector<8x128xf32>
    %swap3A_150 = arith.constant 48 : index
    %swap3A_151 = arith.constant 0 : index
    %swap3A_152 = vector.load %arg4[%swap3A_150, %swap3A_151] : memref<200x128xf32, #tpu.memory_space<vmem>>, vector<8x128xf32>
    tpu.vector_store %arg4[%swap3A_150, %swap3A_151], %add3A_149 {strides = array<i32>} : memref<200x128xf32, #tpu.memory_space<vmem>>, vector<8x128xf32>,
    %get3A_153 = arith.constant 56 : index
    %get3A_154 = arith.constant 0 : index
    %get3A_155 = vector.load %arg1[%get3A_153, %get3A_154] : memref<200x128xf32, #tpu.memory_space<vmem>>, vector<8x128xf32>
    %get3A_156 = arith.constant 56 : index
    %get3A_157 = arith.constant 0 : index
    %get3A_158 = arith.constant 0 : index
    %get3A_159 = vector.load %arg2[%get3A_156, %get3A_157, %get3A_158] : memref<200x128x128xf32, #tpu.memory_space<vmem>>, vector<8x128x128xf32>
    %reshape3A_160 = vector.shape_cast %get3A_159 : vector<8x128x128xf32> to vector<1024x128xf32>
    %tile3A_161 = tpu.concatenate %get3A_155, %get3A_155, %get3A_155, %get3A_155, %get3A_155, %get3A_155, %get3A_155, %get3A_155 in 1 : vector<8x128xf32>, vector<8x128xf32>, vector<8x128xf32>, vector<8x128xf32>, vector<8x128xf32>, vector<8x128xf32>, vector<8x128xf32>, vector<8x128xf32> -> vector<8x1024xf32>
    %jit3A_162 = arith.constant 0.000000e+00 : f32
    %broadcast_in_dim3A_163 = vector.broadcast %jit3A_162 : f32 to vector<8x1024xf32>
    %select_n3A_164 = arith.select %eq3A, %tile3A_161, %broadcast_in_dim3A_163 : vector<8x1024xi1>, vector<8x1024xf32>
    %dot_general3A_165 = arith.constant dense<0.000000e+00> : vector<8x128xf32>
    %dot_general3A_166 = tpu.matmul %select_n3A_164, %reshape3A_160, %dot_general3A_165 {dimension_numbers = #tpu.dot_dimension_numbers<[1], [0], [0], [1], [0, 0, 1, 1], [], []>, transpose_lhs_hint = false} : vector<8x1024xf32>, vector<1024x128xf32>, vector<8x128xf32> -> vector<8x128xf32>
    %add3A_167 = vector.broadcast %get3A_1 : vector<1x128xf32> to vector<8x128xf32>
    %add3A_168 = arith.addf %dot_general3A_166, %add3A_167 : vector<8x128xf32>
    %swap3A_169 = arith.constant 56 : index
    %swap3A_170 = arith.constant 0 : index
    %swap3A_171 = vector.load %arg4[%swap3A_169, %swap3A_170] : memref<200x128xf32, #tpu.memory_space<vmem>>, vector<8x128xf32>
    tpu.vector_store %arg4[%swap3A_169, %swap3A_170], %add3A_168 {strides = array<i32>} : memref<200x128xf32, #tpu.memory_space<vmem>>, vector<8x128xf32>,
    %get3A_172 = arith.constant 64 : index
    %get3A_173 = arith.constant 0 : index
    %get3A_174 = vector.load %arg1[%get3A_172, %get3A_173] : memref<200x128xf32, #tpu.memory_space<vmem>>, vector<8x128xf32>
    %get3A_175 = arith.constant 64 : index
    %get3A_176 = arith.constant 0 : index
    %get3A_177 = arith.constant 0 : index
    %get3A_178 = vector.load %arg2[%get3A_175, %get3A_176, %get3A_177] : memref<200x128x128xf32, #tpu.memory_space<vmem>>, vector<8x128x128xf32>
    %reshape3A_179 = vector.shape_cast %get3A_178 : vector<8x128x128xf32> to vector<1024x128xf32>
    %tile3A_180 = tpu.concatenate %get3A_174, %get3A_174, %get3A_174, %get3A_174, %get3A_174, %get3A_174, %get3A_174, %get3A_174 in 1 : vector<8x128xf32>, vector<8x128xf32>, vector<8x128xf32>, vector<8x128xf32>, vector<8x128xf32>, vector<8x128xf32>, vector<8x128xf32>, vector<8x128xf32> -> vector<8x1024xf32>
    %jit3A_181 = arith.constant 0.000000e+00 : f32
    %broadcast_in_dim3A_182 = vector.broadcast %jit3A_181 : f32 to vector<8x1024xf32>
    %select_n3A_183 = arith.select %eq3A, %tile3A_180, %broadcast_in_dim3A_182 : vector<8x1024xi1>, vector<8x1024xf32>
    %dot_general3A_184 = arith.constant dense<0.000000e+00> : vector<8x128xf32>
    %dot_general3A_185 = tpu.matmul %select_n3A_183, %reshape3A_179, %dot_general3A_184 {dimension_numbers = #tpu.dot_dimension_numbers<[1], [0], [0], [1], [0, 0, 1, 1], [], []>, transpose_lhs_hint = false} : vector<8x1024xf32>, vector<1024x128xf32>, vector<8x128xf32> -> vector<8x128xf32>
    %add3A_186 = vector.broadcast %get3A_1 : vector<1x128xf32> to vector<8x128xf32>
    %add3A_187 = arith.addf %dot_general3A_185, %add3A_186 : vector<8x128xf32>
    %swap3A_188 = arith.constant 64 : index
    %swap3A_189 = arith.constant 0 : index
    %swap3A_190 = vector.load %arg4[%swap3A_188, %swap3A_189] : memref<200x128xf32, #tpu.memory_space<vmem>>, vector<8x128xf32>
    tpu.vector_store %arg4[%swap3A_188, %swap3A_189], %add3A_187 {strides = array<i32>} : memref<200x128xf32, #tpu.memory_space<vmem>>, vector<8x128xf32>,
    %get3A_191 = arith.constant 72 : index
    %get3A_192 = arith.constant 0 : index
    %get3A_193 = vector.load %arg1[%get3A_191, %get3A_192] : memref<200x128xf32, #tpu.memory_space<vmem>>, vector<8x128xf32>
    %get3A_194 = arith.constant 72 : index
    %get3A_195 = arith.constant 0 : index
    %get3A_196 = arith.constant 0 : index
    %get3A_197 = vector.load %arg2[%get3A_194, %get3A_195, %get3A_196] : memref<200x128x128xf32, #tpu.memory_space<vmem>>, vector<8x128x128xf32>
    %reshape3A_198 = vector.shape_cast %get3A_197 : vector<8x128x128xf32> to vector<1024x128xf32>
    %tile3A_199 = tpu.concatenate %get3A_193, %get3A_193, %get3A_193, %get3A_193, %get3A_193, %get3A_193, %get3A_193, %get3A_193 in 1 : vector<8x128xf32>, vector<8x128xf32>, vector<8x128xf32>, vector<8x128xf32>, vector<8x128xf32>, vector<8x128xf32>, vector<8x128xf32>, vector<8x128xf32> -> vector<8x1024xf32>
    %jit3A_200 = arith.constant 0.000000e+00 : f32
    %broadcast_in_dim3A_201 = vector.broadcast %jit3A_200 : f32 to vector<8x1024xf32>
    %select_n3A_202 = arith.select %eq3A, %tile3A_199, %broadcast_in_dim3A_201 : vector<8x1024xi1>, vector<8x1024xf32>
    %dot_general3A_203 = arith.constant dense<0.000000e+00> : vector<8x128xf32>
    %dot_general3A_204 = tpu.matmul %select_n3A_202, %reshape3A_198, %dot_general3A_203 {dimension_numbers = #tpu.dot_dimension_numbers<[1], [0], [0], [1], [0, 0, 1, 1], [], []>, transpose_lhs_hint = false} : vector<8x1024xf32>, vector<1024x128xf32>, vector<8x128xf32> -> vector<8x128xf32>
    %add3A_205 = vector.broadcast %get3A_1 : vector<1x128xf32> to vector<8x128xf32>
    %add3A_206 = arith.addf %dot_general3A_204, %add3A_205 : vector<8x128xf32>
    %swap3A_207 = arith.constant 72 : index
    %swap3A_208 = arith.constant 0 : index
    %swap3A_209 = vector.load %arg4[%swap3A_207, %swap3A_208] : memref<200x128xf32, #tpu.memory_space<vmem>>, vector<8x128xf32>
    tpu.vector_store %arg4[%swap3A_207, %swap3A_208], %add3A_206 {strides = array<i32>} : memref<200x128xf32, #tpu.memory_space<vmem>>, vector<8x128xf32>,
    %get3A_210 = arith.constant 80 : index
    %get3A_211 = arith.constant 0 : index
    %get3A_212 = vector.load %arg1[%get3A_210, %get3A_211] : memref<200x128xf32, #tpu.memory_space<vmem>>, vector<8x128xf32>
    %get3A_213 = arith.constant 80 : index
    %get3A_214 = arith.constant 0 : index
    %get3A_215 = arith.constant 0 : index
    %get3A_216 = vector.load %arg2[%get3A_213, %get3A_214, %get3A_215] : memref<200x128x128xf32, #tpu.memory_space<vmem>>, vector<8x128x128xf32>
    %reshape3A_217 = vector.shape_cast %get3A_216 : vector<8x128x128xf32> to vector<1024x128xf32>
    %tile3A_218 = tpu.concatenate %get3A_212, %get3A_212, %get3A_212, %get3A_212, %get3A_212, %get3A_212, %get3A_212, %get3A_212 in 1 : vector<8x128xf32>, vector<8x128xf32>, vector<8x128xf32>, vector<8x128xf32>, vector<8x128xf32>, vector<8x128xf32>, vector<8x128xf32>, vector<8x128xf32> -> vector<8x1024xf32>
    %jit3A_219 = arith.constant 0.000000e+00 : f32
    %broadcast_in_dim3A_220 = vector.broadcast %jit3A_219 : f32 to vector<8x1024xf32>
    %select_n3A_221 = arith.select %eq3A, %tile3A_218, %broadcast_in_dim3A_220 : vector<8x1024xi1>, vector<8x1024xf32>
    %dot_general3A_222 = arith.constant dense<0.000000e+00> : vector<8x128xf32>
    %dot_general3A_223 = tpu.matmul %select_n3A_221, %reshape3A_217, %dot_general3A_222 {dimension_numbers = #tpu.dot_dimension_numbers<[1], [0], [0], [1], [0, 0, 1, 1], [], []>, transpose_lhs_hint = false} : vector<8x1024xf32>, vector<1024x128xf32>, vector<8x128xf32> -> vector<8x128xf32>
    %add3A_224 = vector.broadcast %get3A_1 : vector<1x128xf32> to vector<8x128xf32>
    %add3A_225 = arith.addf %dot_general3A_223, %add3A_224 : vector<8x128xf32>
    %swap3A_226 = arith.constant 80 : index
    %swap3A_227 = arith.constant 0 : index
    %swap3A_228 = vector.load %arg4[%swap3A_226, %swap3A_227] : memref<200x128xf32, #tpu.memory_space<vmem>>, vector<8x128xf32>
    tpu.vector_store %arg4[%swap3A_226, %swap3A_227], %add3A_225 {strides = array<i32>} : memref<200x128xf32, #tpu.memory_space<vmem>>, vector<8x128xf32>,
    %get3A_229 = arith.constant 88 : index
    %get3A_230 = arith.constant 0 : index
    %get3A_231 = vector.load %arg1[%get3A_229, %get3A_230] : memref<200x128xf32, #tpu.memory_space<vmem>>, vector<8x128xf32>
    %get3A_232 = arith.constant 88 : index
    %get3A_233 = arith.constant 0 : index
    %get3A_234 = arith.constant 0 : index
    %get3A_235 = vector.load %arg2[%get3A_232, %get3A_233, %get3A_234] : memref<200x128x128xf32, #tpu.memory_space<vmem>>, vector<8x128x128xf32>
    %reshape3A_236 = vector.shape_cast %get3A_235 : vector<8x128x128xf32> to vector<1024x128xf32>
    %tile3A_237 = tpu.concatenate %get3A_231, %get3A_231, %get3A_231, %get3A_231, %get3A_231, %get3A_231, %get3A_231, %get3A_231 in 1 : vector<8x128xf32>, vector<8x128xf32>, vector<8x128xf32>, vector<8x128xf32>, vector<8x128xf32>, vector<8x128xf32>, vector<8x128xf32>, vector<8x128xf32> -> vector<8x1024xf32>
    %jit3A_238 = arith.constant 0.000000e+00 : f32
    %broadcast_in_dim3A_239 = vector.broadcast %jit3A_238 : f32 to vector<8x1024xf32>
    %select_n3A_240 = arith.select %eq3A, %tile3A_237, %broadcast_in_dim3A_239 : vector<8x1024xi1>, vector<8x1024xf32>
    %dot_general3A_241 = arith.constant dense<0.000000e+00> : vector<8x128xf32>
    %dot_general3A_242 = tpu.matmul %select_n3A_240, %reshape3A_236, %dot_general3A_241 {dimension_numbers = #tpu.dot_dimension_numbers<[1], [0], [0], [1], [0, 0, 1, 1], [], []>, transpose_lhs_hint = false} : vector<8x1024xf32>, vector<1024x128xf32>, vector<8x128xf32> -> vector<8x128xf32>
    %add3A_243 = vector.broadcast %get3A_1 : vector<1x128xf32> to vector<8x128xf32>
    %add3A_244 = arith.addf %dot_general3A_242, %add3A_243 : vector<8x128xf32>
    %swap3A_245 = arith.constant 88 : index
    %swap3A_246 = arith.constant 0 : index
    %swap3A_247 = vector.load %arg4[%swap3A_245, %swap3A_246] : memref<200x128xf32, #tpu.memory_space<vmem>>, vector<8x128xf32>
    tpu.vector_store %arg4[%swap3A_245, %swap3A_246], %add3A_244 {strides = array<i32>} : memref<200x128xf32, #tpu.memory_space<vmem>>, vector<8x128xf32>,
    %get3A_248 = arith.constant 96 : index
    %get3A_249 = arith.constant 0 : index
    %get3A_250 = vector.load %arg1[%get3A_248, %get3A_249] : memref<200x128xf32, #tpu.memory_space<vmem>>, vector<8x128xf32>
    %get3A_251 = arith.constant 96 : index
    %get3A_252 = arith.constant 0 : index
    %get3A_253 = arith.constant 0 : index
    %get3A_254 = vector.load %arg2[%get3A_251, %get3A_252, %get3A_253] : memref<200x128x128xf32, #tpu.memory_space<vmem>>, vector<8x128x128xf32>
    %reshape3A_255 = vector.shape_cast %get3A_254 : vector<8x128x128xf32> to vector<1024x128xf32>
    %tile3A_256 = tpu.concatenate %get3A_250, %get3A_250, %get3A_250, %get3A_250, %get3A_250, %get3A_250, %get3A_250, %get3A_250 in 1 : vector<8x128xf32>, vector<8x128xf32>, vector<8x128xf32>, vector<8x128xf32>, vector<8x128xf32>, vector<8x128xf32>, vector<8x128xf32>, vector<8x128xf32> -> vector<8x1024xf32>
    %jit3A_257 = arith.constant 0.000000e+00 : f32
    %broadcast_in_dim3A_258 = vector.broadcast %jit3A_257 : f32 to vector<8x1024xf32>
    %select_n3A_259 = arith.select %eq3A, %tile3A_256, %broadcast_in_dim3A_258 : vector<8x1024xi1>, vector<8x1024xf32>
    %dot_general3A_260 = arith.constant dense<0.000000e+00> : vector<8x128xf32>
    %dot_general3A_261 = tpu.matmul %select_n3A_259, %reshape3A_255, %dot_general3A_260 {dimension_numbers = #tpu.dot_dimension_numbers<[1], [0], [0], [1], [0, 0, 1, 1], [], []>, transpose_lhs_hint = false} : vector<8x1024xf32>, vector<1024x128xf32>, vector<8x128xf32> -> vector<8x128xf32>
    %add3A_262 = vector.broadcast %get3A_1 : vector<1x128xf32> to vector<8x128xf32>
    %add3A_263 = arith.addf %dot_general3A_261, %add3A_262 : vector<8x128xf32>
    %swap3A_264 = arith.constant 96 : index
    %swap3A_265 = arith.constant 0 : index
    %swap3A_266 = vector.load %arg4[%swap3A_264, %swap3A_265] : memref<200x128xf32, #tpu.memory_space<vmem>>, vector<8x128xf32>
    tpu.vector_store %arg4[%swap3A_264, %swap3A_265], %add3A_263 {strides = array<i32>} : memref<200x128xf32, #tpu.memory_space<vmem>>, vector<8x128xf32>,
    %get3A_267 = arith.constant 104 : index
    %get3A_268 = arith.constant 0 : index
    %get3A_269 = vector.load %arg1[%get3A_267, %get3A_268] : memref<200x128xf32, #tpu.memory_space<vmem>>, vector<8x128xf32>
    %get3A_270 = arith.constant 104 : index
    %get3A_271 = arith.constant 0 : index
    %get3A_272 = arith.constant 0 : index
    %get3A_273 = vector.load %arg2[%get3A_270, %get3A_271, %get3A_272] : memref<200x128x128xf32, #tpu.memory_space<vmem>>, vector<8x128x128xf32>
    %reshape3A_274 = vector.shape_cast %get3A_273 : vector<8x128x128xf32> to vector<1024x128xf32>
    %tile3A_275 = tpu.concatenate %get3A_269, %get3A_269, %get3A_269, %get3A_269, %get3A_269, %get3A_269, %get3A_269, %get3A_269 in 1 : vector<8x128xf32>, vector<8x128xf32>, vector<8x128xf32>, vector<8x128xf32>, vector<8x128xf32>, vector<8x128xf32>, vector<8x128xf32>, vector<8x128xf32> -> vector<8x1024xf32>
    %jit3A_276 = arith.constant 0.000000e+00 : f32
    %broadcast_in_dim3A_277 = vector.broadcast %jit3A_276 : f32 to vector<8x1024xf32>
    %select_n3A_278 = arith.select %eq3A, %tile3A_275, %broadcast_in_dim3A_277 : vector<8x1024xi1>, vector<8x1024xf32>
    %dot_general3A_279 = arith.constant dense<0.000000e+00> : vector<8x128xf32>
    %dot_general3A_280 = tpu.matmul %select_n3A_278, %reshape3A_274, %dot_general3A_279 {dimension_numbers = #tpu.dot_dimension_numbers<[1], [0], [0], [1], [0, 0, 1, 1], [], []>, transpose_lhs_hint = false} : vector<8x1024xf32>, vector<1024x128xf32>, vector<8x128xf32> -> vector<8x128xf32>
    %add3A_281 = vector.broadcast %get3A_1 : vector<1x128xf32> to vector<8x128xf32>
    %add3A_282 = arith.addf %dot_general3A_280, %add3A_281 : vector<8x128xf32>
    %swap3A_283 = arith.constant 104 : index
    %swap3A_284 = arith.constant 0 : index
    %swap3A_285 = vector.load %arg4[%swap3A_283, %swap3A_284] : memref<200x128xf32, #tpu.memory_space<vmem>>, vector<8x128xf32>
    tpu.vector_store %arg4[%swap3A_283, %swap3A_284], %add3A_282 {strides = array<i32>} : memref<200x128xf32, #tpu.memory_space<vmem>>, vector<8x128xf32>,
    %get3A_286 = arith.constant 112 : index
    %get3A_287 = arith.constant 0 : index
    %get3A_288 = vector.load %arg1[%get3A_286, %get3A_287] : memref<200x128xf32, #tpu.memory_space<vmem>>, vector<8x128xf32>
    %get3A_289 = arith.constant 112 : index
    %get3A_290 = arith.constant 0 : index
    %get3A_291 = arith.constant 0 : index
    %get3A_292 = vector.load %arg2[%get3A_289, %get3A_290, %get3A_291] : memref<200x128x128xf32, #tpu.memory_space<vmem>>, vector<8x128x128xf32>
    %reshape3A_293 = vector.shape_cast %get3A_292 : vector<8x128x128xf32> to vector<1024x128xf32>
    %tile3A_294 = tpu.concatenate %get3A_288, %get3A_288, %get3A_288, %get3A_288, %get3A_288, %get3A_288, %get3A_288, %get3A_288 in 1 : vector<8x128xf32>, vector<8x128xf32>, vector<8x128xf32>, vector<8x128xf32>, vector<8x128xf32>, vector<8x128xf32>, vector<8x128xf32>, vector<8x128xf32> -> vector<8x1024xf32>
    %jit3A_295 = arith.constant 0.000000e+00 : f32
    %broadcast_in_dim3A_296 = vector.broadcast %jit3A_295 : f32 to vector<8x1024xf32>
    %select_n3A_297 = arith.select %eq3A, %tile3A_294, %broadcast_in_dim3A_296 : vector<8x1024xi1>, vector<8x1024xf32>
    %dot_general3A_298 = arith.constant dense<0.000000e+00> : vector<8x128xf32>
    %dot_general3A_299 = tpu.matmul %select_n3A_297, %reshape3A_293, %dot_general3A_298 {dimension_numbers = #tpu.dot_dimension_numbers<[1], [0], [0], [1], [0, 0, 1, 1], [], []>, transpose_lhs_hint = false} : vector<8x1024xf32>, vector<1024x128xf32>, vector<8x128xf32> -> vector<8x128xf32>
    %add3A_300 = vector.broadcast %get3A_1 : vector<1x128xf32> to vector<8x128xf32>
    %add3A_301 = arith.addf %dot_general3A_299, %add3A_300 : vector<8x128xf32>
    %swap3A_302 = arith.constant 112 : index
    %swap3A_303 = arith.constant 0 : index
    %swap3A_304 = vector.load %arg4[%swap3A_302, %swap3A_303] : memref<200x128xf32, #tpu.memory_space<vmem>>, vector<8x128xf32>
    tpu.vector_store %arg4[%swap3A_302, %swap3A_303], %add3A_301 {strides = array<i32>} : memref<200x128xf32, #tpu.memory_space<vmem>>, vector<8x128xf32>,
    %get3A_305 = arith.constant 120 : index
    %get3A_306 = arith.constant 0 : index
    %get3A_307 = vector.load %arg1[%get3A_305, %get3A_306] : memref<200x128xf32, #tpu.memory_space<vmem>>, vector<8x128xf32>
    %get3A_308 = arith.constant 120 : index
    %get3A_309 = arith.constant 0 : index
    %get3A_310 = arith.constant 0 : index
    %get3A_311 = vector.load %arg2[%get3A_308, %get3A_309, %get3A_310] : memref<200x128x128xf32, #tpu.memory_space<vmem>>, vector<8x128x128xf32>
    %reshape3A_312 = vector.shape_cast %get3A_311 : vector<8x128x128xf32> to vector<1024x128xf32>
    %tile3A_313 = tpu.concatenate %get3A_307, %get3A_307, %get3A_307, %get3A_307, %get3A_307, %get3A_307, %get3A_307, %get3A_307 in 1 : vector<8x128xf32>, vector<8x128xf32>, vector<8x128xf32>, vector<8x128xf32>, vector<8x128xf32>, vector<8x128xf32>, vector<8x128xf32>, vector<8x128xf32> -> vector<8x1024xf32>
    %jit3A_314 = arith.constant 0.000000e+00 : f32
    %broadcast_in_dim3A_315 = vector.broadcast %jit3A_314 : f32 to vector<8x1024xf32>
    %select_n3A_316 = arith.select %eq3A, %tile3A_313, %broadcast_in_dim3A_315 : vector<8x1024xi1>, vector<8x1024xf32>
    %dot_general3A_317 = arith.constant dense<0.000000e+00> : vector<8x128xf32>
    %dot_general3A_318 = tpu.matmul %select_n3A_316, %reshape3A_312, %dot_general3A_317 {dimension_numbers = #tpu.dot_dimension_numbers<[1], [0], [0], [1], [0, 0, 1, 1], [], []>, transpose_lhs_hint = false} : vector<8x1024xf32>, vector<1024x128xf32>, vector<8x128xf32> -> vector<8x128xf32>
    %add3A_319 = vector.broadcast %get3A_1 : vector<1x128xf32> to vector<8x128xf32>
    %add3A_320 = arith.addf %dot_general3A_318, %add3A_319 : vector<8x128xf32>
    %swap3A_321 = arith.constant 120 : index
    %swap3A_322 = arith.constant 0 : index
    %swap3A_323 = vector.load %arg4[%swap3A_321, %swap3A_322] : memref<200x128xf32, #tpu.memory_space<vmem>>, vector<8x128xf32>
    tpu.vector_store %arg4[%swap3A_321, %swap3A_322], %add3A_320 {strides = array<i32>} : memref<200x128xf32, #tpu.memory_space<vmem>>, vector<8x128xf32>,
    %get3A_324 = arith.constant 128 : index
    %get3A_325 = arith.constant 0 : index
    %get3A_326 = vector.load %arg1[%get3A_324, %get3A_325] : memref<200x128xf32, #tpu.memory_space<vmem>>, vector<8x128xf32>
    %get3A_327 = arith.constant 128 : index
    %get3A_328 = arith.constant 0 : index
    %get3A_329 = arith.constant 0 : index
    %get3A_330 = vector.load %arg2[%get3A_327, %get3A_328, %get3A_329] : memref<200x128x128xf32, #tpu.memory_space<vmem>>, vector<8x128x128xf32>
    %reshape3A_331 = vector.shape_cast %get3A_330 : vector<8x128x128xf32> to vector<1024x128xf32>
    %tile3A_332 = tpu.concatenate %get3A_326, %get3A_326, %get3A_326, %get3A_326, %get3A_326, %get3A_326, %get3A_326, %get3A_326 in 1 : vector<8x128xf32>, vector<8x128xf32>, vector<8x128xf32>, vector<8x128xf32>, vector<8x128xf32>, vector<8x128xf32>, vector<8x128xf32>, vector<8x128xf32> -> vector<8x1024xf32>
    %jit3A_333 = arith.constant 0.000000e+00 : f32
    %broadcast_in_dim3A_334 = vector.broadcast %jit3A_333 : f32 to vector<8x1024xf32>
    %select_n3A_335 = arith.select %eq3A, %tile3A_332, %broadcast_in_dim3A_334 : vector<8x1024xi1>, vector<8x1024xf32>
    %dot_general3A_336 = arith.constant dense<0.000000e+00> : vector<8x128xf32>
    %dot_general3A_337 = tpu.matmul %select_n3A_335, %reshape3A_331, %dot_general3A_336 {dimension_numbers = #tpu.dot_dimension_numbers<[1], [0], [0], [1], [0, 0, 1, 1], [], []>, transpose_lhs_hint = false} : vector<8x1024xf32>, vector<1024x128xf32>, vector<8x128xf32> -> vector<8x128xf32>
    %add3A_338 = vector.broadcast %get3A_1 : vector<1x128xf32> to vector<8x128xf32>
    %add3A_339 = arith.addf %dot_general3A_337, %add3A_338 : vector<8x128xf32>
    %swap3A_340 = arith.constant 128 : index
    %swap3A_341 = arith.constant 0 : index
    %swap3A_342 = vector.load %arg4[%swap3A_340, %swap3A_341] : memref<200x128xf32, #tpu.memory_space<vmem>>, vector<8x128xf32>
    tpu.vector_store %arg4[%swap3A_340, %swap3A_341], %add3A_339 {strides = array<i32>} : memref<200x128xf32, #tpu.memory_space<vmem>>, vector<8x128xf32>,
    %get3A_343 = arith.constant 136 : index
    %get3A_344 = arith.constant 0 : index
    %get3A_345 = vector.load %arg1[%get3A_343, %get3A_344] : memref<200x128xf32, #tpu.memory_space<vmem>>, vector<8x128xf32>
    %get3A_346 = arith.constant 136 : index
    %get3A_347 = arith.constant 0 : index
    %get3A_348 = arith.constant 0 : index
    %get3A_349 = vector.load %arg2[%get3A_346, %get3A_347, %get3A_348] : memref<200x128x128xf32, #tpu.memory_space<vmem>>, vector<8x128x128xf32>
    %reshape3A_350 = vector.shape_cast %get3A_349 : vector<8x128x128xf32> to vector<1024x128xf32>
    %tile3A_351 = tpu.concatenate %get3A_345, %get3A_345, %get3A_345, %get3A_345, %get3A_345, %get3A_345, %get3A_345, %get3A_345 in 1 : vector<8x128xf32>, vector<8x128xf32>, vector<8x128xf32>, vector<8x128xf32>, vector<8x128xf32>, vector<8x128xf32>, vector<8x128xf32>, vector<8x128xf32> -> vector<8x1024xf32>
    %jit3A_352 = arith.constant 0.000000e+00 : f32
    %broadcast_in_dim3A_353 = vector.broadcast %jit3A_352 : f32 to vector<8x1024xf32>
    %select_n3A_354 = arith.select %eq3A, %tile3A_351, %broadcast_in_dim3A_353 : vector<8x1024xi1>, vector<8x1024xf32>
    %dot_general3A_355 = arith.constant dense<0.000000e+00> : vector<8x128xf32>
    %dot_general3A_356 = tpu.matmul %select_n3A_354, %reshape3A_350, %dot_general3A_355 {dimension_numbers = #tpu.dot_dimension_numbers<[1], [0], [0], [1], [0, 0, 1, 1], [], []>, transpose_lhs_hint = false} : vector<8x1024xf32>, vector<1024x128xf32>, vector<8x128xf32> -> vector<8x128xf32>
    %add3A_357 = vector.broadcast %get3A_1 : vector<1x128xf32> to vector<8x128xf32>
    %add3A_358 = arith.addf %dot_general3A_356, %add3A_357 : vector<8x128xf32>
    %swap3A_359 = arith.constant 136 : index
    %swap3A_360 = arith.constant 0 : index
    %swap3A_361 = vector.load %arg4[%swap3A_359, %swap3A_360] : memref<200x128xf32, #tpu.memory_space<vmem>>, vector<8x128xf32>
    tpu.vector_store %arg4[%swap3A_359, %swap3A_360], %add3A_358 {strides = array<i32>} : memref<200x128xf32, #tpu.memory_space<vmem>>, vector<8x128xf32>,
    %get3A_362 = arith.constant 144 : index
    %get3A_363 = arith.constant 0 : index
    %get3A_364 = vector.load %arg1[%get3A_362, %get3A_363] : memref<200x128xf32, #tpu.memory_space<vmem>>, vector<8x128xf32>
    %get3A_365 = arith.constant 144 : index
    %get3A_366 = arith.constant 0 : index
    %get3A_367 = arith.constant 0 : index
    %get3A_368 = vector.load %arg2[%get3A_365, %get3A_366, %get3A_367] : memref<200x128x128xf32, #tpu.memory_space<vmem>>, vector<8x128x128xf32>
    %reshape3A_369 = vector.shape_cast %get3A_368 : vector<8x128x128xf32> to vector<1024x128xf32>
    %tile3A_370 = tpu.concatenate %get3A_364, %get3A_364, %get3A_364, %get3A_364, %get3A_364, %get3A_364, %get3A_364, %get3A_364 in 1 : vector<8x128xf32>, vector<8x128xf32>, vector<8x128xf32>, vector<8x128xf32>, vector<8x128xf32>, vector<8x128xf32>, vector<8x128xf32>, vector<8x128xf32> -> vector<8x1024xf32>
    %jit3A_371 = arith.constant 0.000000e+00 : f32
    %broadcast_in_dim3A_372 = vector.broadcast %jit3A_371 : f32 to vector<8x1024xf32>
    %select_n3A_373 = arith.select %eq3A, %tile3A_370, %broadcast_in_dim3A_372 : vector<8x1024xi1>, vector<8x1024xf32>
    %dot_general3A_374 = arith.constant dense<0.000000e+00> : vector<8x128xf32>
    %dot_general3A_375 = tpu.matmul %select_n3A_373, %reshape3A_369, %dot_general3A_374 {dimension_numbers = #tpu.dot_dimension_numbers<[1], [0], [0], [1], [0, 0, 1, 1], [], []>, transpose_lhs_hint = false} : vector<8x1024xf32>, vector<1024x128xf32>, vector<8x128xf32> -> vector<8x128xf32>
    %add3A_376 = vector.broadcast %get3A_1 : vector<1x128xf32> to vector<8x128xf32>
    %add3A_377 = arith.addf %dot_general3A_375, %add3A_376 : vector<8x128xf32>
    %swap3A_378 = arith.constant 144 : index
    %swap3A_379 = arith.constant 0 : index
    %swap3A_380 = vector.load %arg4[%swap3A_378, %swap3A_379] : memref<200x128xf32, #tpu.memory_space<vmem>>, vector<8x128xf32>
    tpu.vector_store %arg4[%swap3A_378, %swap3A_379], %add3A_377 {strides = array<i32>} : memref<200x128xf32, #tpu.memory_space<vmem>>, vector<8x128xf32>,
    %get3A_381 = arith.constant 152 : index
    %get3A_382 = arith.constant 0 : index
    %get3A_383 = vector.load %arg1[%get3A_381, %get3A_382] : memref<200x128xf32, #tpu.memory_space<vmem>>, vector<8x128xf32>
    %get3A_384 = arith.constant 152 : index
    %get3A_385 = arith.constant 0 : index
    %get3A_386 = arith.constant 0 : index
    %get3A_387 = vector.load %arg2[%get3A_384, %get3A_385, %get3A_386] : memref<200x128x128xf32, #tpu.memory_space<vmem>>, vector<8x128x128xf32>
    %reshape3A_388 = vector.shape_cast %get3A_387 : vector<8x128x128xf32> to vector<1024x128xf32>
    %tile3A_389 = tpu.concatenate %get3A_383, %get3A_383, %get3A_383, %get3A_383, %get3A_383, %get3A_383, %get3A_383, %get3A_383 in 1 : vector<8x128xf32>, vector<8x128xf32>, vector<8x128xf32>, vector<8x128xf32>, vector<8x128xf32>, vector<8x128xf32>, vector<8x128xf32>, vector<8x128xf32> -> vector<8x1024xf32>
    %jit3A_390 = arith.constant 0.000000e+00 : f32
    %broadcast_in_dim3A_391 = vector.broadcast %jit3A_390 : f32 to vector<8x1024xf32>
    %select_n3A_392 = arith.select %eq3A, %tile3A_389, %broadcast_in_dim3A_391 : vector<8x1024xi1>, vector<8x1024xf32>
    %dot_general3A_393 = arith.constant dense<0.000000e+00> : vector<8x128xf32>
    %dot_general3A_394 = tpu.matmul %select_n3A_392, %reshape3A_388, %dot_general3A_393 {dimension_numbers = #tpu.dot_dimension_numbers<[1], [0], [0], [1], [0, 0, 1, 1], [], []>, transpose_lhs_hint = false} : vector<8x1024xf32>, vector<1024x128xf32>, vector<8x128xf32> -> vector<8x128xf32>
    %add3A_395 = vector.broadcast %get3A_1 : vector<1x128xf32> to vector<8x128xf32>
    %add3A_396 = arith.addf %dot_general3A_394, %add3A_395 : vector<8x128xf32>
    %swap3A_397 = arith.constant 152 : index
    %swap3A_398 = arith.constant 0 : index
    %swap3A_399 = vector.load %arg4[%swap3A_397, %swap3A_398] : memref<200x128xf32, #tpu.memory_space<vmem>>, vector<8x128xf32>
    tpu.vector_store %arg4[%swap3A_397, %swap3A_398], %add3A_396 {strides = array<i32>} : memref<200x128xf32, #tpu.memory_space<vmem>>, vector<8x128xf32>,
    %get3A_400 = arith.constant 160 : index
    %get3A_401 = arith.constant 0 : index
    %get3A_402 = vector.load %arg1[%get3A_400, %get3A_401] : memref<200x128xf32, #tpu.memory_space<vmem>>, vector<8x128xf32>
    %get3A_403 = arith.constant 160 : index
    %get3A_404 = arith.constant 0 : index
    %get3A_405 = arith.constant 0 : index
    %get3A_406 = vector.load %arg2[%get3A_403, %get3A_404, %get3A_405] : memref<200x128x128xf32, #tpu.memory_space<vmem>>, vector<8x128x128xf32>
    %reshape3A_407 = vector.shape_cast %get3A_406 : vector<8x128x128xf32> to vector<1024x128xf32>
    %tile3A_408 = tpu.concatenate %get3A_402, %get3A_402, %get3A_402, %get3A_402, %get3A_402, %get3A_402, %get3A_402, %get3A_402 in 1 : vector<8x128xf32>, vector<8x128xf32>, vector<8x128xf32>, vector<8x128xf32>, vector<8x128xf32>, vector<8x128xf32>, vector<8x128xf32>, vector<8x128xf32> -> vector<8x1024xf32>
    %jit3A_409 = arith.constant 0.000000e+00 : f32
    %broadcast_in_dim3A_410 = vector.broadcast %jit3A_409 : f32 to vector<8x1024xf32>
    %select_n3A_411 = arith.select %eq3A, %tile3A_408, %broadcast_in_dim3A_410 : vector<8x1024xi1>, vector<8x1024xf32>
    %dot_general3A_412 = arith.constant dense<0.000000e+00> : vector<8x128xf32>
    %dot_general3A_413 = tpu.matmul %select_n3A_411, %reshape3A_407, %dot_general3A_412 {dimension_numbers = #tpu.dot_dimension_numbers<[1], [0], [0], [1], [0, 0, 1, 1], [], []>, transpose_lhs_hint = false} : vector<8x1024xf32>, vector<1024x128xf32>, vector<8x128xf32> -> vector<8x128xf32>
    %add3A_414 = vector.broadcast %get3A_1 : vector<1x128xf32> to vector<8x128xf32>
    %add3A_415 = arith.addf %dot_general3A_413, %add3A_414 : vector<8x128xf32>
    %swap3A_416 = arith.constant 160 : index
    %swap3A_417 = arith.constant 0 : index
    %swap3A_418 = vector.load %arg4[%swap3A_416, %swap3A_417] : memref<200x128xf32, #tpu.memory_space<vmem>>, vector<8x128xf32>
    tpu.vector_store %arg4[%swap3A_416, %swap3A_417], %add3A_415 {strides = array<i32>} : memref<200x128xf32, #tpu.memory_space<vmem>>, vector<8x128xf32>,
    %get3A_419 = arith.constant 168 : index
    %get3A_420 = arith.constant 0 : index
    %get3A_421 = vector.load %arg1[%get3A_419, %get3A_420] : memref<200x128xf32, #tpu.memory_space<vmem>>, vector<8x128xf32>
    %get3A_422 = arith.constant 168 : index
    %get3A_423 = arith.constant 0 : index
    %get3A_424 = arith.constant 0 : index
    %get3A_425 = vector.load %arg2[%get3A_422, %get3A_423, %get3A_424] : memref<200x128x128xf32, #tpu.memory_space<vmem>>, vector<8x128x128xf32>
    %reshape3A_426 = vector.shape_cast %get3A_425 : vector<8x128x128xf32> to vector<1024x128xf32>
    %tile3A_427 = tpu.concatenate %get3A_421, %get3A_421, %get3A_421, %get3A_421, %get3A_421, %get3A_421, %get3A_421, %get3A_421 in 1 : vector<8x128xf32>, vector<8x128xf32>, vector<8x128xf32>, vector<8x128xf32>, vector<8x128xf32>, vector<8x128xf32>, vector<8x128xf32>, vector<8x128xf32> -> vector<8x1024xf32>
    %jit3A_428 = arith.constant 0.000000e+00 : f32
    %broadcast_in_dim3A_429 = vector.broadcast %jit3A_428 : f32 to vector<8x1024xf32>
    %select_n3A_430 = arith.select %eq3A, %tile3A_427, %broadcast_in_dim3A_429 : vector<8x1024xi1>, vector<8x1024xf32>
    %dot_general3A_431 = arith.constant dense<0.000000e+00> : vector<8x128xf32>
    %dot_general3A_432 = tpu.matmul %select_n3A_430, %reshape3A_426, %dot_general3A_431 {dimension_numbers = #tpu.dot_dimension_numbers<[1], [0], [0], [1], [0, 0, 1, 1], [], []>, transpose_lhs_hint = false} : vector<8x1024xf32>, vector<1024x128xf32>, vector<8x128xf32> -> vector<8x128xf32>
    %add3A_433 = vector.broadcast %get3A_1 : vector<1x128xf32> to vector<8x128xf32>
    %add3A_434 = arith.addf %dot_general3A_432, %add3A_433 : vector<8x128xf32>
    %swap3A_435 = arith.constant 168 : index
    %swap3A_436 = arith.constant 0 : index
    %swap3A_437 = vector.load %arg4[%swap3A_435, %swap3A_436] : memref<200x128xf32, #tpu.memory_space<vmem>>, vector<8x128xf32>
    tpu.vector_store %arg4[%swap3A_435, %swap3A_436], %add3A_434 {strides = array<i32>} : memref<200x128xf32, #tpu.memory_space<vmem>>, vector<8x128xf32>,
    %get3A_438 = arith.constant 176 : index
    %get3A_439 = arith.constant 0 : index
    %get3A_440 = vector.load %arg1[%get3A_438, %get3A_439] : memref<200x128xf32, #tpu.memory_space<vmem>>, vector<8x128xf32>
    %get3A_441 = arith.constant 176 : index
    %get3A_442 = arith.constant 0 : index
    %get3A_443 = arith.constant 0 : index
    %get3A_444 = vector.load %arg2[%get3A_441, %get3A_442, %get3A_443] : memref<200x128x128xf32, #tpu.memory_space<vmem>>, vector<8x128x128xf32>
    %reshape3A_445 = vector.shape_cast %get3A_444 : vector<8x128x128xf32> to vector<1024x128xf32>
    %tile3A_446 = tpu.concatenate %get3A_440, %get3A_440, %get3A_440, %get3A_440, %get3A_440, %get3A_440, %get3A_440, %get3A_440 in 1 : vector<8x128xf32>, vector<8x128xf32>, vector<8x128xf32>, vector<8x128xf32>, vector<8x128xf32>, vector<8x128xf32>, vector<8x128xf32>, vector<8x128xf32> -> vector<8x1024xf32>
    %jit3A_447 = arith.constant 0.000000e+00 : f32
    %broadcast_in_dim3A_448 = vector.broadcast %jit3A_447 : f32 to vector<8x1024xf32>
    %select_n3A_449 = arith.select %eq3A, %tile3A_446, %broadcast_in_dim3A_448 : vector<8x1024xi1>, vector<8x1024xf32>
    %dot_general3A_450 = arith.constant dense<0.000000e+00> : vector<8x128xf32>
    %dot_general3A_451 = tpu.matmul %select_n3A_449, %reshape3A_445, %dot_general3A_450 {dimension_numbers = #tpu.dot_dimension_numbers<[1], [0], [0], [1], [0, 0, 1, 1], [], []>, transpose_lhs_hint = false} : vector<8x1024xf32>, vector<1024x128xf32>, vector<8x128xf32> -> vector<8x128xf32>
    %add3A_452 = vector.broadcast %get3A_1 : vector<1x128xf32> to vector<8x128xf32>
    %add3A_453 = arith.addf %dot_general3A_451, %add3A_452 : vector<8x128xf32>
    %swap3A_454 = arith.constant 176 : index
    %swap3A_455 = arith.constant 0 : index
    %swap3A_456 = vector.load %arg4[%swap3A_454, %swap3A_455] : memref<200x128xf32, #tpu.memory_space<vmem>>, vector<8x128xf32>
    tpu.vector_store %arg4[%swap3A_454, %swap3A_455], %add3A_453 {strides = array<i32>} : memref<200x128xf32, #tpu.memory_space<vmem>>, vector<8x128xf32>,
    %get3A_457 = arith.constant 184 : index
    %get3A_458 = arith.constant 0 : index
    %get3A_459 = vector.load %arg1[%get3A_457, %get3A_458] : memref<200x128xf32, #tpu.memory_space<vmem>>, vector<8x128xf32>
    %get3A_460 = arith.constant 184 : index
    %get3A_461 = arith.constant 0 : index
    %get3A_462 = arith.constant 0 : index
    %get3A_463 = vector.load %arg2[%get3A_460, %get3A_461, %get3A_462] : memref<200x128x128xf32, #tpu.memory_space<vmem>>, vector<8x128x128xf32>
    %reshape3A_464 = vector.shape_cast %get3A_463 : vector<8x128x128xf32> to vector<1024x128xf32>
    %tile3A_465 = tpu.concatenate %get3A_459, %get3A_459, %get3A_459, %get3A_459, %get3A_459, %get3A_459, %get3A_459, %get3A_459 in 1 : vector<8x128xf32>, vector<8x128xf32>, vector<8x128xf32>, vector<8x128xf32>, vector<8x128xf32>, vector<8x128xf32>, vector<8x128xf32>, vector<8x128xf32> -> vector<8x1024xf32>
    %jit3A_466 = arith.constant 0.000000e+00 : f32
    %broadcast_in_dim3A_467 = vector.broadcast %jit3A_466 : f32 to vector<8x1024xf32>
    %select_n3A_468 = arith.select %eq3A, %tile3A_465, %broadcast_in_dim3A_467 : vector<8x1024xi1>, vector<8x1024xf32>
    %dot_general3A_469 = arith.constant dense<0.000000e+00> : vector<8x128xf32>
    %dot_general3A_470 = tpu.matmul %select_n3A_468, %reshape3A_464, %dot_general3A_469 {dimension_numbers = #tpu.dot_dimension_numbers<[1], [0], [0], [1], [0, 0, 1, 1], [], []>, transpose_lhs_hint = false} : vector<8x1024xf32>, vector<1024x128xf32>, vector<8x128xf32> -> vector<8x128xf32>
    %add3A_471 = vector.broadcast %get3A_1 : vector<1x128xf32> to vector<8x128xf32>
    %add3A_472 = arith.addf %dot_general3A_470, %add3A_471 : vector<8x128xf32>
    %swap3A_473 = arith.constant 184 : index
    %swap3A_474 = arith.constant 0 : index
    %swap3A_475 = vector.load %arg4[%swap3A_473, %swap3A_474] : memref<200x128xf32, #tpu.memory_space<vmem>>, vector<8x128xf32>
    tpu.vector_store %arg4[%swap3A_473, %swap3A_474], %add3A_472 {strides = array<i32>} : memref<200x128xf32, #tpu.memory_space<vmem>>, vector<8x128xf32>,
    %get3A_476 = arith.constant 192 : index
    %get3A_477 = arith.constant 0 : index
    %get3A_478 = vector.load %arg1[%get3A_476, %get3A_477] : memref<200x128xf32, #tpu.memory_space<vmem>>, vector<8x128xf32>
    %get3A_479 = arith.constant 192 : index
    %get3A_480 = arith.constant 0 : index
    %get3A_481 = arith.constant 0 : index
    %get3A_482 = vector.load %arg2[%get3A_479, %get3A_480, %get3A_481] : memref<200x128x128xf32, #tpu.memory_space<vmem>>, vector<8x128x128xf32>
    %reshape3A_483 = vector.shape_cast %get3A_482 : vector<8x128x128xf32> to vector<1024x128xf32>
    %tile3A_484 = tpu.concatenate %get3A_478, %get3A_478, %get3A_478, %get3A_478, %get3A_478, %get3A_478, %get3A_478, %get3A_478 in 1 : vector<8x128xf32>, vector<8x128xf32>, vector<8x128xf32>, vector<8x128xf32>, vector<8x128xf32>, vector<8x128xf32>, vector<8x128xf32>, vector<8x128xf32> -> vector<8x1024xf32>
    %jit3A_485 = arith.constant 0.000000e+00 : f32
    %broadcast_in_dim3A_486 = vector.broadcast %jit3A_485 : f32 to vector<8x1024xf32>
    %select_n3A_487 = arith.select %eq3A, %tile3A_484, %broadcast_in_dim3A_486 : vector<8x1024xi1>, vector<8x1024xf32>
    %dot_general3A_488 = arith.constant dense<0.000000e+00> : vector<8x128xf32>
    %dot_general3A_489 = tpu.matmul %select_n3A_487, %reshape3A_483, %dot_general3A_488 {dimension_numbers = #tpu.dot_dimension_numbers<[1], [0], [0], [1], [0, 0, 1, 1], [], []>, transpose_lhs_hint = false} : vector<8x1024xf32>, vector<1024x128xf32>, vector<8x128xf32> -> vector<8x128xf32>
    %add3A_490 = vector.broadcast %get3A_1 : vector<1x128xf32> to vector<8x128xf32>
    %add3A_491 = arith.addf %dot_general3A_489, %add3A_490 : vector<8x128xf32>
    %swap3A_492 = arith.constant 192 : index
    %swap3A_493 = arith.constant 0 : index
    %swap3A_494 = vector.load %arg4[%swap3A_492, %swap3A_493] : memref<200x128xf32, #tpu.memory_space<vmem>>, vector<8x128xf32>
    tpu.vector_store %arg4[%swap3A_492, %swap3A_493], %add3A_491 {strides = array<i32>} : memref<200x128xf32, #tpu.memory_space<vmem>>, vector<8x128xf32>,
    return
  }
  func.func @transform_0(%arg0: i32) -> (i32, i32) {
    %c0_i32 = arith.constant 0 : i32
    %c0_i32_0 = arith.constant 0 : i32
    return %arg0, %c0_i32 : i32, i32
  }
  func.func @transform_1(%arg0: i32) -> (i32, i32, i32) {
    %c0_i32 = arith.constant 0 : i32
    %c0_i32_0 = arith.constant 0 : i32
    %c0_i32_1 = arith.constant 0 : i32
    return %arg0, %c0_i32, %c0_i32_0 : i32, i32, i32
  }
  func.func @transform_2(%arg0: i32) -> (i32, i32) {
    %c0_i32 = arith.constant 0 : i32
    %c0_i32_0 = arith.constant 0 : i32
    %c0_i32_1 = arith.constant 0 : i32
    return %c0_i32, %c0_i32_0 : i32, i32
  }
  func.func @transform_3(%arg0: i32) -> (i32, i32) {
    %c0_i32 = arith.constant 0 : i32
    %c0_i32_0 = arith.constant 0 : i32
    return %arg0, %c0_i32 : i32, i32
  }
}

</mosaic_0001>

<sc_bundles>
// kernel: kernel.5.cloned.1.call-start
scs
__scs_entry_jumppad:
0x0: {  	(pc) =	sbr.rel $0x88, $3  }
0x1: {  	(tag) =	ssettag $0x0;
	lr =	simm.s32 $0x1  }
0x2: {  	[smem:$0x3F9D] =	sst lr;
	_ =	strace $0xD0000000  }
0x3: {  	_ = 	snop  }
0x4: {  	_ = 	snop  }
0x5: {  	_ = 	snop  }
0x6: {  	_ = 	snop  }
0x7: {  	_ = 	snop  }
__scs_overlays_trampoline_lowered:
0x8: {  	[smem:$0x3FAC] =	sst s0  }
0x9: {  	[smem:$0x3FAD] =	sst s1  }
0xa: {  	[smem:$0x3FAE] =	sst s2  }
0xb: {  	[smem:$0x3FAF] =	sst s3  }
0xc: {  	[smem:$0x3FB0] =	sst s4  }
0xd: {  	[smem:$0x3FB1] =	sst s5  }
0xe: {  	[smem:$0x3FB2] =	sst s6  }
0xf: {  	[smem:$0x3FB3] =	sst s7  }
0x10: {  	[smem:$0x3FB4] =	sst s8  }
0x11: {  	[smem:$0x3FB5] =	sst s9;
	s0 =	simm.s32 @!p0 $0x0  }
0x12: {  	s1 =	sld [smem:$0x3F9B];
	s0 =	simm.s32 @p0 $0x1  }
0x13: {  	[smem:$0x3FB6] =	sst s0;
	s0 =	simm.s32 @!p1 $0x0  }
0x14: {  	s2 =	sld [smem:$0x3F9A];
	s0 =	simm.s32 @p1 $0x1  }
0x15: {  	[smem:$0x3FB7] =	sst s0;
	s0 =	simm.s32 @!p2 $0x0  }
0x16: {  	s3 =	sld [smem:$0x3FDB];
	s0 =	simm.s32 @p2 $0x1  }
0x17: {  	s4 =	simm.s32 $0x1BF5;
	[smem:$0x3FB9] =	sst s0  }
0x18: {  	s0 =	sld [smem:$0x3F9C];
	_ =	swait.ge [sflag:s4], $0x0  }
0x19: {  	s7 =	sld [smem:$0x3F9D]  }
0x1a: {  	s8 =	sadd.s32 $0xFFFFE003, lr  }
0x1b: {  	s9 =	sadd.s32 $0xFFFFFEF7, lr;
	s5 =	simm.s32 $0xFFFFFFFF;
	p2 =	slt.u32 s8, $0xFFFFF086  }
0x1c: {  	p1 =	slt.u32 s9, $0xF7A;
	s5 =	simm.s32 @!p2 $0x0  }
0x1d: {  	s5 =	simm.s32 @p1 $0x1;
	p0 =	seq.s32 s7, s2  }
0x1e: {  	s7 =	smul.u32 @!p0 $0xF7A, s2;
	p2 =	seq.s32 @!p0 s5, $0x0  }
0x1f: {  	s9 =	smul.u32 $0xF7A, s1;
	s8 =	simm.s32 @!p0 $0x1BF5;
	p2 =	por !p2, p0  }
0x20: {  	[sflag:s8] =	ssyncset.s32 @!p0 $0xFFFFF086;
	s6 =	sadd.s32 @!p0 s3, s7;
	s7 =	simm.s32 @!p0 $0x108  }
0x21: {  	s3 =	sadd.s32 s3, s9;
	s6 =	sadd.s32 @!p0 $0x88, s6;
	s7 =	simm.s32 @p2 $0x1082  }
0x22: {  	[simem:s7], [sflag:s8] =	dma.local @!p0 [hbm:s6], $0xF7A  }
0x23: {  	s9 =	sor.u32 $0xD0000000, s2;
	s6 =	simm.s32 $0x108;
	_ =	swait.ge @!p0 [sflag:s8], $0x0  }
0x24: {  	s3 =	sadd.s32 $0x88, s3;
	s6 =	simm.s32 @!p1 $0x1082;
	[sflag:s4] =	ssyncset.s32 $0xFFFFF086  }
0x25: {  	[simem:s6], [sflag:s4] =	dma.local [hbm:s3], $0xF7A  }
0x26: {  	[smem:$0x3F9D] =	sst s1;
	(tag) =	ssettag s2;
	_ =	strace s9  }
0x27: {  	s1 =	sld [smem:$0x3FAD]  }
0x28: {  	s2 =	sld [smem:$0x3FAE]  }
0x29: {  	s4 =	sld [smem:$0x3FB0]  }
0x2a: {  	p0 =	seq.s32 s5, $0x0;
	s5 =	sld [smem:$0x3FB1]  }
0x2b: {  	s6 =	sld [smem:$0x3FB2]  }
0x2c: {  	s7 =	sld [smem:$0x3FB3]  }
0x2d: {  	s3 =	simm.s32 $0x108;
	s8 =	sld [smem:$0x3FB4]  }
0x2e: {  	s3 =	simm.s32 @!p0 $0x1082;
	s9 =	sld [smem:$0x3FB5]  }
0x2f: {  	lr =	sadd.s32 s0, s3;
	s0 =	sld [smem:$0x3FAC]  }
0x30: {  	s3 =	sld [smem:$0x3FAF]  }
0x31: {  	[smem:$0x3FB8] =	sst s10  }
0x32: {  	s10 =	sld [smem:$0x3FB6];
	_ =	sdelay $0x3  }
0x33: {  	p0 =	seq.s32 s10, $0x1;
	s10 =	sld [smem:$0x3FB8];
	_ =	sdelay $0x3  }
0x34: {  	[smem:$0x3FB8] =	sst s10  }
0x35: {  	s10 =	sld [smem:$0x3FB7];
	_ =	sdelay $0x3  }
0x36: {  	p1 =	seq.s32 s10, $0x1;
	s10 =	sld [smem:$0x3FB8];
	_ =	sdelay $0x3  }
0x37: {  	[smem:$0x3FB8] =	sst s10  }
0x38: {  	s10 =	sld [smem:$0x3FB9]  }
0x39: {  	_ = 	snop;
	(pc) =	sbr.ind lr, $3  }
0x3a: {  	_ = 	snop  }
0x3b: {  	_ = 	snop  }
0x3c: {  	p2 =	seq.s32 s10, $0x1;
	s10 =	sld [smem:$0x3FB8]  }
0x3d: {  	_ =	shalt  }
0x3e: {  	_ =	shalt  }
0x3f: {  	_ =	shalt  }
0x40: {  	_ =	shalt  }
0x41: {  	_ =	shalt  }
0x42: {  	_ =	shalt  }
0x43: {  	_ =	shalt  }
0x44: {  	_ =	shalt  }
0x45: {  	_ =	shalt  }
0x46: {  	_ =	shalt  }
0x47: {  	_ =	shalt  }
0x48: {  	_ =	shalt  }
0x49: {  	_ =	shalt  }
0x4a: {  	_ =	shalt  }
0x4b: {  	_ =	shalt  }
0x4c: {  	_ =	shalt  }
0x4d: {  	_ =	shalt  }
0x4e: {  	_ =	shalt  }
0x4f: {  	_ =	shalt  }
0x50: {  	_ =	shalt  }
0x51: {  	_ =	shalt  }
0x52: {  	_ =	shalt  }
0x53: {  	_ =	shalt  }
0x54: {  	_ =	shalt  }
0x55: {  	_ =	shalt  }
0x56: {  	_ =	shalt  }
0x57: {  	_ =	shalt  }
0x58: {  	_ =	shalt  }
0x59: {  	_ =	shalt  }
0x5a: {  	_ =	shalt  }
0x5b: {  	_ =	shalt  }
0x5c: {  	_ =	shalt  }
0x5d: {  	_ =	shalt  }
0x5e: {  	_ =	shalt  }
0x5f: {  	_ =	shalt  }
0x60: {  	_ =	shalt  }
0x61: {  	_ =	shalt  }
0x62: {  	_ =	shalt  }
0x63: {  	_ =	shalt  }
0x64: {  	_ =	shalt  }
0x65: {  	_ =	shalt  }
0x66: {  	_ =	shalt  }
0x67: {  	_ =	shalt  }
0x68: {  	_ =	shalt  }
0x69: {  	_ =	shalt  }
0x6a: {  	_ =	shalt  }
0x6b: {  	_ =	shalt  }
0x6c: {  	_ =	shalt  }
0x6d: {  	_ =	shalt  }
0x6e: {  	_ =	shalt  }
0x6f: {  	_ =	shalt  }
0x70: {  	_ =	shalt  }
0x71: {  	_ =	shalt  }
0x72: {  	_ =	shalt  }
0x73: {  	_ =	shalt  }
0x74: {  	_ =	shalt  }
0x75: {  	_ =	shalt  }
0x76: {  	_ =	shalt  }
0x77: {  	_ =	shalt  }
0x78: {  	_ =	shalt  }
0x79: {  	_ =	shalt  }
0x7a: {  	_ =	shalt  }
0x7b: {  	_ =	shalt  }
0x7c: {  	_ =	shalt  }
0x7d: {  	_ =	shalt  }
0x7e: {  	_ =	shalt  }
0x7f: {  	_ =	shalt  }
0x80: {  	_ =	shalt  }
0x81: {  	_ =	shalt  }
0x82: {  	_ =	shalt  }
0x83: {  	_ =	shalt  }
0x84: {  	_ =	shalt  }
0x85: {  	_ =	shalt  }
0x86: {  	_ =	shalt  }
0x87: {  	_ =	shalt  }
.Lfunc_end0:
.L_simem_size_0:
called_computation_lowered:
.L_overlay_start_0:
0x88: {  	s2 =	sld [smem:$0x3FD9]  }
0x89: {  	s3 =	sld [smem:$0x3FFE];
	_ =	sdelay $0x1  }
0x8a: {  	s1 =	srdreg.scid  }
0x8b: {  	s0 =	sand.u32 $0x1, s1  }
0x8c: {  	s17 =	sshll.u32 s0, $0xA;
	s2 =	sadd.s32 s3, s2  }
0x8d: {  	s2 =	sadd.s32 s2, s17  }
0x8e: {  	[smem:$0x3FC4] =	sst s2  }
0x8f: {  	_ = 	snop  }
0x90: {  	s2 =	sld [smem:$0x3FD0];
	(tm) =	ssettm $0x1  }
0x91: {  	s18 =	sld [smem:$0x3FFB];
	_ =	sdelay $0x3  }
0x92: {  	_ =	strace s18  }
0x93: {  	s3 =	sld [smem:$0x3FFC];
	_ =	sdelay $0x3  }
0x94: {  	_ =	strace s3  }
0x95: {  	s3 =	sld [smem:$0x3FFD];
	_ =	sdelay $0x3  }
0x96: {  	_ =	strace s3  }
0x97: {  	_ =	strace $0x8FFFFFFF  }
0x98: {  	s19 =	sld [smem:$0x3FDB];
	_ =	sdelay $0x1  }
0x99: {  	s4 =	simm.s32 $_scs_section_size  }
0x9a: {  	s5 =	simm.s32 $_size__tile_overlayer_lowered;
	s6 =	simm.s32 $_tile_overlayer_lowered  }
0x9b: {  	s22 =	simm.s32 $0x1BFF;
	s21 =	sshll.u32 s6, $0x1;
	s3 =	sadd.s32 s4, s19  }
0x9c: {  	s7 =	simm.s32 $0x0;
	s20 =	sshll.u32 s5, $0x1;
	s5 =	sadd.s32 s21, s3  }
0x9d: {  	[timem:s7], [sflag:s22] =	dma.local [hbm:s5], s20  }
0x9e: {  	_ =	swait.ge [sflag:s22], s20  }
0x9f: {  	s4 =	ssub.s32 $0x0, s20;
	[sflag:s22] =	ssyncset.done $0x0  }
0xa0: {  	[sflag:s22] =	ssyncadd.s32 s4;
	_ =	sdelay $0x1  }
0xa1: {  	s23 =	simm.s32 $0x1B8B  }
0xa2: {  	_ =	swait.ge [sflag:s23], $0x1  }
0xa3: {  	[sflag:s23] =	ssyncset.done $0x0  }
0xa4: {  	s25 =	simm.s32 $0x1B8E;
	s24 =	sld [smem:$0x3FFE];
	[sflag:s23] =	ssyncadd.s32 $0xFFFFFFFF  }
0xa5: {  	s26 =	simm.s32 $execute0_lowered;
	[smem:$0x3FD2] =	sst s25  }
0xa6: {  	s5 =	sshll.u32 s26, $0x1;
	_ =	strace $0x80000046;
	[dreg:$0x1] =	wrdreg $0xFFFFFFFF  }
0xa7: {  	s28 =	simm.s32 $_size_execute0_lowered;
	s3 =	sadd.s32 s3, s5;
	[dreg:$0x0] =	wrdreg $0x0  }
0xa8: {  	s5 =	sshll.u32 s28, $0x1;
	[dreg:$0x2] =	wrdreg s3  }
0xa9: {  	[dreg:$0x3] =	wrdreg s5  }
0xaa: {  	[dreg:$0x4] =	wrdreg $0xC0  }
0xab: {  	_ =	task [dreg:s7], $0x5FFFF  }
0xac: {  	[dreg:$0x1] =	wrdreg $0xFFFFFFFF  }
0xad: {  	[dreg:$0x0] =	wrdreg $0x60  }
0xae: {  	[dreg:$0x2] =	wrdreg s2  }
0xaf: {  	[dreg:$0x3] =	wrdreg s24  }
0xb0: {  	[dreg:$0x4] =	wrdreg $0x88000  }
0xb1: {  	[dreg:$0x5] =	wrdreg $0x9  }
0xb2: {  	_ =	task.clear_ibuf [dreg:s7], $0x6FFFF;
	_ =	strace $0x90000046  }
0xb3: {  	s29 =	simm.s32 $0x9;
	_ =	strace $0x80000048  }
0xb4: {  	_ =	swait.ge [sflag:s29], $0x1  }
0xb5: {  	[sflag:s29] =	ssyncadd.s32 $0xFFFFFFFF  }
0xb6: {  	_ =	strace $0x90000048  }
0xb7: {  	_ =	sfence  }
0xb8: {  	s30 =	sld [smem:$0x0];
	_ =	sdelay $0x2  }
0xb9: {  	s31 =	sshll.u32 s1, $0xD;
	s1 =	sshrl.u32 s1, $0x2  }
0xba: {  	s3 =	sand.u32 $0x4000, s31;
	s1 =	sadd.s32 s1, s30  }
0xbb: {  	s0 =	sor.u32 s3, s0;
	s1 =	sshll.u32 s1, $0x11  }
0xbc: {  	s0 =	sor.u32 s1, s0  }
0xbd: {  	s0 =	sadd.s32 $0x8F2B, s0  }
0xbe: {  	[sflag:s0] =	ssyncadd.remote.s32 $0x1  }
0xbf: {  	_ =	sfence.sel $0xFFFF  }
0xc0: {  	[dreg:$0x0] =	wrdreg $0xFFFFFFFF;
	(pc) =	sbr.abs _section_cstart, $3  }
0xc1: {  	[dreg:$0x1] =	wrdreg $0xFFFFFFFF  }
0xc2: {  	_ =	task.clear_ibuf [dreg:s7], $0x2FFFF;
	_ =	strace $0x9FFFFFFF  }
0xc3: {  	(tm) =	ssettm $0x7FFFFFFF  }
tec
execute0_lowered:
.L_overlay_start_1:
0x0: {  	(tag) =	ssettag $0x1  }
0x1: {  	s0 =	srdreg.scid  }
0x2: {  	s3 =	stileid.u32;
	s5 =	rddreg [dreg:$0x1]  }
0x3: {  	s28 =	simm.s32 $0x7;
	s29 =	simm.s32 $0x8;
	s2 =	sand.u32 $0x1, s0  }
0x4: {  	s30 =	simm.s32 $0x7800;
	s0 =	rddreg [dreg:$0x0];
	s1 =	sshll.u32 s2, $0x4  }
0x5: {  	s6 =	sadd.s32 $0x32C00, s5;
	s13 =	smul.u32 $0xC800, s3;
	s4 =	sor.u32 s3, s1  }
0x6: {  	s8 =	sadd.s32 $0xC00, s5;
	s5 =	sadd.s32 $0x64C00, s5;
	s4 =	smul.u32 $0xC800, s4  }
0x7: {  	p0 =	sne.s32 s3, $0x0;
	s7 =	ssub.s32 $0x2, s2;
	s12 =	smul.u32 $0x138800, s2  }
0x8: {  	s2 =	smul.u32 $0xC8000, s2;
	s1 =	simm.s32 $0x0;
	s4 =	sshrl.u32 s4, $0x3  }
0x9: {  	s9 =	sshrl.u32 s7, $0x1;
	[smem:$0x7FF] =	sst s1;
	s10 =	sadd.s32 s6, s4  }
0xa: {  	s15 =	sor.u32 $0x10, s4;
	s16 =	sadd.s32 s8, s4;
	[dreg:$0x4] =	wrdreg s10  }
0xb: {  	s7 =	ssub.s32 s7, s9;
	[dreg:$0x5] =	wrdreg s16;
	s17 =	sadd.s32 s6, s15  }
0xc: {  	s18 =	sor.u32 $0x20, s4;
	s9 =	sadd.s32 s8, s15;
	[dreg:$0x6] =	wrdreg s17  }
0xd: {  	s19 =	sor.u32 $0x30, s4;
	s11 =	sadd.s32 s6, s18;
	[dreg:$0x7] =	wrdreg s9  }
0xe: {  	s2 =	sadd.s32 s13, s2;
	s20 =	sadd.s32 s6, s19;
	[dreg:$0x8] =	wrdreg s11  }
0xf: {  	s22 =	sor.u32 $0x40, s4;
	s21 =	sadd.s32 s8, s19;
	[dreg:$0xa] =	wrdreg s20  }
0x10: {  	s24 =	sor.u32 $0x50, s4;
	s23 =	sadd.s32 s6, s22;
	[dreg:$0xb] =	wrdreg s21  }
0x11: {  	s13 =	simm.s32 $0xF;
	s25 =	sadd.s32 s6, s24;
	[dreg:$0xc] =	wrdreg s23  }
0x12: {  	s31 =	sor.u32 $0x60, s4;
	s26 =	sadd.s32 s8, s24;
	[dreg:$0xe] =	wrdreg s25  }
0x13: {  	s4 =	sor.u32 $0x70, s4;
	s15 =	sadd.s32 s6, s31;
	[dreg:$0xf] =	wrdreg s26  }
0x14: {  	s2 =	sor.u32 $0x400, s2;
	s16 =	sadd.s32 s6, s4;
	[dreg:$0x11] =	wrdreg s15  }
0x15: {  	s2 =	sshrl.u32 s2, $0x3;
	s4 =	sadd.s32 s8, s4;
	[dreg:$0x13] =	wrdreg s16  }
0x16: {  	s10 =	smul.u32 $0x13800, s3;
	s9 =	sadd.s32 s8, s18;
	[dreg:$0x14] =	wrdreg s4  }
0x17: {  	s17 =	smul.u32 $0x4E000, s3;
	s20 =	rddreg [dreg:$0x2];
	s21 =	sadd.s32 s2, s6  }
0x18: {  	s3 =	sshll.u32 s3, $0x6;
	s25 =	smax.u32 s7, $0x1;
	s4 =	simm.s32 $0x9  }
0x19: {  	s7 =	simm.s32 $0xD;
	s16 =	simm.s32 $0x10;
	s15 =	simm.s32 $0x0  }
0x1a: {  	[dreg:$0x9] =	wrdreg s9;
	s9 =	sadd.s32 s8, s22;
	s14 =	sadd.s32 s10, s12  }
0x1b: {  	s12 =	sshrl.u32 s12, $0x3;
	s22 =	sadd.s32 s2, s8;
	s23 =	sshrl.u32 s10, $0x3  }
0x1c: {  	[dreg:$0xd] =	wrdreg s9;
	s11 =	sshrl.u32 s14, $0x3;
	s9 =	sadd.s32 s8, s31  }
0x1d: {  	s18 =	sshrl.u32 s17, $0x2;
	s11 =	sadd.s32 s5, s11;
	[dreg:$0x12] =	wrdreg s9  }
0x1e: {  	s2 =	sadd.s32 s0, s23;
	s19 =	sadd.s32 s18, s20;
	[dreg:$0x10] =	wrdreg s11  }
0x1f: {  	s5 =	sadd.s32 s5, s12;
	_ =	strace $0x80000047;
	[dreg:$0x15] =	wrdreg s19  }
0x20: {  	s6 =	sor.u32 $0x1C11, s3;
	s24 =	sadd.s32 $0x27000, s5;
	[dreg:$0x16] =	wrdreg s2  }
.Ltmp0:
0x21: {  	s26 =	sadd.s32 $0x138000, s20;
	[dreg:$0x18] =	wrdreg s24;
	(pc) =	sbr.rel .LBB2_1-.Ltmp0, $4  }
0x22: {  	s10 =	simm.s32 $0x380;
	s31 =	sadd.s32 $0x27000, s0;
	[dreg:$0x19] =	wrdreg s25  }
0x23: {  	s14 =	simm.s32 $0x19;
	s9 =	simm.s32 $0x700;
	[dreg:$0x1a] =	wrdreg s26  }
0x24: {  	s12 =	simm.s32 $0x11;
	s11 =	simm.s32 $0x780;
	[dreg:$0x1b] =	wrdreg s31  }
0x25: {  	s5 =	simm.s32 $0xB;
	s2 =	simm.s32 $0x6800;
	[dreg:$0x17] =	wrdreg s6  }
.LBB2_4:
0x26: {  	_ =	swait.ge [sflag:s16], $0xC80  }
0x27: {  	[sflag:s16] =	ssyncset.done $0x0  }
0x28: {  	[sflag:s16] =	ssyncadd.s32 $0xFFFFF380  }
0x29: {  	[spmem:s20] =	stream.indirect.scatter.add.f32 [tilespmem:s30], [sflag:$0x11], $0x80, s11, s14, $0xb8;
	[tilespmem:$0x1C080] =	vst v63  }
0x2a: {  	_ =	swait.ge [sflag:s12], $0xC80  }
0x2b: {  	[sflag:s12] =	ssyncset.done $0x0  }
0x2c: {  	[sflag:s12] =	ssyncadd.s32 $0xFFFFF380  }
0x2d: {  	[bflag:$0x0] =	sbarrier.arrive $0xFFFF  }
0x2e: {  	s3 =	rddreg [dreg:$0x10]  }
0x2f: {  	s6 =	rddreg [dreg:$0x17]  }
0x30: {  	s8 =	rddreg [dreg:$0x1d]  }
0x31: {  	[hbm:s3], [sflag:s6] =	dma.local [spmem:s8], $0x2700  }
0x32: {  	_ =	swait.ge [sflag:s12], $0x2700  }
0x33: {  	[sflag:s12] =	ssyncset.done $0x0;
	s3 =	rddreg [dreg:$0x18]  }
0x34: {  	s8 =	rddreg [dreg:$0x1e];
	[sflag:s12] =	ssyncadd.s32 $0xFFFFD900  }
0x35: {  	[hbm:s3], [sflag:s6] =	dma.local @!p0 [spmem:s8], $0x100  }
0x36: {  	s3 =	simm.s32 @!p0 $0x11  }
0x37: {  	_ =	swait.ge @!p0 [sflag:s3], $0x100  }
0x38: {  	s15 =	rddreg [dreg:$0x1c]  }
0x39: {  	s31 =	rddreg [dreg:$0x19];
	s15 =	sadd.s32 $0x1, s15  }
0x3a: {  	p1 =	sne.s32 s15, s31  }
.Ltmp1:
0x3b: {  	_ = 	snop;
	(pc) =	sbr.rel @!p1 .LBB2_5-.Ltmp1, $3  }
0x3c: {  	_ =	sdelay $0x1  }
0x3d: {  	[sflag:s3] =	ssyncset.done @!p0 $0x0  }
0x3e: {  	[sflag:s3] =	ssyncadd.s32 @!p0 $0xFFFFFF00  }
.LBB2_1:
0x3f: {  	[dreg:$0x1c] =	wrdreg s15  }
0x40: {  	s3 =	rddreg [dreg:$0x4]  }
0x41: {  	s17 =	rddreg [dreg:$0x5]  }
0x42: {  	s18 =	rddreg [dreg:$0x6]  }
0x43: {  	[tilespmem:s1], [sflag:$0x1] =	stream.linear.gather [hbm4b:s3+s1], $0x80, $0x38;
	[tilespmem:$0x1C080] =	vst v63  }
0x44: {  	s8 =	simm.s32 $0x400;
	s19 =	rddreg [dreg:$0x7]  }
0x45: {  	[tilespmem:s8], [sflag:$0x1] =	stream.linear.gather [hbm4b:s17+s1], $0x80, $0x38;
	[tilespmem:$0x1C080] =	vst v63  }
0x46: {  	s24 =	rddreg [dreg:$0x8];
	s8 =	simm.s32 $0x80  }
0x47: {  	[tilespmem:s8], [sflag:$0x2] =	stream.linear.gather [hbm4b:s18+s1], $0x80, $0x38;
	[tilespmem:$0x1C080] =	vst v63  }
0x48: {  	s23 =	simm.s32 $0x480;
	s25 =	rddreg [dreg:$0x9]  }
0x49: {  	[tilespmem:s23], [sflag:$0x2] =	stream.linear.gather [hbm4b:s19+s1], $0x80, $0x38;
	[tilespmem:$0x1C080] =	vst v63  }
0x4a: {  	s15 =	simm.s32 $0x100;
	s26 =	rddreg [dreg:$0xa]  }
0x4b: {  	[tilespmem:s15], [sflag:$0x3] =	stream.linear.gather [hbm4b:s24+s1], $0x80, $0x38;
	[tilespmem:$0x1C080] =	vst v63  }
0x4c: {  	s31 =	rddreg [dreg:$0xb];
	s17 =	simm.s32 $0x500  }
0x4d: {  	[tilespmem:s17], [sflag:$0x3] =	stream.linear.gather [hbm4b:s25+s1], $0x80, $0x38;
	[tilespmem:$0x1C080] =	vst v63  }
0x4e: {  	s19 =	rddreg [dreg:$0xc];
	s17 =	simm.s32 $0x180  }
0x4f: {  	[tilespmem:s17], [sflag:$0x4] =	stream.linear.gather [hbm4b:s26+s1], $0x80, $0x38;
	[tilespmem:$0x1C080] =	vst v63  }
0x50: {  	s18 =	simm.s32 $0x580;
	s23 =	rddreg [dreg:$0xd]  }
0x51: {  	[tilespmem:s18], [sflag:$0x4] =	stream.linear.gather [hbm4b:s31+s1], $0x80, $0x38;
	[tilespmem:$0x1C080] =	vst v63  }
0x52: {  	s24 =	rddreg [dreg:$0xe];
	s18 =	simm.s32 $0x200  }
0x53: {  	[tilespmem:s18], [sflag:$0x5] =	stream.linear.gather [hbm4b:s19+s1], $0x80, $0x38;
	[tilespmem:$0x1C080] =	vst v63  }
0x54: {  	s25 =	rddreg [dreg:$0xf];
	s19 =	simm.s32 $0x600  }
0x55: {  	[tilespmem:s19], [sflag:$0x5] =	stream.linear.gather [hbm4b:s23+s1], $0x80, $0x38;
	[tilespmem:$0x1C080] =	vst v63  }
0x56: {  	s26 =	rddreg [dreg:$0x11];
	s19 =	simm.s32 $0x280  }
0x57: {  	[tilespmem:s19], [sflag:$0x6] =	stream.linear.gather [hbm4b:s24+s1], $0x80, $0x38;
	[tilespmem:$0x1C080] =	vst v63  }
0x58: {  	s31 =	rddreg [dreg:$0x12];
	s23 =	simm.s32 $0x680  }
0x59: {  	[tilespmem:s23], [sflag:$0x6] =	stream.linear.gather [hbm4b:s25+s1], $0x80, $0x38;
	[tilespmem:$0x1C080] =	vst v63  }
0x5a: {  	s24 =	rddreg [dreg:$0x13];
	s23 =	simm.s32 $0x300  }
0x5b: {  	[tilespmem:s23], [sflag:$0x7] =	stream.linear.gather [hbm4b:s26+s1], $0x80, $0x38;
	[tilespmem:$0x1C080] =	vst v63  }
0x5c: {  	s25 =	rddreg [dreg:$0x14]  }
0x5d: {  	[tilespmem:s9], [sflag:$0x7] =	stream.linear.gather [hbm4b:s31+s1], $0x80, $0x38;
	[tilespmem:$0x1C080] =	vst v63  }
0x5e: {  	s26 =	rddreg [dreg:$0x15]  }
0x5f: {  	[tilespmem:s10], [sflag:$0x8] =	stream.linear.gather [hbm4b:s24+s1], $0x80, $0x38;
	[tilespmem:$0x1C080] =	vst v63  }
0x60: {  	s31 =	rddreg [dreg:$0x16];
	s24 =	sshrl.u32 s26, $0x3  }
0x61: {  	[dreg:$0x1d] =	wrdreg s24  }
0x62: {  	[tilespmem:s11], [sflag:$0x8] =	stream.linear.gather [hbm4b:s25+s1], $0x80, $0x38;
	[tilespmem:$0x1C080] =	vst v63  }
0x63: {  	[spmem:s24], [sflag:s6] =	dma.local [hbm:s31], $0x2700  }
0x64: {  	_ =	swait.ge [sflag:s12], $0x2700  }
0x65: {  	s3 =	rddreg [dreg:$0x1a]  }
0x66: {  	[sflag:s12] =	ssyncset.done $0x0;
	s24 =	sshrl.u32 @!p0 s3, $0x3;
	s3 =	rddreg [dreg:$0x1b]  }
0x67: {  	[sflag:s12] =	ssyncadd.s32 $0xFFFFD900;
	[dreg:$0x1e] =	wrdreg s24  }
0x68: {  	[spmem:s24], [sflag:s6] =	dma.local @!p0 [hbm:s3], $0x100  }
0x69: {  	s3 =	simm.s32 @!p0 $0x11  }
0x6a: {  	_ =	swait.ge @!p0 [sflag:s3], $0x100  }
0x6b: {  	[sflag:s3] =	ssyncset.done @!p0 $0x0  }
0x6c: {  	[sflag:s3] =	ssyncadd.s32 @!p0 $0xFFFFFF00  }
0x6d: {  	s6 =	simm.s32 $0x1;
	[bflag:$0x0] =	sbarrier.arrive $0xFFFF  }
0x6e: {  	_ =	swait.ge [sflag:s6], $0x80  }
0x6f: {  	[sflag:s6] =	ssyncset.done $0x0  }
0x70: {  	[sflag:s6] =	ssyncadd.s32 $0xFFFFFF80  }
0x71: {  	_ =	swait.ge [sflag:s6], $0x80  }
0x72: {  	[sflag:s6] =	ssyncset.done $0x0  }
0x73: {  	s25 =	simm.s32 $0x2;
	s24 =	simm.s32 $0x800;
	[sflag:s6] =	ssyncadd.s32 $0xFFFFFF80  }
0x74: {  	[tilespmem:s24], [sflag:$0x9] =	stream.indirect.gather [hbm4b:s0+s14], $0x80, s1, s14, $0xb8;
	[tilespmem:$0x1C080] =	vst v63  }
0x75: {  	_ =	swait.ge [sflag:s25], $0x80  }
0x76: {  	[sflag:s25] =	ssyncset.done $0x0  }
0x77: {  	[sflag:s25] =	ssyncadd.s32 $0xFFFFFF80  }
0x78: {  	_ =	swait.ge [sflag:s25], $0x80  }
0x79: {  	[sflag:s25] =	ssyncset.done $0x0  }
0x7a: {  	s26 =	simm.s32 $0x1800;
	s31 =	simm.s32 $0x3;
	[sflag:s25] =	ssyncadd.s32 $0xFFFFFF80  }
0x7b: {  	[tilespmem:s26], [sflag:$0xA] =	stream.indirect.gather [hbm4b:s0+s14], $0x80, s8, s14, $0xb8;
	[tilespmem:$0x1C080] =	vst v63  }
0x7c: {  	_ =	swait.ge [sflag:s31], $0x80  }
0x7d: {  	[sflag:s31] =	ssyncset.done $0x0  }
0x7e: {  	[sflag:s31] =	ssyncadd.s32 $0xFFFFFF80  }
0x7f: {  	_ =	swait.ge [sflag:s31], $0x80  }
0x80: {  	[sflag:s31] =	ssyncset.done $0x0  }
0x81: {  	s6 =	simm.s32 $0x2800;
	s8 =	simm.s32 $0x4;
	[sflag:s31] =	ssyncadd.s32 $0xFFFFFF80  }
0x82: {  	[tilespmem:s6], [sflag:$0xB] =	stream.indirect.gather [hbm4b:s0+s14], $0x80, s15, s14, $0xb8;
	[tilespmem:$0x1C080] =	vst v63  }
0x83: {  	_ =	swait.ge [sflag:s8], $0x80  }
0x84: {  	[sflag:s8] =	ssyncset.done $0x0  }
0x85: {  	[sflag:s8] =	ssyncadd.s32 $0xFFFFFF80  }
0x86: {  	_ =	swait.ge [sflag:s8], $0x80  }
0x87: {  	[sflag:s8] =	ssyncset.done $0x0  }
0x88: {  	s24 =	simm.s32 $0x5;
	s15 =	simm.s32 $0x3800;
	[sflag:s8] =	ssyncadd.s32 $0xFFFFFF80  }
0x89: {  	[tilespmem:s15], [sflag:$0xC] =	stream.indirect.gather [hbm4b:s0+s14], $0x80, s17, s14, $0xb8;
	[tilespmem:$0x1C080] =	vst v63  }
0x8a: {  	_ =	swait.ge [sflag:s24], $0x80  }
0x8b: {  	[sflag:s24] =	ssyncset.done $0x0  }
0x8c: {  	[sflag:s24] =	ssyncadd.s32 $0xFFFFFF80  }
0x8d: {  	_ =	swait.ge [sflag:s24], $0x80  }
0x8e: {  	[sflag:s24] =	ssyncset.done $0x0  }
0x8f: {  	s25 =	simm.s32 $0x4800;
	s26 =	simm.s32 $0x6;
	[sflag:s24] =	ssyncadd.s32 $0xFFFFFF80  }
0x90: {  	[tilespmem:s25], [sflag:$0xD] =	stream.indirect.gather [hbm4b:s0+s14], $0x80, s18, s14, $0xb8;
	[tilespmem:$0x1C080] =	vst v63  }
0x91: {  	_ =	swait.ge [sflag:s26], $0x80  }
0x92: {  	[sflag:s26] =	ssyncset.done $0x0  }
0x93: {  	[sflag:s26] =	ssyncadd.s32 $0xFFFFFF80  }
0x94: {  	_ =	swait.ge [sflag:s26], $0x80  }
0x95: {  	[sflag:s26] =	ssyncset.done $0x0  }
0x96: {  	s31 =	simm.s32 $0x5800;
	[sflag:s26] =	ssyncadd.s32 $0xFFFFFF80  }
0x97: {  	[tilespmem:s31], [sflag:$0xE] =	stream.indirect.gather [hbm4b:s0+s14], $0x80, s19, s14, $0xb8;
	[tilespmem:$0x1C080] =	vst v63  }
0x98: {  	_ =	swait.ge [sflag:s28], $0x80  }
0x99: {  	[sflag:s28] =	ssyncset.done $0x0  }
0x9a: {  	[sflag:s28] =	ssyncadd.s32 $0xFFFFFF80  }
0x9b: {  	_ =	swait.ge [sflag:s28], $0x80  }
0x9c: {  	[sflag:s28] =	ssyncset.done $0x0  }
0x9d: {  	[sflag:s28] =	ssyncadd.s32 $0xFFFFFF80  }
0x9e: {  	[tilespmem:s2], [sflag:$0xF] =	stream.indirect.gather [hbm4b:s0+s14], $0x80, s23, s14, $0xb8;
	[tilespmem:$0x1C080] =	vst v63  }
0x9f: {  	_ =	swait.ge [sflag:s29], $0x80  }
0xa0: {  	[sflag:s29] =	ssyncset.done $0x0  }
0xa1: {  	[sflag:s29] =	ssyncadd.s32 $0xFFFFFF80  }
0xa2: {  	_ =	swait.ge [sflag:s29], $0x80  }
0xa3: {  	[sflag:s29] =	ssyncset.done $0x0  }
0xa4: {  	s26 =	simm.s32 $0x0;
	[sflag:s29] =	ssyncadd.s32 $0xFFFFFF80  }
0xa5: {  	[tilespmem:s30], [sflag:$0x10] =	stream.indirect.gather [hbm4b:s0+s14], $0x80, s10, s14, $0xb8;
	[tilespmem:$0x1C080] =	vst v63  }
.LBB2_2:
0xa6: {  	_ =	swait.ge [sflag:s4], $0xC80  }
0xa7: {  	[sflag:s4] =	ssyncset.done $0x0  }
0xa8: {  	s3 =	simm.s32 $0x400;
	s6 =	simm.s32 $0x800;
	[sflag:s4] =	ssyncadd.s32 $0xFFFFF380  }
0xa9: {  	[spmem:s20] =	stream.indirect.scatter.add.f32 [tilespmem:s6], [sflag:$0x11], $0x80, s3, s14, $0xb8;
	[tilespmem:$0x1C080] =	vst v63  }
0xaa: {  	_ =	swait.ge [sflag:s12], $0xC80  }
0xab: {  	p1 =	seq.s32 s26, $0x1880;
	[sflag:s12] =	ssyncset.done $0x0  }
0xac: {  	s3 =	simm.s32 @p1 $0xA;
	[sflag:s12] =	ssyncadd.s32 $0xFFFFF380  }
0xad: {  	_ =	swait.ge @p1 [sflag:s3], $0xC80  }
0xae: {  	s31 =	simm.s32 @p1 $0x19;
	[sflag:s3] =	ssyncset.done @p1 $0x0  }
0xaf: {  	s6 =	simm.s32 @p1 $0x1800;
	[sflag:s3] =	ssyncadd.s32 @p1 $0xFFFFF380;
	s3 =	simm.s32 @p1 $0x480  }
0xb0: {  	[spmem:s20] =	stream.indirect.scatter.add.f32 @p1 [tilespmem:s6], [sflag:$0x11], $0x80, s3, s31, $0xb8;
	[tilespmem:$0x1C080] =	vst v63  }
0xb1: {  	s3 =	simm.s32 @p1 $0x11  }
0xb2: {  	_ =	swait.ge @p1 [sflag:s3], $0xC80  }
0xb3: {  	[sflag:s3] =	ssyncset.done @p1 $0x0  }
0xb4: {  	s24 =	sadd.s32 @!p1 s26, s21;
	s23 =	simm.s32 @!p1 $0x0;
	[sflag:s3] =	ssyncadd.s32 @p1 $0xFFFFF380  }
0xb5: {  	[tilespmem:s23], [sflag:$0x1] =	stream.linear.gather @!p1 [hbm4b:s24+s23], $0x80, $0x38;
	[tilespmem:$0x1C080] =	vst v63  }
0xb6: {  	s25 =	sadd.s32 @!p1 s26, s22;
	s6 =	simm.s32 @!p1 $0x400  }
0xb7: {  	[tilespmem:s6], [sflag:$0x1] =	stream.linear.gather @!p1 [hbm4b:s25+s23], $0x80, $0x38;
	[tilespmem:$0x1C080] =	vst v63  }
0xb8: {  	s6 =	simm.s32 @!p1 $0x1  }
0xb9: {  	_ =	swait.ge @!p1 [sflag:s6], $0x80  }
0xba: {  	[sflag:s6] =	ssyncset.done @!p1 $0x0  }
0xbb: {  	[sflag:s6] =	ssyncadd.s32 @!p1 $0xFFFFFF80  }
0xbc: {  	_ =	swait.ge @!p1 [sflag:s6], $0x80  }
0xbd: {  	[sflag:s6] =	ssyncset.done @!p1 $0x0  }
0xbe: {  	s17 =	simm.s32 @!p1 $0x19;
	[sflag:s6] =	ssyncadd.s32 @!p1 $0xFFFFFF80;
	s6 =	simm.s32 @!p1 $0x800  }
0xbf: {  	[tilespmem:s6], [sflag:$0x9] =	stream.indirect.gather @!p1 [hbm4b:s0+s17], $0x80, s23, s17, $0xb8;
	[tilespmem:$0x1C080] =	vst v63  }
0xc0: {  	s6 =	simm.s32 @!p1 $0xA  }
0xc1: {  	_ =	swait.ge @!p1 [sflag:s6], $0xC80  }
0xc2: {  	s15 =	simm.s32 @!p1 $0x480;
	[sflag:s6] =	ssyncset.done @!p1 $0x0  }
0xc3: {  	s19 =	simm.s32 @!p1 $0x1800;
	[sflag:s6] =	ssyncadd.s32 @!p1 $0xFFFFF380;
	s6 =	simm.s32 @!p1 $0x11  }
0xc4: {  	[spmem:s20] =	stream.indirect.scatter.add.f32 @!p1 [tilespmem:s19], [sflag:$0x11], $0x80, s15, s17, $0xb8;
	[tilespmem:$0x1C080] =	vst v63  }
0xc5: {  	_ =	swait.ge @!p1 [sflag:s6], $0xC80  }
0xc6: {  	[sflag:s6] =	ssyncset.done @!p1 $0x0  }
0xc7: {  	s8 =	simm.s32 @!p1 $0x80;
	s18 =	sadd.s32 @!p1 $0x10, s24;
	[sflag:s6] =	ssyncadd.s32 @!p1 $0xFFFFF380  }
0xc8: {  	[tilespmem:s8], [sflag:$0x2] =	stream.linear.gather @!p1 [hbm4b:s18+s23], $0x80, $0x38;
	[tilespmem:$0x1C080] =	vst v63  }
0xc9: {  	s18 =	sadd.s32 @!p1 $0x10, s25  }
0xca: {  	[tilespmem:s15], [sflag:$0x2] =	stream.linear.gather @!p1 [hbm4b:s18+s23], $0x80, $0x38;
	[tilespmem:$0x1C080] =	vst v63  }
0xcb: {  	s15 =	simm.s32 @!p1 $0x2  }
0xcc: {  	_ =	swait.ge @!p1 [sflag:s15], $0x80  }
0xcd: {  	[sflag:s15] =	ssyncset.done @!p1 $0x0  }
0xce: {  	[sflag:s15] =	ssyncadd.s32 @!p1 $0xFFFFFF80  }
0xcf: {  	_ =	swait.ge @!p1 [sflag:s15], $0x80  }
0xd0: {  	[sflag:s15] =	ssyncset.done @!p1 $0x0  }
0xd1: {  	[sflag:s15] =	ssyncadd.s32 @!p1 $0xFFFFFF80  }
0xd2: {  	[tilespmem:s19], [sflag:$0xA] =	stream.indirect.gather @!p1 [hbm4b:s0+s17], $0x80, s8, s17, $0xb8;
	[tilespmem:$0x1C080] =	vst v63  }
0xd3: {  	_ =	swait.ge [sflag:s5], $0xC80  }
0xd4: {  	[sflag:s5] =	ssyncset.done $0x0  }
0xd5: {  	s18 =	simm.s32 $0x500;
	s19 =	simm.s32 $0x2800;
	[sflag:s5] =	ssyncadd.s32 $0xFFFFF380  }
0xd6: {  	[spmem:s20] =	stream.indirect.scatter.add.f32 [tilespmem:s19], [sflag:$0x11], $0x80, s18, s14, $0xb8;
	[tilespmem:$0x1C080] =	vst v63  }
0xd7: {  	_ =	swait.ge [sflag:s12], $0xC80  }
0xd8: {  	[sflag:s12] =	ssyncset.done $0x0  }
0xd9: {  	s8 =	simm.s32 @p1 $0xC;
	[sflag:s12] =	ssyncadd.s32 $0xFFFFF380  }
0xda: {  	_ =	swait.ge @p1 [sflag:s8], $0xC80  }
0xdb: {  	[sflag:s8] =	ssyncset.done @p1 $0x0  }
0xdc: {  	s15 =	simm.s32 @p1 $0x3800;
	[sflag:s8] =	ssyncadd.s32 @p1 $0xFFFFF380;
	s8 =	simm.s32 @p1 $0x580  }
0xdd: {  	[spmem:s20] =	stream.indirect.scatter.add.f32 @p1 [tilespmem:s15], [sflag:$0x11], $0x80, s8, s31, $0xb8;
	[tilespmem:$0x1C080] =	vst v63  }
0xde: {  	_ =	swait.ge @p1 [sflag:s3], $0xC80  }
0xdf: {  	[sflag:s3] =	ssyncset.done @p1 $0x0  }
0xe0: {  	s8 =	sadd.s32 @!p1 $0x20, s24;
	s15 =	simm.s32 @!p1 $0x100;
	[sflag:s3] =	ssyncadd.s32 @p1 $0xFFFFF380  }
0xe1: {  	[tilespmem:s15], [sflag:$0x3] =	stream.linear.gather @!p1 [hbm4b:s8+s23], $0x80, $0x38;
	[tilespmem:$0x1C080] =	vst v63  }
0xe2: {  	s18 =	simm.s32 @!p1 $0x500;
	s8 =	sadd.s32 @!p1 $0x20, s25  }
0xe3: {  	[tilespmem:s18], [sflag:$0x3] =	stream.linear.gather @!p1 [hbm4b:s8+s23], $0x80, $0x38;
	[tilespmem:$0x1C080] =	vst v63  }
0xe4: {  	s8 =	simm.s32 @!p1 $0x3  }
0xe5: {  	_ =	swait.ge @!p1 [sflag:s8], $0x80  }
0xe6: {  	[sflag:s8] =	ssyncset.done @!p1 $0x0  }
0xe7: {  	[sflag:s8] =	ssyncadd.s32 @!p1 $0xFFFFFF80  }
0xe8: {  	_ =	swait.ge @!p1 [sflag:s8], $0x80  }
0xe9: {  	[sflag:s8] =	ssyncset.done @!p1 $0x0  }
0xea: {  	[sflag:s8] =	ssyncadd.s32 @!p1 $0xFFFFFF80;
	s8 =	simm.s32 @!p1 $0x2800  }
0xeb: {  	[tilespmem:s8], [sflag:$0xB] =	stream.indirect.gather @!p1 [hbm4b:s0+s17], $0x80, s15, s17, $0xb8;
	[tilespmem:$0x1C080] =	vst v63  }
0xec: {  	s8 =	simm.s32 @!p1 $0xC  }
0xed: {  	_ =	swait.ge @!p1 [sflag:s8], $0xC80  }
0xee: {  	[sflag:s8] =	ssyncset.done @!p1 $0x0  }
0xef: {  	s15 =	simm.s32 @!p1 $0x3800;
	[sflag:s8] =	ssyncadd.s32 @!p1 $0xFFFFF380;
	s8 =	simm.s32 @!p1 $0x580  }
0xf0: {  	[spmem:s20] =	stream.indirect.scatter.add.f32 @!p1 [tilespmem:s15], [sflag:$0x11], $0x80, s8, s17, $0xb8;
	[tilespmem:$0x1C080] =	vst v63  }
0xf1: {  	_ =	swait.ge @!p1 [sflag:s6], $0xC80  }
0xf2: {  	[sflag:s6] =	ssyncset.done @!p1 $0x0  }
0xf3: {  	s19 =	simm.s32 @!p1 $0x180;
	s18 =	sadd.s32 @!p1 $0x30, s24;
	[sflag:s6] =	ssyncadd.s32 @!p1 $0xFFFFF380  }
0xf4: {  	[tilespmem:s19], [sflag:$0x4] =	stream.linear.gather @!p1 [hbm4b:s18+s23], $0x80, $0x38;
	[tilespmem:$0x1C080] =	vst v63  }
0xf5: {  	s18 =	sadd.s32 @!p1 $0x30, s25  }
0xf6: {  	[tilespmem:s8], [sflag:$0x4] =	stream.linear.gather @!p1 [hbm4b:s18+s23], $0x80, $0x38;
	[tilespmem:$0x1C080] =	vst v63  }
0xf7: {  	s8 =	simm.s32 @!p1 $0x4  }
0xf8: {  	_ =	swait.ge @!p1 [sflag:s8], $0x80  }
0xf9: {  	[sflag:s8] =	ssyncset.done @!p1 $0x0  }
0xfa: {  	[sflag:s8] =	ssyncadd.s32 @!p1 $0xFFFFFF80  }
0xfb: {  	_ =	swait.ge @!p1 [sflag:s8], $0x80  }
0xfc: {  	[sflag:s8] =	ssyncset.done @!p1 $0x0  }
0xfd: {  	[sflag:s8] =	ssyncadd.s32 @!p1 $0xFFFFFF80  }
0xfe: {  	[tilespmem:s15], [sflag:$0xC] =	stream.indirect.gather @!p1 [hbm4b:s0+s17], $0x80, s19, s17, $0xb8;
	[tilespmem:$0x1C080] =	vst v63  }
0xff: {  	_ =	swait.ge [sflag:s7], $0xC80  }
0x100: {  	[sflag:s7] =	ssyncset.done $0x0  }
0x101: {  	s18 =	simm.s32 $0x600;
	s19 =	simm.s32 $0x4800;
	[sflag:s7] =	ssyncadd.s32 $0xFFFFF380  }
0x102: {  	[spmem:s20] =	stream.indirect.scatter.add.f32 [tilespmem:s19], [sflag:$0x11], $0x80, s18, s14, $0xb8;
	[tilespmem:$0x1C080] =	vst v63  }
0x103: {  	_ =	swait.ge [sflag:s12], $0xC80  }
0x104: {  	[sflag:s12] =	ssyncset.done $0x0  }
0x105: {  	s8 =	simm.s32 @p1 $0xE;
	[sflag:s12] =	ssyncadd.s32 $0xFFFFF380  }
0x106: {  	_ =	swait.ge @p1 [sflag:s8], $0xC80  }
0x107: {  	[sflag:s8] =	ssyncset.done @p1 $0x0  }
0x108: {  	s15 =	simm.s32 @p1 $0x5800;
	[sflag:s8] =	ssyncadd.s32 @p1 $0xFFFFF380;
	s8 =	simm.s32 @p1 $0x680  }
0x109: {  	[spmem:s20] =	stream.indirect.scatter.add.f32 @p1 [tilespmem:s15], [sflag:$0x11], $0x80, s8, s31, $0xb8;
	[tilespmem:$0x1C080] =	vst v63  }
0x10a: {  	_ =	swait.ge @p1 [sflag:s3], $0xC80  }
0x10b: {  	[sflag:s3] =	ssyncset.done @p1 $0x0  }
0x10c: {  	s8 =	simm.s32 @!p1 $0x200;
	[sflag:s3] =	ssyncadd.s32 @p1 $0xFFFFF380;
	s3 =	sadd.s32 @!p1 $0x40, s24  }
0x10d: {  	[tilespmem:s8], [sflag:$0x5] =	stream.linear.gather @!p1 [hbm4b:s3+s23], $0x80, $0x38;
	[tilespmem:$0x1C080] =	vst v63  }
0x10e: {  	s15 =	simm.s32 @!p1 $0x600;
	s3 =	sadd.s32 @!p1 $0x40, s25  }
0x10f: {  	[tilespmem:s15], [sflag:$0x5] =	stream.linear.gather @!p1 [hbm4b:s3+s23], $0x80, $0x38;
	[tilespmem:$0x1C080] =	vst v63  }
0x110: {  	s3 =	simm.s32 @!p1 $0x5  }
0x111: {  	_ =	swait.ge @!p1 [sflag:s3], $0x80  }
0x112: {  	[sflag:s3] =	ssyncset.done @!p1 $0x0  }
0x113: {  	[sflag:s3] =	ssyncadd.s32 @!p1 $0xFFFFFF80  }
0x114: {  	_ =	swait.ge @!p1 [sflag:s3], $0x80  }
0x115: {  	[sflag:s3] =	ssyncset.done @!p1 $0x0  }
0x116: {  	[sflag:s3] =	ssyncadd.s32 @!p1 $0xFFFFFF80;
	s3 =	simm.s32 @!p1 $0x4800  }
0x117: {  	[tilespmem:s3], [sflag:$0xD] =	stream.indirect.gather @!p1 [hbm4b:s0+s17], $0x80, s8, s17, $0xb8;
	[tilespmem:$0x1C080] =	vst v63  }
0x118: {  	s3 =	simm.s32 @!p1 $0xE  }
0x119: {  	_ =	swait.ge @!p1 [sflag:s3], $0xC80  }
0x11a: {  	[sflag:s3] =	ssyncset.done @!p1 $0x0  }
0x11b: {  	s8 =	simm.s32 @!p1 $0x5800;
	[sflag:s3] =	ssyncadd.s32 @!p1 $0xFFFFF380;
	s3 =	simm.s32 @!p1 $0x680  }
0x11c: {  	[spmem:s20] =	stream.indirect.scatter.add.f32 @!p1 [tilespmem:s8], [sflag:$0x11], $0x80, s3, s17, $0xb8;
	[tilespmem:$0x1C080] =	vst v63  }
0x11d: {  	_ =	swait.ge @!p1 [sflag:s6], $0xC80  }
0x11e: {  	[sflag:s6] =	ssyncset.done @!p1 $0x0  }
0x11f: {  	s15 =	simm.s32 @!p1 $0x280;
	[sflag:s6] =	ssyncadd.s32 @!p1 $0xFFFFF380;
	s6 =	sadd.s32 @!p1 $0x50, s24  }
0x120: {  	[tilespmem:s15], [sflag:$0x6] =	stream.linear.gather @!p1 [hbm4b:s6+s23], $0x80, $0x38;
	[tilespmem:$0x1C080] =	vst v63  }
0x121: {  	s6 =	sadd.s32 @!p1 $0x50, s25  }
0x122: {  	[tilespmem:s3], [sflag:$0x6] =	stream.linear.gather @!p1 [hbm4b:s6+s23], $0x80, $0x38;
	[tilespmem:$0x1C080] =	vst v63  }
0x123: {  	s3 =	simm.s32 @!p1 $0x6  }
0x124: {  	_ =	swait.ge @!p1 [sflag:s3], $0x80  }
0x125: {  	[sflag:s3] =	ssyncset.done @!p1 $0x0  }
0x126: {  	[sflag:s3] =	ssyncadd.s32 @!p1 $0xFFFFFF80  }
0x127: {  	_ =	swait.ge @!p1 [sflag:s3], $0x80  }
0x128: {  	[sflag:s3] =	ssyncset.done @!p1 $0x0  }
0x129: {  	[sflag:s3] =	ssyncadd.s32 @!p1 $0xFFFFFF80  }
0x12a: {  	[tilespmem:s8], [sflag:$0xE] =	stream.indirect.gather @!p1 [hbm4b:s0+s17], $0x80, s15, s17, $0xb8;
	[tilespmem:$0x1C080] =	vst v63  }
0x12b: {  	_ =	swait.ge [sflag:s13], $0xC80  }
0x12c: {  	[sflag:s13] =	ssyncset.done $0x0  }
.Ltmp2:
0x12d: {  	[sflag:s13] =	ssyncadd.s32 $0xFFFFF380;
	(pc) =	sbr.rel @p1 .LBB2_4-.Ltmp2, $4  }
0x12e: {  	[spmem:s20] =	stream.indirect.scatter.add.f32 [tilespmem:s2], [sflag:$0x11], $0x80, s9, s14, $0xb8;
	[tilespmem:$0x1C080] =	vst v63  }
0x12f: {  	_ =	swait.ge [sflag:s12], $0xC80  }
0x130: {  	[sflag:s12] =	ssyncset.done $0x0  }
0x131: {  	[sflag:s12] =	ssyncadd.s32 $0xFFFFF380  }
0x132: {  	s3 =	sadd.s32 s26, s21  }
0x133: {  	s15 =	simm.s32 $0x300;
	s25 =	sadd.s32 s26, s22;
	s6 =	sadd.s32 $0x60, s3  }
0x134: {  	[tilespmem:s15], [sflag:$0x7] =	stream.linear.gather [hbm4b:s6+s1], $0x80, $0x38;
	[tilespmem:$0x1C080] =	vst v63  }
0x135: {  	s8 =	sadd.s32 $0x60, s25  }
0x136: {  	[tilespmem:s9], [sflag:$0x7] =	stream.linear.gather [hbm4b:s8+s1], $0x80, $0x38;
	[tilespmem:$0x1C080] =	vst v63  }
0x137: {  	_ =	swait.ge [sflag:s28], $0x80  }
0x138: {  	[sflag:s28] =	ssyncset.done $0x0  }
0x139: {  	[sflag:s28] =	ssyncadd.s32 $0xFFFFFF80  }
0x13a: {  	_ =	swait.ge [sflag:s28], $0x80  }
0x13b: {  	[sflag:s28] =	ssyncset.done $0x0  }
0x13c: {  	[sflag:s28] =	ssyncadd.s32 $0xFFFFFF80  }
0x13d: {  	[tilespmem:s2], [sflag:$0xF] =	stream.indirect.gather [hbm4b:s0+s14], $0x80, s15, s14, $0xb8;
	[tilespmem:$0x1C080] =	vst v63  }
0x13e: {  	_ =	swait.ge [sflag:s16], $0xC80  }
0x13f: {  	[sflag:s16] =	ssyncset.done $0x0  }
0x140: {  	[sflag:s16] =	ssyncadd.s32 $0xFFFFF380  }
0x141: {  	[spmem:s20] =	stream.indirect.scatter.add.f32 [tilespmem:s30], [sflag:$0x11], $0x80, s11, s14, $0xb8;
	[tilespmem:$0x1C080] =	vst v63  }
0x142: {  	_ =	swait.ge [sflag:s12], $0xC80  }
0x143: {  	[sflag:s12] =	ssyncset.done $0x0  }
0x144: {  	s3 =	sadd.s32 $0x70, s3;
	[sflag:s12] =	ssyncadd.s32 $0xFFFFF380  }
0x145: {  	[tilespmem:s10], [sflag:$0x8] =	stream.linear.gather [hbm4b:s3+s1], $0x80, $0x38;
	[tilespmem:$0x1C080] =	vst v63  }
0x146: {  	s31 =	sadd.s32 $0x70, s25  }
0x147: {  	[tilespmem:s11], [sflag:$0x8] =	stream.linear.gather [hbm4b:s31+s1], $0x80, $0x38;
	[tilespmem:$0x1C080] =	vst v63  }
0x148: {  	_ =	swait.ge [sflag:s29], $0x80  }
0x149: {  	[sflag:s29] =	ssyncset.done $0x0  }
.Ltmp3:
0x14a: {  	[sflag:s29] =	ssyncadd.s32 $0xFFFFFF80;
	(pc) =	sbr.rel .LBB2_2-.Ltmp3, $4  }
0x14b: {  	_ =	swait.ge [sflag:s29], $0x80  }
0x14c: {  	[sflag:s29] =	ssyncset.done $0x0  }
0x14d: {  	s26 =	sadd.s32 $0x80, s26;
	[sflag:s29] =	ssyncadd.s32 $0xFFFFFF80  }
0x14e: {  	[tilespmem:s30], [sflag:$0x10] =	stream.indirect.gather [hbm4b:s0+s14], $0x80, s10, s14, $0xb8;
	[tilespmem:$0x1C080] =	vst v63  }
.LBB2_5:
0x14f: {  	_ =	sfence.sel $0x180000  }
0x150: {  	[bflag:$0x0] =	sbarrier.arrive $0xFFFF  }
0x151: {  	_ =	strace $0x90000047  }
0x152: {  	[bflag:$0x2] =	sbarrier.arrive $0xFFFF  }
0x153: {  	s0 =	rddreg [dreg:$0x3]  }
0x154: {  	s0 =	sadd.s32 @!p0 $0x100000, s0  }
0x155: {  	[sflag:s0] =	ssyncadd.tile.s32 @!p0 $0x1;
	_ =	shalt  }
.Lfunc_end2:
_tile_overlayer_lowered:
.L_overlay_start_2:
0x156: {  	(tag) =	ssettag $0x2  }
0x157: {  	s0 =	rddreg [dreg:$0x0];
	s2 =	stileid.u32  }
0x158: {  	s1 =	rddreg [dreg:$0x1];
	p0 =	sne.s32 s2, $0x0  }
0x159: {  	s3 =	rddreg [dreg:$0x2];
	[bflag:$0x3] =	sbarrier.arrive $0xFFFF;
	s2 =	simm.s32 @!p0 $0x1C11  }
0x15a: {  	[timem:s3], [sflag:s2] =	dma.local @!p0 [hbm:s0], s1  }
0x15b: {  	s0 =	simm.s32 @!p0 $0x11  }
0x15c: {  	_ =	swait.ge @!p0 [sflag:s0], s1  }
0x15d: {  	s1 =	ssub.s32 @!p0 $0x0, s1;
	[sflag:s0] =	ssyncset.done @!p0 $0x0  }
0x15e: {  	[sflag:s0] =	ssyncadd.s32 @!p0 s1  }
0x15f: {  	[bflag:$0x3] =	sbarrier.arrive $0xFFFF  }
0x160: {  	_ =	shalt  }

</sc_bundles>
